<compile_context>
chip_gen: v7x
topology: tpu7x:2x2x1
jax: 0.10.2.dev20260603
libtpu: 0.0.44.dev20260713+nightly
codegen_flags: <defaults>
</compile_context>

<pallas_src>
import functools

import jax
import jax.numpy as jnp
from jax import lax
from jax.experimental import pallas as pl
from jax.experimental.pallas import tpu as pltpu
from jax.experimental.pallas import tpu_sc as plsc

N_EMB = 16
N_VXG = 1000000
B = 16384
L = 200
N = B * L

K_PHASES = 5
L_PH = L // K_PHASES
N_PH = L_PH * B

NC = 2
NS = 16
NW = NC * NS
N_PER_W = N_PH // NW
CHUNK = 10240
N_CHUNKS = N_PER_W // CHUNK

B_BLK = 2048
GRID = B // B_BLK


def _sc_gather(phase, ixs_hbm, eff_hbm, out_hbm,
               idx_v0, idx_v1, val_v0, val_v1, eff_sh,
               sem_i0, sem_i1, sem_g, sem_o0, sem_o1):
    sid = lax.axis_index("s")
    wid = sid * NC + lax.axis_index("c")
    base = phase * N_PH + wid * N_PER_W
    obase = wid * N_PER_W

    @pl.when(sid == 0)
    def _():
        pltpu.sync_copy(eff_hbm, eff_sh)

    idx = [idx_v0, idx_v1]
    val = [val_v0, val_v1]
    sem_i = [sem_i0, sem_i1]
    sem_o = [sem_o0, sem_o1]

    pltpu.async_copy(ixs_hbm.at[pl.ds(base, CHUNK)], idx_v0, sem_i0)
    plsc.subcore_barrier()

    for ci in range(N_CHUNKS):
        cur = ci % 2
        nxt = 1 - cur
        if ci + 1 < N_CHUNKS:
            pltpu.async_copy(
                ixs_hbm.at[pl.ds(base + (ci + 1) * CHUNK, CHUNK)],
                idx[nxt], sem_i[nxt])
        pltpu.make_async_copy(
            ixs_hbm.at[pl.ds(base + ci * CHUNK, CHUNK)],
            idx[cur], sem_i[cur]).wait()
        if ci >= 2:
            pltpu.make_async_copy(
                val[cur], out_hbm.at[pl.ds(obase + (ci - 2) * CHUNK, CHUNK)],
                sem_o[cur]).wait()
        pltpu.async_copy(eff_sh.at[idx[cur]], val[cur], sem_g).wait()
        pltpu.async_copy(
            val[cur], out_hbm.at[pl.ds(obase + ci * CHUNK, CHUNK)],
            sem_o[cur])

    for ci in range(max(N_CHUNKS - 2, 0), N_CHUNKS):
        cur = ci % 2
        pltpu.make_async_copy(
            val[cur], out_hbm.at[pl.ds(obase + ci * CHUNK, CHUNK)],
            sem_o[cur]).wait()


def _tc_body(x_ref, g_ref, w_ref, b_ref, *rest):
    o_ref = rest[-1]
    acc = x_ref[:, 0, :] * w_ref[0]
    for k in range(1, N_EMB):
        acc = acc + x_ref[:, k, :] * w_ref[k]
    o_ref[...] = jnp.exp(acc + b_ref[0]) * g_ref[...]


def kernel(variantxgene_embedding, variantxgene_ixs, W, b, variantxgene_effect):
    ixs_raw = (variantxgene_ixs.T.reshape(L // 8, 8, B // 128, 128)
               .transpose(0, 2, 1, 3).reshape(N).astype(jnp.int32))
    x_t = jnp.transpose(variantxgene_embedding, (1, 2, 0))

    mesh = plsc.VectorSubcoreMesh(core_axis_name="c", subcore_axis_name="s")
    acc = None
    for k in range(K_PHASES):
        gather_run = functools.partial(
            pl.kernel,
            mesh=mesh,
            out_type=jax.ShapeDtypeStruct((N_PH,), jnp.float32),
            scratch_types=[
                pltpu.VMEM((CHUNK,), jnp.int32),
                pltpu.VMEM((CHUNK,), jnp.int32),
                pltpu.VMEM((CHUNK,), jnp.float32),
                pltpu.VMEM((CHUNK,), jnp.float32),
                pltpu.VMEM_SHARED((N_VXG,), jnp.float32),
                pltpu.SemaphoreType.DMA,
                pltpu.SemaphoreType.DMA,
                pltpu.SemaphoreType.DMA,
                pltpu.SemaphoreType.DMA,
                pltpu.SemaphoreType.DMA,
            ],
        )(functools.partial(_sc_gather, k))
        gathered = gather_run(ixs_raw, variantxgene_effect)
        g_t = (gathered.reshape(L_PH // 8, B // 128, 8, 128)
               .transpose(0, 2, 1, 3).reshape(L_PH, B))

        in_specs = [
            pl.BlockSpec((L_PH, N_EMB, B_BLK),
                         functools.partial(lambda k, i: (k, 0, i), k)),
            pl.BlockSpec((L_PH, B_BLK), lambda i: (0, i)),
            pl.BlockSpec(memory_space=pltpu.SMEM),
            pl.BlockSpec(memory_space=pltpu.SMEM),
        ]
        args = [x_t, g_t, W.reshape(N_EMB), b]
        aliases = {}
        if acc is not None:
            in_specs.append(pl.BlockSpec(memory_space=pl.ANY))
            args.append(acc)
            aliases = {4: 0}
        acc = pl.pallas_call(
            _tc_body,
            grid=(GRID,),
            in_specs=in_specs,
            out_specs=pl.BlockSpec(
                (L_PH, B_BLK),
                functools.partial(lambda k, i: (k, i), k)),
            out_shape=jax.ShapeDtypeStruct((L, B), jnp.float32),
            input_output_aliases=aliases,
        )(*args)

    return acc.T

# --- scband reference (transcript-rebuilt; emitter-appended) ---
"""Pipeline reference for scband-effect-predictor-linear-16673063043582 (READ-ONLY COPY).

The authoritative reference and input builder live on the scoring server;
editing this copy changes nothing except your own understanding.
"""

import jax, jax.numpy as jnp
import numpy as np

N_EMB = 16
N_VXG = 1000000
B = 16384
L = 200


def setup_inputs(seed: int = 0) -> dict:
    key = jax.random.key(seed)
    k1, k2, k3, k4, k5 = jax.random.split(key, 5)
    variantxgene_embedding = jax.random.normal(k1, (B, L, N_EMB), dtype=jnp.float32)
    variantxgene_ixs = jax.random.randint(k2, (B, L), 0, N_VXG, dtype=jnp.int64 if jax.config.jax_enable_x64 else jnp.int32)
    # learned parameters (module zero-inits; use small random values for nontrivial numerics)
    W = jax.random.normal(k3, (1, N_EMB), dtype=jnp.float32) * 0.02
    b = jax.random.normal(k4, (1,), dtype=jnp.float32) * 0.02
    variantxgene_effect = jax.random.normal(k5, (N_VXG,), dtype=jnp.float32) * 0.02
    return {
        "variantxgene_embedding": variantxgene_embedding,
        "variantxgene_ixs": variantxgene_ixs,
        "W": W,
        "b": b,
        "variantxgene_effect": variantxgene_effect,
    }


def reference(variantxgene_embedding, variantxgene_ixs, W, b, variantxgene_effect):
    # prioritization = exp(Linear(emb).squeeze(-1))
    logits = jnp.einsum('blk,ok->blo', variantxgene_embedding, W) + b  # [B, L, 1]
    prioritization = jnp.exp(jnp.squeeze(logits, -1))  # [B, L]
    # effect = variantxgene_effect[ixs] * prioritization  (gather over 1M-row table)
    effect = jnp.take(variantxgene_effect, variantxgene_ixs, axis=0) * prioritization
    return effect

if __name__ == "__main__":
    import jax
    _d = setup_inputs()
    print(jax.jit(kernel)(*tuple(_d.values())))

</pallas_src>

<mosaic_0001>
#map = affine_map<(d0, d1) -> (0)>
module attributes {stable_mosaic.version = 14 : i64} {
  func.func @_sc_gather(%arg0: i32, %arg1: i32, %arg2: memref<3276800xi32, #tpu.memory_space<hbm>>, %arg3: memref<1000000xf32, #tpu.memory_space<hbm>>, %arg4: memref<655360xf32, #tpu.memory_space<hbm>>, %arg5: memref<10240xi32, #tpu.memory_space<vmem>>, %arg6: memref<10240xi32, #tpu.memory_space<vmem>>, %arg7: memref<10240xf32, #tpu.memory_space<vmem>>, %arg8: memref<10240xf32, #tpu.memory_space<vmem>>, %arg9: memref<1000000xf32, #tpu.memory_space<vmem_shared>>, %arg10: memref<!tpu.dma_semaphore, #tpu.memory_space<semaphore_mem>>, %arg11: memref<!tpu.dma_semaphore, #tpu.memory_space<semaphore_mem>>, %arg12: memref<!tpu.dma_semaphore, #tpu.memory_space<semaphore_mem>>, %arg13: memref<!tpu.dma_semaphore, #tpu.memory_space<semaphore_mem>>, %arg14: memref<!tpu.dma_semaphore, #tpu.memory_space<semaphore_mem>>) attributes {dimension_semantics = [#tpu.dimension_semantics<core_parallel>, #tpu.dimension_semantics<subcore_parallel>], iteration_bounds = array<i64: 2, 16>, scalar_prefetch = 0 : i64, scratch_operands = 10 : i64, tpu.core_type = #tpu.core_type<sc_vector_subcore>, window_params = [{transform_indices = #map}, {transform_indices = #map}, {transform_indices = #map}]} {
    %mul3A = arith.constant 2 : i32
    %mul3A_0 = arith.muli %arg1, %mul3A : i32
    %add3A = arith.addi %mul3A_0, %arg0 : i32
    %mul3A_1 = arith.constant 20480 : i32
    %mul3A_2 = arith.muli %add3A, %mul3A_1 : i32
    %add3A_3 = arith.constant 655360 : i32
    %add3A_4 = arith.addi %add3A_3, %mul3A_2 : i32
    %mul3A_5 = arith.constant 20480 : i32
    %mul3A_6 = arith.muli %add3A, %mul3A_5 : i32
    %eq3A = arith.constant 0 : i32
    %eq3A_7 = arith.cmpi eq, %arg1, %eq3A : i32
    %convert_element_type3A = arith.extui %eq3A_7 : i1 to i32
    %cond3A = arith.constant 0 : i32
    %cond3A_8 = arith.cmpi ne, %convert_element_type3A, %cond3A : i32
    scf.if %cond3A_8 {
      "tpu.region"() ({
        %run_scoped3A = tpu.sem_alloc : memref<!tpu.dma_semaphore, #tpu.memory_space<semaphore_mem>>
        tpu.enqueue_dma source(%arg3 : memref<1000000xf32, #tpu.memory_space<hbm>>) target(%arg9 : memref<1000000xf32, #tpu.memory_space<vmem_shared>>) target_semaphore(%run_scoped3A : memref<!tpu.dma_semaphore, #tpu.memory_space<semaphore_mem>>)
        tpu.wait_dma2 semaphore(%run_scoped3A : memref<!tpu.dma_semaphore, #tpu.memory_space<semaphore_mem>>) src(%arg3 : memref<1000000xf32, #tpu.memory_space<hbm>>) dst(%arg9 : memref<1000000xf32, #tpu.memory_space<vmem_shared>>)
        tpu.yield
      }) : () -> ()
    } else {
    }
    %dma_start3A = tpu.memref_slice %arg2[%add3A_4] : memref<3276800xi32, #tpu.memory_space<hbm>> -> memref<10240xi32, #tpu.memory_space<hbm>>
    %dma_start3A_9 = tpu.memref_slice %arg2[%add3A_4] : memref<3276800xi32, #tpu.memory_space<hbm>> -> memref<10240xi32, #tpu.memory_space<hbm>>
    tpu.enqueue_dma source(%dma_start3A_9 : memref<10240xi32, #tpu.memory_space<hbm>>) target(%arg5 : memref<10240xi32, #tpu.memory_space<vmem>>) target_semaphore(%arg10 : memref<!tpu.dma_semaphore, #tpu.memory_space<semaphore_mem>>)
    %barrier3A = arith.constant 0 : index
    tpu.barrier barrier_id(%barrier3A)
    %add3A_10 = arith.constant 10240 : i32
    %add3A_11 = arith.addi %add3A_4, %add3A_10 : i32
    %dma_start3A_12 = tpu.memref_slice %arg2[%add3A_11] : memref<3276800xi32, #tpu.memory_space<hbm>> -> memref<10240xi32, #tpu.memory_space<hbm>>
    %dma_start3A_13 = tpu.memref_slice %arg2[%add3A_11] : memref<3276800xi32, #tpu.memory_space<hbm>> -> memref<10240xi32, #tpu.memory_space<hbm>>
    tpu.enqueue_dma source(%dma_start3A_13 : memref<10240xi32, #tpu.memory_space<hbm>>) target(%arg6 : memref<10240xi32, #tpu.memory_space<vmem>>) target_semaphore(%arg11 : memref<!tpu.dma_semaphore, #tpu.memory_space<semaphore_mem>>)
    %add3A_14 = arith.constant 0 : i32
    %add3A_15 = arith.addi %add3A_4, %add3A_14 : i32
    %dma_wait3A = tpu.memref_slice %arg2[%add3A_15] : memref<3276800xi32, #tpu.memory_space<hbm>> -> memref<10240xi32, #tpu.memory_space<hbm>>
    %dma_wait3A_16 = tpu.memref_slice %arg2[%add3A_15] : memref<3276800xi32, #tpu.memory_space<hbm>> -> memref<10240xi32, #tpu.memory_space<hbm>>
    tpu.wait_dma2 semaphore(%arg10 : memref<!tpu.dma_semaphore, #tpu.memory_space<semaphore_mem>>) src(%dma_wait3A_16 : memref<10240xi32, #tpu.memory_space<hbm>>) dst(%arg5 : memref<10240xi32, #tpu.memory_space<vmem>>)
    %dma_start3A_17 = arith.constant 0 : i32
    %dma_start3A_18 = tpu.memref_slice %arg9[%dma_start3A_17] : memref<1000000xf32, #tpu.memory_space<vmem_shared>> -> memref<1000000xf32, #tpu.memory_space<vmem_shared>>
    tpu.enqueue_indirect_dma source(%dma_start3A_18 : memref<1000000xf32, #tpu.memory_space<vmem_shared>>) target(%arg7 : memref<10240xf32, #tpu.memory_space<vmem>>) offsets(%arg5 : memref<10240xi32, #tpu.memory_space<vmem>>) semaphore(%arg12 : memref<!tpu.dma_semaphore, #tpu.memory_space<semaphore_mem>>)
    %dma_wait3A_19 = arith.constant 0 : i32
    %dma_wait3A_20 = tpu.memref_slice %arg9[%dma_wait3A_19] : memref<1000000xf32, #tpu.memory_space<vmem_shared>> -> memref<1000000xf32, #tpu.memory_space<vmem_shared>>
    tpu.wait_indirect_dma semaphore(%arg12 : memref<!tpu.dma_semaphore, #tpu.memory_space<semaphore_mem>>) src(%dma_wait3A_20 : memref<1000000xf32, #tpu.memory_space<vmem_shared>>) dst(%arg7 : memref<10240xf32, #tpu.memory_space<vmem>>)
    %add3A_21 = arith.constant 0 : i32
    %add3A_22 = arith.addi %mul3A_6, %add3A_21 : i32
    %dma_start3A_23 = tpu.memref_slice %arg4[%add3A_22] : memref<655360xf32, #tpu.memory_space<hbm>> -> memref<10240xf32, #tpu.memory_space<hbm>>
    %dma_start3A_24 = tpu.memref_slice %arg4[%add3A_22] : memref<655360xf32, #tpu.memory_space<hbm>> -> memref<10240xf32, #tpu.memory_space<hbm>>
    tpu.enqueue_dma source(%arg7 : memref<10240xf32, #tpu.memory_space<vmem>>) target(%dma_start3A_24 : memref<10240xf32, #tpu.memory_space<hbm>>) target_semaphore(%arg13 : memref<!tpu.dma_semaphore, #tpu.memory_space<semaphore_mem>>)
    %add3A_25 = arith.constant 10240 : i32
    %add3A_26 = arith.addi %add3A_4, %add3A_25 : i32
    %dma_wait3A_27 = tpu.memref_slice %arg2[%add3A_26] : memref<3276800xi32, #tpu.memory_space<hbm>> -> memref<10240xi32, #tpu.memory_space<hbm>>
    %dma_wait3A_28 = tpu.memref_slice %arg2[%add3A_26] : memref<3276800xi32, #tpu.memory_space<hbm>> -> memref<10240xi32, #tpu.memory_space<hbm>>
    tpu.wait_dma2 semaphore(%arg11 : memref<!tpu.dma_semaphore, #tpu.memory_space<semaphore_mem>>) src(%dma_wait3A_28 : memref<10240xi32, #tpu.memory_space<hbm>>) dst(%arg6 : memref<10240xi32, #tpu.memory_space<vmem>>)
    %dma_start3A_29 = arith.constant 0 : i32
    %dma_start3A_30 = tpu.memref_slice %arg9[%dma_start3A_29] : memref<1000000xf32, #tpu.memory_space<vmem_shared>> -> memref<1000000xf32, #tpu.memory_space<vmem_shared>>
    tpu.enqueue_indirect_dma source(%dma_start3A_30 : memref<1000000xf32, #tpu.memory_space<vmem_shared>>) target(%arg8 : memref<10240xf32, #tpu.memory_space<vmem>>) offsets(%arg6 : memref<10240xi32, #tpu.memory_space<vmem>>) semaphore(%arg12 : memref<!tpu.dma_semaphore, #tpu.memory_space<semaphore_mem>>)
    %dma_wait3A_31 = arith.constant 0 : i32
    %dma_wait3A_32 = tpu.memref_slice %arg9[%dma_wait3A_31] : memref<1000000xf32, #tpu.memory_space<vmem_shared>> -> memref<1000000xf32, #tpu.memory_space<vmem_shared>>
    tpu.wait_indirect_dma semaphore(%arg12 : memref<!tpu.dma_semaphore, #tpu.memory_space<semaphore_mem>>) src(%dma_wait3A_32 : memref<1000000xf32, #tpu.memory_space<vmem_shared>>) dst(%arg8 : memref<10240xf32, #tpu.memory_space<vmem>>)
    %add3A_33 = arith.constant 10240 : i32
    %add3A_34 = arith.addi %mul3A_6, %add3A_33 : i32
    %dma_start3A_35 = tpu.memref_slice %arg4[%add3A_34] : memref<655360xf32, #tpu.memory_space<hbm>> -> memref<10240xf32, #tpu.memory_space<hbm>>
    %dma_start3A_36 = tpu.memref_slice %arg4[%add3A_34] : memref<655360xf32, #tpu.memory_space<hbm>> -> memref<10240xf32, #tpu.memory_space<hbm>>
    tpu.enqueue_dma source(%arg8 : memref<10240xf32, #tpu.memory_space<vmem>>) target(%dma_start3A_36 : memref<10240xf32, #tpu.memory_space<hbm>>) target_semaphore(%arg14 : memref<!tpu.dma_semaphore, #tpu.memory_space<semaphore_mem>>)
    %add3A_37 = arith.constant 0 : i32
    %add3A_38 = arith.addi %mul3A_6, %add3A_37 : i32
    %dma_wait3A_39 = tpu.memref_slice %arg4[%add3A_38] : memref<655360xf32, #tpu.memory_space<hbm>> -> memref<10240xf32, #tpu.memory_space<hbm>>
    %dma_wait3A_40 = tpu.memref_slice %arg4[%add3A_38] : memref<655360xf32, #tpu.memory_space<hbm>> -> memref<10240xf32, #tpu.memory_space<hbm>>
    tpu.wait_dma2 semaphore(%arg13 : memref<!tpu.dma_semaphore, #tpu.memory_space<semaphore_mem>>) src(%arg7 : memref<10240xf32, #tpu.memory_space<vmem>>) dst(%dma_wait3A_40 : memref<10240xf32, #tpu.memory_space<hbm>>)
    %add3A_41 = arith.constant 10240 : i32
    %add3A_42 = arith.addi %mul3A_6, %add3A_41 : i32
    %dma_wait3A_43 = tpu.memref_slice %arg4[%add3A_42] : memref<655360xf32, #tpu.memory_space<hbm>> -> memref<10240xf32, #tpu.memory_space<hbm>>
    %dma_wait3A_44 = tpu.memref_slice %arg4[%add3A_42] : memref<655360xf32, #tpu.memory_space<hbm>> -> memref<10240xf32, #tpu.memory_space<hbm>>
    tpu.wait_dma2 semaphore(%arg14 : memref<!tpu.dma_semaphore, #tpu.memory_space<semaphore_mem>>) src(%arg8 : memref<10240xf32, #tpu.memory_space<vmem>>) dst(%dma_wait3A_44 : memref<10240xf32, #tpu.memory_space<hbm>>)
    return
  }
}

#map = affine_map<(d0, d1) -> (0)>
module attributes {stable_mosaic.version = 14 : i64} {
  func.func @_sc_gather(%arg0: i32, %arg1: i32, %arg2: memref<3276800xi32, #tpu.memory_space<hbm>>, %arg3: memref<1000000xf32, #tpu.memory_space<hbm>>, %arg4: memref<655360xf32, #tpu.memory_space<hbm>>, %arg5: memref<10240xi32, #tpu.memory_space<vmem>>, %arg6: memref<10240xi32, #tpu.memory_space<vmem>>, %arg7: memref<10240xf32, #tpu.memory_space<vmem>>, %arg8: memref<10240xf32, #tpu.memory_space<vmem>>, %arg9: memref<1000000xf32, #tpu.memory_space<vmem_shared>>, %arg10: memref<!tpu.dma_semaphore, #tpu.memory_space<semaphore_mem>>, %arg11: memref<!tpu.dma_semaphore, #tpu.memory_space<semaphore_mem>>, %arg12: memref<!tpu.dma_semaphore, #tpu.memory_space<semaphore_mem>>, %arg13: memref<!tpu.dma_semaphore, #tpu.memory_space<semaphore_mem>>, %arg14: memref<!tpu.dma_semaphore, #tpu.memory_space<semaphore_mem>>) attributes {dimension_semantics = [#tpu.dimension_semantics<core_parallel>, #tpu.dimension_semantics<subcore_parallel>], iteration_bounds = array<i64: 2, 16>, scalar_prefetch = 0 : i64, scratch_operands = 10 : i64, tpu.core_type = #tpu.core_type<sc_vector_subcore>, window_params = [{transform_indices = #map}, {transform_indices = #map}, {transform_indices = #map}]} {
    %mul3A = arith.constant 2 : i32
    %mul3A_0 = arith.muli %arg1, %mul3A : i32
    %add3A = arith.addi %mul3A_0, %arg0 : i32
    %mul3A_1 = arith.constant 20480 : i32
    %mul3A_2 = arith.muli %add3A, %mul3A_1 : i32
    %add3A_3 = arith.constant 0 : i32
    %add3A_4 = arith.addi %add3A_3, %mul3A_2 : i32
    %mul3A_5 = arith.constant 20480 : i32
    %mul3A_6 = arith.muli %add3A, %mul3A_5 : i32
    %eq3A = arith.constant 0 : i32
    %eq3A_7 = arith.cmpi eq, %arg1, %eq3A : i32
    %convert_element_type3A = arith.extui %eq3A_7 : i1 to i32
    %cond3A = arith.constant 0 : i32
    %cond3A_8 = arith.cmpi ne, %convert_element_type3A, %cond3A : i32
    scf.if %cond3A_8 {
      "tpu.region"() ({
        %run_scoped3A = tpu.sem_alloc : memref<!tpu.dma_semaphore, #tpu.memory_space<semaphore_mem>>
        tpu.enqueue_dma source(%arg3 : memref<1000000xf32, #tpu.memory_space<hbm>>) target(%arg9 : memref<1000000xf32, #tpu.memory_space<vmem_shared>>) target_semaphore(%run_scoped3A : memref<!tpu.dma_semaphore, #tpu.memory_space<semaphore_mem>>)
        tpu.wait_dma2 semaphore(%run_scoped3A : memref<!tpu.dma_semaphore, #tpu.memory_space<semaphore_mem>>) src(%arg3 : memref<1000000xf32, #tpu.memory_space<hbm>>) dst(%arg9 : memref<1000000xf32, #tpu.memory_space<vmem_shared>>)
        tpu.yield
      }) : () -> ()
    } else {
    }
    %dma_start3A = tpu.memref_slice %arg2[%add3A_4] : memref<3276800xi32, #tpu.memory_space<hbm>> -> memref<10240xi32, #tpu.memory_space<hbm>>
    %dma_start3A_9 = tpu.memref_slice %arg2[%add3A_4] : memref<3276800xi32, #tpu.memory_space<hbm>> -> memref<10240xi32, #tpu.memory_space<hbm>>
    tpu.enqueue_dma source(%dma_start3A_9 : memref<10240xi32, #tpu.memory_space<hbm>>) target(%arg5 : memref<10240xi32, #tpu.memory_space<vmem>>) target_semaphore(%arg10 : memref<!tpu.dma_semaphore, #tpu.memory_space<semaphore_mem>>)
    %barrier3A = arith.constant 0 : index
    tpu.barrier barrier_id(%barrier3A)
    %add3A_10 = arith.constant 10240 : i32
    %add3A_11 = arith.addi %add3A_4, %add3A_10 : i32
    %dma_start3A_12 = tpu.memref_slice %arg2[%add3A_11] : memref<3276800xi32, #tpu.memory_space<hbm>> -> memref<10240xi32, #tpu.memory_space<hbm>>
    %dma_start3A_13 = tpu.memref_slice %arg2[%add3A_11] : memref<3276800xi32, #tpu.memory_space<hbm>> -> memref<10240xi32, #tpu.memory_space<hbm>>
    tpu.enqueue_dma source(%dma_start3A_13 : memref<10240xi32, #tpu.memory_space<hbm>>) target(%arg6 : memref<10240xi32, #tpu.memory_space<vmem>>) target_semaphore(%arg11 : memref<!tpu.dma_semaphore, #tpu.memory_space<semaphore_mem>>)
    %add3A_14 = arith.constant 0 : i32
    %add3A_15 = arith.addi %add3A_4, %add3A_14 : i32
    %dma_wait3A = tpu.memref_slice %arg2[%add3A_15] : memref<3276800xi32, #tpu.memory_space<hbm>> -> memref<10240xi32, #tpu.memory_space<hbm>>
    %dma_wait3A_16 = tpu.memref_slice %arg2[%add3A_15] : memref<3276800xi32, #tpu.memory_space<hbm>> -> memref<10240xi32, #tpu.memory_space<hbm>>
    tpu.wait_dma2 semaphore(%arg10 : memref<!tpu.dma_semaphore, #tpu.memory_space<semaphore_mem>>) src(%dma_wait3A_16 : memref<10240xi32, #tpu.memory_space<hbm>>) dst(%arg5 : memref<10240xi32, #tpu.memory_space<vmem>>)
    %dma_start3A_17 = arith.constant 0 : i32
    %dma_start3A_18 = tpu.memref_slice %arg9[%dma_start3A_17] : memref<1000000xf32, #tpu.memory_space<vmem_shared>> -> memref<1000000xf32, #tpu.memory_space<vmem_shared>>
    tpu.enqueue_indirect_dma source(%dma_start3A_18 : memref<1000000xf32, #tpu.memory_space<vmem_shared>>) target(%arg7 : memref<10240xf32, #tpu.memory_space<vmem>>) offsets(%arg5 : memref<10240xi32, #tpu.memory_space<vmem>>) semaphore(%arg12 : memref<!tpu.dma_semaphore, #tpu.memory_space<semaphore_mem>>)
    %dma_wait3A_19 = arith.constant 0 : i32
    %dma_wait3A_20 = tpu.memref_slice %arg9[%dma_wait3A_19] : memref<1000000xf32, #tpu.memory_space<vmem_shared>> -> memref<1000000xf32, #tpu.memory_space<vmem_shared>>
    tpu.wait_indirect_dma semaphore(%arg12 : memref<!tpu.dma_semaphore, #tpu.memory_space<semaphore_mem>>) src(%dma_wait3A_20 : memref<1000000xf32, #tpu.memory_space<vmem_shared>>) dst(%arg7 : memref<10240xf32, #tpu.memory_space<vmem>>)
    %add3A_21 = arith.constant 0 : i32
    %add3A_22 = arith.addi %mul3A_6, %add3A_21 : i32
    %dma_start3A_23 = tpu.memref_slice %arg4[%add3A_22] : memref<655360xf32, #tpu.memory_space<hbm>> -> memref<10240xf32, #tpu.memory_space<hbm>>
    %dma_start3A_24 = tpu.memref_slice %arg4[%add3A_22] : memref<655360xf32, #tpu.memory_space<hbm>> -> memref<10240xf32, #tpu.memory_space<hbm>>
    tpu.enqueue_dma source(%arg7 : memref<10240xf32, #tpu.memory_space<vmem>>) target(%dma_start3A_24 : memref<10240xf32, #tpu.memory_space<hbm>>) target_semaphore(%arg13 : memref<!tpu.dma_semaphore, #tpu.memory_space<semaphore_mem>>)
    %add3A_25 = arith.constant 10240 : i32
    %add3A_26 = arith.addi %add3A_4, %add3A_25 : i32
    %dma_wait3A_27 = tpu.memref_slice %arg2[%add3A_26] : memref<3276800xi32, #tpu.memory_space<hbm>> -> memref<10240xi32, #tpu.memory_space<hbm>>
    %dma_wait3A_28 = tpu.memref_slice %arg2[%add3A_26] : memref<3276800xi32, #tpu.memory_space<hbm>> -> memref<10240xi32, #tpu.memory_space<hbm>>
    tpu.wait_dma2 semaphore(%arg11 : memref<!tpu.dma_semaphore, #tpu.memory_space<semaphore_mem>>) src(%dma_wait3A_28 : memref<10240xi32, #tpu.memory_space<hbm>>) dst(%arg6 : memref<10240xi32, #tpu.memory_space<vmem>>)
    %dma_start3A_29 = arith.constant 0 : i32
    %dma_start3A_30 = tpu.memref_slice %arg9[%dma_start3A_29] : memref<1000000xf32, #tpu.memory_space<vmem_shared>> -> memref<1000000xf32, #tpu.memory_space<vmem_shared>>
    tpu.enqueue_indirect_dma source(%dma_start3A_30 : memref<1000000xf32, #tpu.memory_space<vmem_shared>>) target(%arg8 : memref<10240xf32, #tpu.memory_space<vmem>>) offsets(%arg6 : memref<10240xi32, #tpu.memory_space<vmem>>) semaphore(%arg12 : memref<!tpu.dma_semaphore, #tpu.memory_space<semaphore_mem>>)
    %dma_wait3A_31 = arith.constant 0 : i32
    %dma_wait3A_32 = tpu.memref_slice %arg9[%dma_wait3A_31] : memref<1000000xf32, #tpu.memory_space<vmem_shared>> -> memref<1000000xf32, #tpu.memory_space<vmem_shared>>
    tpu.wait_indirect_dma semaphore(%arg12 : memref<!tpu.dma_semaphore, #tpu.memory_space<semaphore_mem>>) src(%dma_wait3A_32 : memref<1000000xf32, #tpu.memory_space<vmem_shared>>) dst(%arg8 : memref<10240xf32, #tpu.memory_space<vmem>>)
    %add3A_33 = arith.constant 10240 : i32
    %add3A_34 = arith.addi %mul3A_6, %add3A_33 : i32
    %dma_start3A_35 = tpu.memref_slice %arg4[%add3A_34] : memref<655360xf32, #tpu.memory_space<hbm>> -> memref<10240xf32, #tpu.memory_space<hbm>>
    %dma_start3A_36 = tpu.memref_slice %arg4[%add3A_34] : memref<655360xf32, #tpu.memory_space<hbm>> -> memref<10240xf32, #tpu.memory_space<hbm>>
    tpu.enqueue_dma source(%arg8 : memref<10240xf32, #tpu.memory_space<vmem>>) target(%dma_start3A_36 : memref<10240xf32, #tpu.memory_space<hbm>>) target_semaphore(%arg14 : memref<!tpu.dma_semaphore, #tpu.memory_space<semaphore_mem>>)
    %add3A_37 = arith.constant 0 : i32
    %add3A_38 = arith.addi %mul3A_6, %add3A_37 : i32
    %dma_wait3A_39 = tpu.memref_slice %arg4[%add3A_38] : memref<655360xf32, #tpu.memory_space<hbm>> -> memref<10240xf32, #tpu.memory_space<hbm>>
    %dma_wait3A_40 = tpu.memref_slice %arg4[%add3A_38] : memref<655360xf32, #tpu.memory_space<hbm>> -> memref<10240xf32, #tpu.memory_space<hbm>>
    tpu.wait_dma2 semaphore(%arg13 : memref<!tpu.dma_semaphore, #tpu.memory_space<semaphore_mem>>) src(%arg7 : memref<10240xf32, #tpu.memory_space<vmem>>) dst(%dma_wait3A_40 : memref<10240xf32, #tpu.memory_space<hbm>>)
    %add3A_41 = arith.constant 10240 : i32
    %add3A_42 = arith.addi %mul3A_6, %add3A_41 : i32
    %dma_wait3A_43 = tpu.memref_slice %arg4[%add3A_42] : memref<655360xf32, #tpu.memory_space<hbm>> -> memref<10240xf32, #tpu.memory_space<hbm>>
    %dma_wait3A_44 = tpu.memref_slice %arg4[%add3A_42] : memref<655360xf32, #tpu.memory_space<hbm>> -> memref<10240xf32, #tpu.memory_space<hbm>>
    tpu.wait_dma2 semaphore(%arg14 : memref<!tpu.dma_semaphore, #tpu.memory_space<semaphore_mem>>) src(%arg8 : memref<10240xf32, #tpu.memory_space<vmem>>) dst(%dma_wait3A_44 : memref<10240xf32, #tpu.memory_space<hbm>>)
    return
  }
}

#map = affine_map<(d0, d1) -> (0)>
module attributes {stable_mosaic.version = 14 : i64} {
  func.func @_sc_gather(%arg0: i32, %arg1: i32, %arg2: memref<3276800xi32, #tpu.memory_space<hbm>>, %arg3: memref<1000000xf32, #tpu.memory_space<hbm>>, %arg4: memref<655360xf32, #tpu.memory_space<hbm>>, %arg5: memref<10240xi32, #tpu.memory_space<vmem>>, %arg6: memref<10240xi32, #tpu.memory_space<vmem>>, %arg7: memref<10240xf32, #tpu.memory_space<vmem>>, %arg8: memref<10240xf32, #tpu.memory_space<vmem>>, %arg9: memref<1000000xf32, #tpu.memory_space<vmem_shared>>, %arg10: memref<!tpu.dma_semaphore, #tpu.memory_space<semaphore_mem>>, %arg11: memref<!tpu.dma_semaphore, #tpu.memory_space<semaphore_mem>>, %arg12: memref<!tpu.dma_semaphore, #tpu.memory_space<semaphore_mem>>, %arg13: memref<!tpu.dma_semaphore, #tpu.memory_space<semaphore_mem>>, %arg14: memref<!tpu.dma_semaphore, #tpu.memory_space<semaphore_mem>>) attributes {dimension_semantics = [#tpu.dimension_semantics<core_parallel>, #tpu.dimension_semantics<subcore_parallel>], iteration_bounds = array<i64: 2, 16>, scalar_prefetch = 0 : i64, scratch_operands = 10 : i64, tpu.core_type = #tpu.core_type<sc_vector_subcore>, window_params = [{transform_indices = #map}, {transform_indices = #map}, {transform_indices = #map}]} {
    %mul3A = arith.constant 2 : i32
    %mul3A_0 = arith.muli %arg1, %mul3A : i32
    %add3A = arith.addi %mul3A_0, %arg0 : i32
    %mul3A_1 = arith.constant 20480 : i32
    %mul3A_2 = arith.muli %add3A, %mul3A_1 : i32
    %add3A_3 = arith.constant 1966080 : i32
    %add3A_4 = arith.addi %add3A_3, %mul3A_2 : i32
    %mul3A_5 = arith.constant 20480 : i32
    %mul3A_6 = arith.muli %add3A, %mul3A_5 : i32
    %eq3A = arith.constant 0 : i32
    %eq3A_7 = arith.cmpi eq, %arg1, %eq3A : i32
    %convert_element_type3A = arith.extui %eq3A_7 : i1 to i32
    %cond3A = arith.constant 0 : i32
    %cond3A_8 = arith.cmpi ne, %convert_element_type3A, %cond3A : i32
    scf.if %cond3A_8 {
      "tpu.region"() ({
        %run_scoped3A = tpu.sem_alloc : memref<!tpu.dma_semaphore, #tpu.memory_space<semaphore_mem>>
        tpu.enqueue_dma source(%arg3 : memref<1000000xf32, #tpu.memory_space<hbm>>) target(%arg9 : memref<1000000xf32, #tpu.memory_space<vmem_shared>>) target_semaphore(%run_scoped3A : memref<!tpu.dma_semaphore, #tpu.memory_space<semaphore_mem>>)
        tpu.wait_dma2 semaphore(%run_scoped3A : memref<!tpu.dma_semaphore, #tpu.memory_space<semaphore_mem>>) src(%arg3 : memref<1000000xf32, #tpu.memory_space<hbm>>) dst(%arg9 : memref<1000000xf32, #tpu.memory_space<vmem_shared>>)
        tpu.yield
      }) : () -> ()
    } else {
    }
    %dma_start3A = tpu.memref_slice %arg2[%add3A_4] : memref<3276800xi32, #tpu.memory_space<hbm>> -> memref<10240xi32, #tpu.memory_space<hbm>>
    %dma_start3A_9 = tpu.memref_slice %arg2[%add3A_4] : memref<3276800xi32, #tpu.memory_space<hbm>> -> memref<10240xi32, #tpu.memory_space<hbm>>
    tpu.enqueue_dma source(%dma_start3A_9 : memref<10240xi32, #tpu.memory_space<hbm>>) target(%arg5 : memref<10240xi32, #tpu.memory_space<vmem>>) target_semaphore(%arg10 : memref<!tpu.dma_semaphore, #tpu.memory_space<semaphore_mem>>)
    %barrier3A = arith.constant 0 : index
    tpu.barrier barrier_id(%barrier3A)
    %add3A_10 = arith.constant 10240 : i32
    %add3A_11 = arith.addi %add3A_4, %add3A_10 : i32
    %dma_start3A_12 = tpu.memref_slice %arg2[%add3A_11] : memref<3276800xi32, #tpu.memory_space<hbm>> -> memref<10240xi32, #tpu.memory_space<hbm>>
    %dma_start3A_13 = tpu.memref_slice %arg2[%add3A_11] : memref<3276800xi32, #tpu.memory_space<hbm>> -> memref<10240xi32, #tpu.memory_space<hbm>>
    tpu.enqueue_dma source(%dma_start3A_13 : memref<10240xi32, #tpu.memory_space<hbm>>) target(%arg6 : memref<10240xi32, #tpu.memory_space<vmem>>) target_semaphore(%arg11 : memref<!tpu.dma_semaphore, #tpu.memory_space<semaphore_mem>>)
    %add3A_14 = arith.constant 0 : i32
    %add3A_15 = arith.addi %add3A_4, %add3A_14 : i32
    %dma_wait3A = tpu.memref_slice %arg2[%add3A_15] : memref<3276800xi32, #tpu.memory_space<hbm>> -> memref<10240xi32, #tpu.memory_space<hbm>>
    %dma_wait3A_16 = tpu.memref_slice %arg2[%add3A_15] : memref<3276800xi32, #tpu.memory_space<hbm>> -> memref<10240xi32, #tpu.memory_space<hbm>>
    tpu.wait_dma2 semaphore(%arg10 : memref<!tpu.dma_semaphore, #tpu.memory_space<semaphore_mem>>) src(%dma_wait3A_16 : memref<10240xi32, #tpu.memory_space<hbm>>) dst(%arg5 : memref<10240xi32, #tpu.memory_space<vmem>>)
    %dma_start3A_17 = arith.constant 0 : i32
    %dma_start3A_18 = tpu.memref_slice %arg9[%dma_start3A_17] : memref<1000000xf32, #tpu.memory_space<vmem_shared>> -> memref<1000000xf32, #tpu.memory_space<vmem_shared>>
    tpu.enqueue_indirect_dma source(%dma_start3A_18 : memref<1000000xf32, #tpu.memory_space<vmem_shared>>) target(%arg7 : memref<10240xf32, #tpu.memory_space<vmem>>) offsets(%arg5 : memref<10240xi32, #tpu.memory_space<vmem>>) semaphore(%arg12 : memref<!tpu.dma_semaphore, #tpu.memory_space<semaphore_mem>>)
    %dma_wait3A_19 = arith.constant 0 : i32
    %dma_wait3A_20 = tpu.memref_slice %arg9[%dma_wait3A_19] : memref<1000000xf32, #tpu.memory_space<vmem_shared>> -> memref<1000000xf32, #tpu.memory_space<vmem_shared>>
    tpu.wait_indirect_dma semaphore(%arg12 : memref<!tpu.dma_semaphore, #tpu.memory_space<semaphore_mem>>) src(%dma_wait3A_20 : memref<1000000xf32, #tpu.memory_space<vmem_shared>>) dst(%arg7 : memref<10240xf32, #tpu.memory_space<vmem>>)
    %add3A_21 = arith.constant 0 : i32
    %add3A_22 = arith.addi %mul3A_6, %add3A_21 : i32
    %dma_start3A_23 = tpu.memref_slice %arg4[%add3A_22] : memref<655360xf32, #tpu.memory_space<hbm>> -> memref<10240xf32, #tpu.memory_space<hbm>>
    %dma_start3A_24 = tpu.memref_slice %arg4[%add3A_22] : memref<655360xf32, #tpu.memory_space<hbm>> -> memref<10240xf32, #tpu.memory_space<hbm>>
    tpu.enqueue_dma source(%arg7 : memref<10240xf32, #tpu.memory_space<vmem>>) target(%dma_start3A_24 : memref<10240xf32, #tpu.memory_space<hbm>>) target_semaphore(%arg13 : memref<!tpu.dma_semaphore, #tpu.memory_space<semaphore_mem>>)
    %add3A_25 = arith.constant 10240 : i32
    %add3A_26 = arith.addi %add3A_4, %add3A_25 : i32
    %dma_wait3A_27 = tpu.memref_slice %arg2[%add3A_26] : memref<3276800xi32, #tpu.memory_space<hbm>> -> memref<10240xi32, #tpu.memory_space<hbm>>
    %dma_wait3A_28 = tpu.memref_slice %arg2[%add3A_26] : memref<3276800xi32, #tpu.memory_space<hbm>> -> memref<10240xi32, #tpu.memory_space<hbm>>
    tpu.wait_dma2 semaphore(%arg11 : memref<!tpu.dma_semaphore, #tpu.memory_space<semaphore_mem>>) src(%dma_wait3A_28 : memref<10240xi32, #tpu.memory_space<hbm>>) dst(%arg6 : memref<10240xi32, #tpu.memory_space<vmem>>)
    %dma_start3A_29 = arith.constant 0 : i32
    %dma_start3A_30 = tpu.memref_slice %arg9[%dma_start3A_29] : memref<1000000xf32, #tpu.memory_space<vmem_shared>> -> memref<1000000xf32, #tpu.memory_space<vmem_shared>>
    tpu.enqueue_indirect_dma source(%dma_start3A_30 : memref<1000000xf32, #tpu.memory_space<vmem_shared>>) target(%arg8 : memref<10240xf32, #tpu.memory_space<vmem>>) offsets(%arg6 : memref<10240xi32, #tpu.memory_space<vmem>>) semaphore(%arg12 : memref<!tpu.dma_semaphore, #tpu.memory_space<semaphore_mem>>)
    %dma_wait3A_31 = arith.constant 0 : i32
    %dma_wait3A_32 = tpu.memref_slice %arg9[%dma_wait3A_31] : memref<1000000xf32, #tpu.memory_space<vmem_shared>> -> memref<1000000xf32, #tpu.memory_space<vmem_shared>>
    tpu.wait_indirect_dma semaphore(%arg12 : memref<!tpu.dma_semaphore, #tpu.memory_space<semaphore_mem>>) src(%dma_wait3A_32 : memref<1000000xf32, #tpu.memory_space<vmem_shared>>) dst(%arg8 : memref<10240xf32, #tpu.memory_space<vmem>>)
    %add3A_33 = arith.constant 10240 : i32
    %add3A_34 = arith.addi %mul3A_6, %add3A_33 : i32
    %dma_start3A_35 = tpu.memref_slice %arg4[%add3A_34] : memref<655360xf32, #tpu.memory_space<hbm>> -> memref<10240xf32, #tpu.memory_space<hbm>>
    %dma_start3A_36 = tpu.memref_slice %arg4[%add3A_34] : memref<655360xf32, #tpu.memory_space<hbm>> -> memref<10240xf32, #tpu.memory_space<hbm>>
    tpu.enqueue_dma source(%arg8 : memref<10240xf32, #tpu.memory_space<vmem>>) target(%dma_start3A_36 : memref<10240xf32, #tpu.memory_space<hbm>>) target_semaphore(%arg14 : memref<!tpu.dma_semaphore, #tpu.memory_space<semaphore_mem>>)
    %add3A_37 = arith.constant 0 : i32
    %add3A_38 = arith.addi %mul3A_6, %add3A_37 : i32
    %dma_wait3A_39 = tpu.memref_slice %arg4[%add3A_38] : memref<655360xf32, #tpu.memory_space<hbm>> -> memref<10240xf32, #tpu.memory_space<hbm>>
    %dma_wait3A_40 = tpu.memref_slice %arg4[%add3A_38] : memref<655360xf32, #tpu.memory_space<hbm>> -> memref<10240xf32, #tpu.memory_space<hbm>>
    tpu.wait_dma2 semaphore(%arg13 : memref<!tpu.dma_semaphore, #tpu.memory_space<semaphore_mem>>) src(%arg7 : memref<10240xf32, #tpu.memory_space<vmem>>) dst(%dma_wait3A_40 : memref<10240xf32, #tpu.memory_space<hbm>>)
    %add3A_41 = arith.constant 10240 : i32
    %add3A_42 = arith.addi %mul3A_6, %add3A_41 : i32
    %dma_wait3A_43 = tpu.memref_slice %arg4[%add3A_42] : memref<655360xf32, #tpu.memory_space<hbm>> -> memref<10240xf32, #tpu.memory_space<hbm>>
    %dma_wait3A_44 = tpu.memref_slice %arg4[%add3A_42] : memref<655360xf32, #tpu.memory_space<hbm>> -> memref<10240xf32, #tpu.memory_space<hbm>>
    tpu.wait_dma2 semaphore(%arg14 : memref<!tpu.dma_semaphore, #tpu.memory_space<semaphore_mem>>) src(%arg8 : memref<10240xf32, #tpu.memory_space<vmem>>) dst(%dma_wait3A_44 : memref<10240xf32, #tpu.memory_space<hbm>>)
    return
  }
}

#map = affine_map<(d0, d1) -> (0)>
module attributes {stable_mosaic.version = 14 : i64} {
  func.func @_sc_gather(%arg0: i32, %arg1: i32, %arg2: memref<3276800xi32, #tpu.memory_space<hbm>>, %arg3: memref<1000000xf32, #tpu.memory_space<hbm>>, %arg4: memref<655360xf32, #tpu.memory_space<hbm>>, %arg5: memref<10240xi32, #tpu.memory_space<vmem>>, %arg6: memref<10240xi32, #tpu.memory_space<vmem>>, %arg7: memref<10240xf32, #tpu.memory_space<vmem>>, %arg8: memref<10240xf32, #tpu.memory_space<vmem>>, %arg9: memref<1000000xf32, #tpu.memory_space<vmem_shared>>, %arg10: memref<!tpu.dma_semaphore, #tpu.memory_space<semaphore_mem>>, %arg11: memref<!tpu.dma_semaphore, #tpu.memory_space<semaphore_mem>>, %arg12: memref<!tpu.dma_semaphore, #tpu.memory_space<semaphore_mem>>, %arg13: memref<!tpu.dma_semaphore, #tpu.memory_space<semaphore_mem>>, %arg14: memref<!tpu.dma_semaphore, #tpu.memory_space<semaphore_mem>>) attributes {dimension_semantics = [#tpu.dimension_semantics<core_parallel>, #tpu.dimension_semantics<subcore_parallel>], iteration_bounds = array<i64: 2, 16>, scalar_prefetch = 0 : i64, scratch_operands = 10 : i64, tpu.core_type = #tpu.core_type<sc_vector_subcore>, window_params = [{transform_indices = #map}, {transform_indices = #map}, {transform_indices = #map}]} {
    %mul3A = arith.constant 2 : i32
    %mul3A_0 = arith.muli %arg1, %mul3A : i32
    %add3A = arith.addi %mul3A_0, %arg0 : i32
    %mul3A_1 = arith.constant 20480 : i32
    %mul3A_2 = arith.muli %add3A, %mul3A_1 : i32
    %add3A_3 = arith.constant 1310720 : i32
    %add3A_4 = arith.addi %add3A_3, %mul3A_2 : i32
    %mul3A_5 = arith.constant 20480 : i32
    %mul3A_6 = arith.muli %add3A, %mul3A_5 : i32
    %eq3A = arith.constant 0 : i32
    %eq3A_7 = arith.cmpi eq, %arg1, %eq3A : i32
    %convert_element_type3A = arith.extui %eq3A_7 : i1 to i32
    %cond3A = arith.constant 0 : i32
    %cond3A_8 = arith.cmpi ne, %convert_element_type3A, %cond3A : i32
    scf.if %cond3A_8 {
      "tpu.region"() ({
        %run_scoped3A = tpu.sem_alloc : memref<!tpu.dma_semaphore, #tpu.memory_space<semaphore_mem>>
        tpu.enqueue_dma source(%arg3 : memref<1000000xf32, #tpu.memory_space<hbm>>) target(%arg9 : memref<1000000xf32, #tpu.memory_space<vmem_shared>>) target_semaphore(%run_scoped3A : memref<!tpu.dma_semaphore, #tpu.memory_space<semaphore_mem>>)
        tpu.wait_dma2 semaphore(%run_scoped3A : memref<!tpu.dma_semaphore, #tpu.memory_space<semaphore_mem>>) src(%arg3 : memref<1000000xf32, #tpu.memory_space<hbm>>) dst(%arg9 : memref<1000000xf32, #tpu.memory_space<vmem_shared>>)
        tpu.yield
      }) : () -> ()
    } else {
    }
    %dma_start3A = tpu.memref_slice %arg2[%add3A_4] : memref<3276800xi32, #tpu.memory_space<hbm>> -> memref<10240xi32, #tpu.memory_space<hbm>>
    %dma_start3A_9 = tpu.memref_slice %arg2[%add3A_4] : memref<3276800xi32, #tpu.memory_space<hbm>> -> memref<10240xi32, #tpu.memory_space<hbm>>
    tpu.enqueue_dma source(%dma_start3A_9 : memref<10240xi32, #tpu.memory_space<hbm>>) target(%arg5 : memref<10240xi32, #tpu.memory_space<vmem>>) target_semaphore(%arg10 : memref<!tpu.dma_semaphore, #tpu.memory_space<semaphore_mem>>)
    %barrier3A = arith.constant 0 : index
    tpu.barrier barrier_id(%barrier3A)
    %add3A_10 = arith.constant 10240 : i32
    %add3A_11 = arith.addi %add3A_4, %add3A_10 : i32
    %dma_start3A_12 = tpu.memref_slice %arg2[%add3A_11] : memref<3276800xi32, #tpu.memory_space<hbm>> -> memref<10240xi32, #tpu.memory_space<hbm>>
    %dma_start3A_13 = tpu.memref_slice %arg2[%add3A_11] : memref<3276800xi32, #tpu.memory_space<hbm>> -> memref<10240xi32, #tpu.memory_space<hbm>>
    tpu.enqueue_dma source(%dma_start3A_13 : memref<10240xi32, #tpu.memory_space<hbm>>) target(%arg6 : memref<10240xi32, #tpu.memory_space<vmem>>) target_semaphore(%arg11 : memref<!tpu.dma_semaphore, #tpu.memory_space<semaphore_mem>>)
    %add3A_14 = arith.constant 0 : i32
    %add3A_15 = arith.addi %add3A_4, %add3A_14 : i32
    %dma_wait3A = tpu.memref_slice %arg2[%add3A_15] : memref<3276800xi32, #tpu.memory_space<hbm>> -> memref<10240xi32, #tpu.memory_space<hbm>>
    %dma_wait3A_16 = tpu.memref_slice %arg2[%add3A_15] : memref<3276800xi32, #tpu.memory_space<hbm>> -> memref<10240xi32, #tpu.memory_space<hbm>>
    tpu.wait_dma2 semaphore(%arg10 : memref<!tpu.dma_semaphore, #tpu.memory_space<semaphore_mem>>) src(%dma_wait3A_16 : memref<10240xi32, #tpu.memory_space<hbm>>) dst(%arg5 : memref<10240xi32, #tpu.memory_space<vmem>>)
    %dma_start3A_17 = arith.constant 0 : i32
    %dma_start3A_18 = tpu.memref_slice %arg9[%dma_start3A_17] : memref<1000000xf32, #tpu.memory_space<vmem_shared>> -> memref<1000000xf32, #tpu.memory_space<vmem_shared>>
    tpu.enqueue_indirect_dma source(%dma_start3A_18 : memref<1000000xf32, #tpu.memory_space<vmem_shared>>) target(%arg7 : memref<10240xf32, #tpu.memory_space<vmem>>) offsets(%arg5 : memref<10240xi32, #tpu.memory_space<vmem>>) semaphore(%arg12 : memref<!tpu.dma_semaphore, #tpu.memory_space<semaphore_mem>>)
    %dma_wait3A_19 = arith.constant 0 : i32
    %dma_wait3A_20 = tpu.memref_slice %arg9[%dma_wait3A_19] : memref<1000000xf32, #tpu.memory_space<vmem_shared>> -> memref<1000000xf32, #tpu.memory_space<vmem_shared>>
    tpu.wait_indirect_dma semaphore(%arg12 : memref<!tpu.dma_semaphore, #tpu.memory_space<semaphore_mem>>) src(%dma_wait3A_20 : memref<1000000xf32, #tpu.memory_space<vmem_shared>>) dst(%arg7 : memref<10240xf32, #tpu.memory_space<vmem>>)
    %add3A_21 = arith.constant 0 : i32
    %add3A_22 = arith.addi %mul3A_6, %add3A_21 : i32
    %dma_start3A_23 = tpu.memref_slice %arg4[%add3A_22] : memref<655360xf32, #tpu.memory_space<hbm>> -> memref<10240xf32, #tpu.memory_space<hbm>>
    %dma_start3A_24 = tpu.memref_slice %arg4[%add3A_22] : memref<655360xf32, #tpu.memory_space<hbm>> -> memref<10240xf32, #tpu.memory_space<hbm>>
    tpu.enqueue_dma source(%arg7 : memref<10240xf32, #tpu.memory_space<vmem>>) target(%dma_start3A_24 : memref<10240xf32, #tpu.memory_space<hbm>>) target_semaphore(%arg13 : memref<!tpu.dma_semaphore, #tpu.memory_space<semaphore_mem>>)
    %add3A_25 = arith.constant 10240 : i32
    %add3A_26 = arith.addi %add3A_4, %add3A_25 : i32
    %dma_wait3A_27 = tpu.memref_slice %arg2[%add3A_26] : memref<3276800xi32, #tpu.memory_space<hbm>> -> memref<10240xi32, #tpu.memory_space<hbm>>
    %dma_wait3A_28 = tpu.memref_slice %arg2[%add3A_26] : memref<3276800xi32, #tpu.memory_space<hbm>> -> memref<10240xi32, #tpu.memory_space<hbm>>
    tpu.wait_dma2 semaphore(%arg11 : memref<!tpu.dma_semaphore, #tpu.memory_space<semaphore_mem>>) src(%dma_wait3A_28 : memref<10240xi32, #tpu.memory_space<hbm>>) dst(%arg6 : memref<10240xi32, #tpu.memory_space<vmem>>)
    %dma_start3A_29 = arith.constant 0 : i32
    %dma_start3A_30 = tpu.memref_slice %arg9[%dma_start3A_29] : memref<1000000xf32, #tpu.memory_space<vmem_shared>> -> memref<1000000xf32, #tpu.memory_space<vmem_shared>>
    tpu.enqueue_indirect_dma source(%dma_start3A_30 : memref<1000000xf32, #tpu.memory_space<vmem_shared>>) target(%arg8 : memref<10240xf32, #tpu.memory_space<vmem>>) offsets(%arg6 : memref<10240xi32, #tpu.memory_space<vmem>>) semaphore(%arg12 : memref<!tpu.dma_semaphore, #tpu.memory_space<semaphore_mem>>)
    %dma_wait3A_31 = arith.constant 0 : i32
    %dma_wait3A_32 = tpu.memref_slice %arg9[%dma_wait3A_31] : memref<1000000xf32, #tpu.memory_space<vmem_shared>> -> memref<1000000xf32, #tpu.memory_space<vmem_shared>>
    tpu.wait_indirect_dma semaphore(%arg12 : memref<!tpu.dma_semaphore, #tpu.memory_space<semaphore_mem>>) src(%dma_wait3A_32 : memref<1000000xf32, #tpu.memory_space<vmem_shared>>) dst(%arg8 : memref<10240xf32, #tpu.memory_space<vmem>>)
    %add3A_33 = arith.constant 10240 : i32
    %add3A_34 = arith.addi %mul3A_6, %add3A_33 : i32
    %dma_start3A_35 = tpu.memref_slice %arg4[%add3A_34] : memref<655360xf32, #tpu.memory_space<hbm>> -> memref<10240xf32, #tpu.memory_space<hbm>>
    %dma_start3A_36 = tpu.memref_slice %arg4[%add3A_34] : memref<655360xf32, #tpu.memory_space<hbm>> -> memref<10240xf32, #tpu.memory_space<hbm>>
    tpu.enqueue_dma source(%arg8 : memref<10240xf32, #tpu.memory_space<vmem>>) target(%dma_start3A_36 : memref<10240xf32, #tpu.memory_space<hbm>>) target_semaphore(%arg14 : memref<!tpu.dma_semaphore, #tpu.memory_space<semaphore_mem>>)
    %add3A_37 = arith.constant 0 : i32
    %add3A_38 = arith.addi %mul3A_6, %add3A_37 : i32
    %dma_wait3A_39 = tpu.memref_slice %arg4[%add3A_38] : memref<655360xf32, #tpu.memory_space<hbm>> -> memref<10240xf32, #tpu.memory_space<hbm>>
    %dma_wait3A_40 = tpu.memref_slice %arg4[%add3A_38] : memref<655360xf32, #tpu.memory_space<hbm>> -> memref<10240xf32, #tpu.memory_space<hbm>>
    tpu.wait_dma2 semaphore(%arg13 : memref<!tpu.dma_semaphore, #tpu.memory_space<semaphore_mem>>) src(%arg7 : memref<10240xf32, #tpu.memory_space<vmem>>) dst(%dma_wait3A_40 : memref<10240xf32, #tpu.memory_space<hbm>>)
    %add3A_41 = arith.constant 10240 : i32
    %add3A_42 = arith.addi %mul3A_6, %add3A_41 : i32
    %dma_wait3A_43 = tpu.memref_slice %arg4[%add3A_42] : memref<655360xf32, #tpu.memory_space<hbm>> -> memref<10240xf32, #tpu.memory_space<hbm>>
    %dma_wait3A_44 = tpu.memref_slice %arg4[%add3A_42] : memref<655360xf32, #tpu.memory_space<hbm>> -> memref<10240xf32, #tpu.memory_space<hbm>>
    tpu.wait_dma2 semaphore(%arg14 : memref<!tpu.dma_semaphore, #tpu.memory_space<semaphore_mem>>) src(%arg8 : memref<10240xf32, #tpu.memory_space<vmem>>) dst(%dma_wait3A_44 : memref<10240xf32, #tpu.memory_space<hbm>>)
    return
  }
}

#map = affine_map<(d0, d1) -> (0)>
module attributes {stable_mosaic.version = 14 : i64} {
  func.func @_sc_gather(%arg0: i32, %arg1: i32, %arg2: memref<3276800xi32, #tpu.memory_space<hbm>>, %arg3: memref<1000000xf32, #tpu.memory_space<hbm>>, %arg4: memref<655360xf32, #tpu.memory_space<hbm>>, %arg5: memref<10240xi32, #tpu.memory_space<vmem>>, %arg6: memref<10240xi32, #tpu.memory_space<vmem>>, %arg7: memref<10240xf32, #tpu.memory_space<vmem>>, %arg8: memref<10240xf32, #tpu.memory_space<vmem>>, %arg9: memref<1000000xf32, #tpu.memory_space<vmem_shared>>, %arg10: memref<!tpu.dma_semaphore, #tpu.memory_space<semaphore_mem>>, %arg11: memref<!tpu.dma_semaphore, #tpu.memory_space<semaphore_mem>>, %arg12: memref<!tpu.dma_semaphore, #tpu.memory_space<semaphore_mem>>, %arg13: memref<!tpu.dma_semaphore, #tpu.memory_space<semaphore_mem>>, %arg14: memref<!tpu.dma_semaphore, #tpu.memory_space<semaphore_mem>>) attributes {dimension_semantics = [#tpu.dimension_semantics<core_parallel>, #tpu.dimension_semantics<subcore_parallel>], iteration_bounds = array<i64: 2, 16>, scalar_prefetch = 0 : i64, scratch_operands = 10 : i64, tpu.core_type = #tpu.core_type<sc_vector_subcore>, window_params = [{transform_indices = #map}, {transform_indices = #map}, {transform_indices = #map}]} {
    %mul3A = arith.constant 2 : i32
    %mul3A_0 = arith.muli %arg1, %mul3A : i32
    %add3A = arith.addi %mul3A_0, %arg0 : i32
    %mul3A_1 = arith.constant 20480 : i32
    %mul3A_2 = arith.muli %add3A, %mul3A_1 : i32
    %add3A_3 = arith.constant 2621440 : i32
    %add3A_4 = arith.addi %add3A_3, %mul3A_2 : i32
    %mul3A_5 = arith.constant 20480 : i32
    %mul3A_6 = arith.muli %add3A, %mul3A_5 : i32
    %eq3A = arith.constant 0 : i32
    %eq3A_7 = arith.cmpi eq, %arg1, %eq3A : i32
    %convert_element_type3A = arith.extui %eq3A_7 : i1 to i32
    %cond3A = arith.constant 0 : i32
    %cond3A_8 = arith.cmpi ne, %convert_element_type3A, %cond3A : i32
    scf.if %cond3A_8 {
      "tpu.region"() ({
        %run_scoped3A = tpu.sem_alloc : memref<!tpu.dma_semaphore, #tpu.memory_space<semaphore_mem>>
        tpu.enqueue_dma source(%arg3 : memref<1000000xf32, #tpu.memory_space<hbm>>) target(%arg9 : memref<1000000xf32, #tpu.memory_space<vmem_shared>>) target_semaphore(%run_scoped3A : memref<!tpu.dma_semaphore, #tpu.memory_space<semaphore_mem>>)
        tpu.wait_dma2 semaphore(%run_scoped3A : memref<!tpu.dma_semaphore, #tpu.memory_space<semaphore_mem>>) src(%arg3 : memref<1000000xf32, #tpu.memory_space<hbm>>) dst(%arg9 : memref<1000000xf32, #tpu.memory_space<vmem_shared>>)
        tpu.yield
      }) : () -> ()
    } else {
    }
    %dma_start3A = tpu.memref_slice %arg2[%add3A_4] : memref<3276800xi32, #tpu.memory_space<hbm>> -> memref<10240xi32, #tpu.memory_space<hbm>>
    %dma_start3A_9 = tpu.memref_slice %arg2[%add3A_4] : memref<3276800xi32, #tpu.memory_space<hbm>> -> memref<10240xi32, #tpu.memory_space<hbm>>
    tpu.enqueue_dma source(%dma_start3A_9 : memref<10240xi32, #tpu.memory_space<hbm>>) target(%arg5 : memref<10240xi32, #tpu.memory_space<vmem>>) target_semaphore(%arg10 : memref<!tpu.dma_semaphore, #tpu.memory_space<semaphore_mem>>)
    %barrier3A = arith.constant 0 : index
    tpu.barrier barrier_id(%barrier3A)
    %add3A_10 = arith.constant 10240 : i32
    %add3A_11 = arith.addi %add3A_4, %add3A_10 : i32
    %dma_start3A_12 = tpu.memref_slice %arg2[%add3A_11] : memref<3276800xi32, #tpu.memory_space<hbm>> -> memref<10240xi32, #tpu.memory_space<hbm>>
    %dma_start3A_13 = tpu.memref_slice %arg2[%add3A_11] : memref<3276800xi32, #tpu.memory_space<hbm>> -> memref<10240xi32, #tpu.memory_space<hbm>>
    tpu.enqueue_dma source(%dma_start3A_13 : memref<10240xi32, #tpu.memory_space<hbm>>) target(%arg6 : memref<10240xi32, #tpu.memory_space<vmem>>) target_semaphore(%arg11 : memref<!tpu.dma_semaphore, #tpu.memory_space<semaphore_mem>>)
    %add3A_14 = arith.constant 0 : i32
    %add3A_15 = arith.addi %add3A_4, %add3A_14 : i32
    %dma_wait3A = tpu.memref_slice %arg2[%add3A_15] : memref<3276800xi32, #tpu.memory_space<hbm>> -> memref<10240xi32, #tpu.memory_space<hbm>>
    %dma_wait3A_16 = tpu.memref_slice %arg2[%add3A_15] : memref<3276800xi32, #tpu.memory_space<hbm>> -> memref<10240xi32, #tpu.memory_space<hbm>>
    tpu.wait_dma2 semaphore(%arg10 : memref<!tpu.dma_semaphore, #tpu.memory_space<semaphore_mem>>) src(%dma_wait3A_16 : memref<10240xi32, #tpu.memory_space<hbm>>) dst(%arg5 : memref<10240xi32, #tpu.memory_space<vmem>>)
    %dma_start3A_17 = arith.constant 0 : i32
    %dma_start3A_18 = tpu.memref_slice %arg9[%dma_start3A_17] : memref<1000000xf32, #tpu.memory_space<vmem_shared>> -> memref<1000000xf32, #tpu.memory_space<vmem_shared>>
    tpu.enqueue_indirect_dma source(%dma_start3A_18 : memref<1000000xf32, #tpu.memory_space<vmem_shared>>) target(%arg7 : memref<10240xf32, #tpu.memory_space<vmem>>) offsets(%arg5 : memref<10240xi32, #tpu.memory_space<vmem>>) semaphore(%arg12 : memref<!tpu.dma_semaphore, #tpu.memory_space<semaphore_mem>>)
    %dma_wait3A_19 = arith.constant 0 : i32
    %dma_wait3A_20 = tpu.memref_slice %arg9[%dma_wait3A_19] : memref<1000000xf32, #tpu.memory_space<vmem_shared>> -> memref<1000000xf32, #tpu.memory_space<vmem_shared>>
    tpu.wait_indirect_dma semaphore(%arg12 : memref<!tpu.dma_semaphore, #tpu.memory_space<semaphore_mem>>) src(%dma_wait3A_20 : memref<1000000xf32, #tpu.memory_space<vmem_shared>>) dst(%arg7 : memref<10240xf32, #tpu.memory_space<vmem>>)
    %add3A_21 = arith.constant 0 : i32
    %add3A_22 = arith.addi %mul3A_6, %add3A_21 : i32
    %dma_start3A_23 = tpu.memref_slice %arg4[%add3A_22] : memref<655360xf32, #tpu.memory_space<hbm>> -> memref<10240xf32, #tpu.memory_space<hbm>>
    %dma_start3A_24 = tpu.memref_slice %arg4[%add3A_22] : memref<655360xf32, #tpu.memory_space<hbm>> -> memref<10240xf32, #tpu.memory_space<hbm>>
    tpu.enqueue_dma source(%arg7 : memref<10240xf32, #tpu.memory_space<vmem>>) target(%dma_start3A_24 : memref<10240xf32, #tpu.memory_space<hbm>>) target_semaphore(%arg13 : memref<!tpu.dma_semaphore, #tpu.memory_space<semaphore_mem>>)
    %add3A_25 = arith.constant 10240 : i32
    %add3A_26 = arith.addi %add3A_4, %add3A_25 : i32
    %dma_wait3A_27 = tpu.memref_slice %arg2[%add3A_26] : memref<3276800xi32, #tpu.memory_space<hbm>> -> memref<10240xi32, #tpu.memory_space<hbm>>
    %dma_wait3A_28 = tpu.memref_slice %arg2[%add3A_26] : memref<3276800xi32, #tpu.memory_space<hbm>> -> memref<10240xi32, #tpu.memory_space<hbm>>
    tpu.wait_dma2 semaphore(%arg11 : memref<!tpu.dma_semaphore, #tpu.memory_space<semaphore_mem>>) src(%dma_wait3A_28 : memref<10240xi32, #tpu.memory_space<hbm>>) dst(%arg6 : memref<10240xi32, #tpu.memory_space<vmem>>)
    %dma_start3A_29 = arith.constant 0 : i32
    %dma_start3A_30 = tpu.memref_slice %arg9[%dma_start3A_29] : memref<1000000xf32, #tpu.memory_space<vmem_shared>> -> memref<1000000xf32, #tpu.memory_space<vmem_shared>>
    tpu.enqueue_indirect_dma source(%dma_start3A_30 : memref<1000000xf32, #tpu.memory_space<vmem_shared>>) target(%arg8 : memref<10240xf32, #tpu.memory_space<vmem>>) offsets(%arg6 : memref<10240xi32, #tpu.memory_space<vmem>>) semaphore(%arg12 : memref<!tpu.dma_semaphore, #tpu.memory_space<semaphore_mem>>)
    %dma_wait3A_31 = arith.constant 0 : i32
    %dma_wait3A_32 = tpu.memref_slice %arg9[%dma_wait3A_31] : memref<1000000xf32, #tpu.memory_space<vmem_shared>> -> memref<1000000xf32, #tpu.memory_space<vmem_shared>>
    tpu.wait_indirect_dma semaphore(%arg12 : memref<!tpu.dma_semaphore, #tpu.memory_space<semaphore_mem>>) src(%dma_wait3A_32 : memref<1000000xf32, #tpu.memory_space<vmem_shared>>) dst(%arg8 : memref<10240xf32, #tpu.memory_space<vmem>>)
    %add3A_33 = arith.constant 10240 : i32
    %add3A_34 = arith.addi %mul3A_6, %add3A_33 : i32
    %dma_start3A_35 = tpu.memref_slice %arg4[%add3A_34] : memref<655360xf32, #tpu.memory_space<hbm>> -> memref<10240xf32, #tpu.memory_space<hbm>>
    %dma_start3A_36 = tpu.memref_slice %arg4[%add3A_34] : memref<655360xf32, #tpu.memory_space<hbm>> -> memref<10240xf32, #tpu.memory_space<hbm>>
    tpu.enqueue_dma source(%arg8 : memref<10240xf32, #tpu.memory_space<vmem>>) target(%dma_start3A_36 : memref<10240xf32, #tpu.memory_space<hbm>>) target_semaphore(%arg14 : memref<!tpu.dma_semaphore, #tpu.memory_space<semaphore_mem>>)
    %add3A_37 = arith.constant 0 : i32
    %add3A_38 = arith.addi %mul3A_6, %add3A_37 : i32
    %dma_wait3A_39 = tpu.memref_slice %arg4[%add3A_38] : memref<655360xf32, #tpu.memory_space<hbm>> -> memref<10240xf32, #tpu.memory_space<hbm>>
    %dma_wait3A_40 = tpu.memref_slice %arg4[%add3A_38] : memref<655360xf32, #tpu.memory_space<hbm>> -> memref<10240xf32, #tpu.memory_space<hbm>>
    tpu.wait_dma2 semaphore(%arg13 : memref<!tpu.dma_semaphore, #tpu.memory_space<semaphore_mem>>) src(%arg7 : memref<10240xf32, #tpu.memory_space<vmem>>) dst(%dma_wait3A_40 : memref<10240xf32, #tpu.memory_space<hbm>>)
    %add3A_41 = arith.constant 10240 : i32
    %add3A_42 = arith.addi %mul3A_6, %add3A_41 : i32
    %dma_wait3A_43 = tpu.memref_slice %arg4[%add3A_42] : memref<655360xf32, #tpu.memory_space<hbm>> -> memref<10240xf32, #tpu.memory_space<hbm>>
    %dma_wait3A_44 = tpu.memref_slice %arg4[%add3A_42] : memref<655360xf32, #tpu.memory_space<hbm>> -> memref<10240xf32, #tpu.memory_space<hbm>>
    tpu.wait_dma2 semaphore(%arg14 : memref<!tpu.dma_semaphore, #tpu.memory_space<semaphore_mem>>) src(%arg8 : memref<10240xf32, #tpu.memory_space<vmem>>) dst(%dma_wait3A_44 : memref<10240xf32, #tpu.memory_space<hbm>>)
    return
  }
}

module attributes {stable_mosaic.version = 14 : i64} {
  func.func @_tc_body(%arg0: i32, %arg1: memref<40x16x2048xf32, #tpu.memory_space<vmem>>, %arg2: memref<40x2048xf32, #tpu.memory_space<vmem>>, %arg3: memref<16xf32, #tpu.memory_space<smem>>, %arg4: memref<1xf32, #tpu.memory_space<smem>>, %arg5: memref<40x2048xf32, #tpu.memory_space<vmem>>) attributes {dimension_semantics = [#tpu.dimension_semantics<arbitrary>], iteration_bounds = array<i64: 8>, scalar_prefetch = 0 : i64, scratch_operands = 0 : i64, tpu.core_type = #tpu.core_type<tc>, window_params = [{transform_indices = @transform_0, window_bounds = array<i64: 40, 16, 2048>}, {transform_indices = @transform_1, window_bounds = array<i64: 40, 2048>}, {transform_indices = @transform_2, window_bounds = array<i64: 16>}, {transform_indices = @transform_3, window_bounds = array<i64: 1>}, {transform_indices = @transform_4, window_bounds = array<i64: 40, 2048>}]} {
    %get3A = arith.constant 0 : index
    %get3A_0 = arith.constant 0 : index
    %get3A_1 = arith.constant 0 : index
    %get3A_2 = vector.load %arg1[%get3A, %get3A_0, %get3A_1] : memref<40x16x2048xf32, #tpu.memory_space<vmem>>, vector<40x1x2048xf32>
    %get3A_3 = vector.shape_cast %get3A_2 : vector<40x1x2048xf32> to vector<40x2048xf32>
    %get3A_4 = arith.constant 0 : index
    %get3A_5 = memref.load %arg3[%get3A_4] : memref<16xf32, #tpu.memory_space<smem>>
    %mul3A = vector.broadcast %get3A_5 : f32 to vector<40x2048xf32>
    %mul3A_6 = arith.mulf %get3A_3, %mul3A : vector<40x2048xf32>
    %get3A_7 = arith.constant 0 : index
    %get3A_8 = arith.constant 1 : index
    %get3A_9 = arith.constant 0 : index
    %get3A_10 = vector.load %arg1[%get3A_7, %get3A_8, %get3A_9] : memref<40x16x2048xf32, #tpu.memory_space<vmem>>, vector<40x1x2048xf32>
    %get3A_11 = vector.shape_cast %get3A_10 : vector<40x1x2048xf32> to vector<40x2048xf32>
    %get3A_12 = arith.constant 1 : index
    %get3A_13 = memref.load %arg3[%get3A_12] : memref<16xf32, #tpu.memory_space<smem>>
    %mul3A_14 = vector.broadcast %get3A_13 : f32 to vector<40x2048xf32>
    %mul3A_15 = arith.mulf %get3A_11, %mul3A_14 : vector<40x2048xf32>
    %add3A = arith.addf %mul3A_6, %mul3A_15 : vector<40x2048xf32>
    %get3A_16 = arith.constant 0 : index
    %get3A_17 = arith.constant 2 : index
    %get3A_18 = arith.constant 0 : index
    %get3A_19 = vector.load %arg1[%get3A_16, %get3A_17, %get3A_18] : memref<40x16x2048xf32, #tpu.memory_space<vmem>>, vector<40x1x2048xf32>
    %get3A_20 = vector.shape_cast %get3A_19 : vector<40x1x2048xf32> to vector<40x2048xf32>
    %get3A_21 = arith.constant 2 : index
    %get3A_22 = memref.load %arg3[%get3A_21] : memref<16xf32, #tpu.memory_space<smem>>
    %mul3A_23 = vector.broadcast %get3A_22 : f32 to vector<40x2048xf32>
    %mul3A_24 = arith.mulf %get3A_20, %mul3A_23 : vector<40x2048xf32>
    %add3A_25 = arith.addf %add3A, %mul3A_24 : vector<40x2048xf32>
    %get3A_26 = arith.constant 0 : index
    %get3A_27 = arith.constant 3 : index
    %get3A_28 = arith.constant 0 : index
    %get3A_29 = vector.load %arg1[%get3A_26, %get3A_27, %get3A_28] : memref<40x16x2048xf32, #tpu.memory_space<vmem>>, vector<40x1x2048xf32>
    %get3A_30 = vector.shape_cast %get3A_29 : vector<40x1x2048xf32> to vector<40x2048xf32>
    %get3A_31 = arith.constant 3 : index
    %get3A_32 = memref.load %arg3[%get3A_31] : memref<16xf32, #tpu.memory_space<smem>>
    %mul3A_33 = vector.broadcast %get3A_32 : f32 to vector<40x2048xf32>
    %mul3A_34 = arith.mulf %get3A_30, %mul3A_33 : vector<40x2048xf32>
    %add3A_35 = arith.addf %add3A_25, %mul3A_34 : vector<40x2048xf32>
    %get3A_36 = arith.constant 0 : index
    %get3A_37 = arith.constant 4 : index
    %get3A_38 = arith.constant 0 : index
    %get3A_39 = vector.load %arg1[%get3A_36, %get3A_37, %get3A_38] : memref<40x16x2048xf32, #tpu.memory_space<vmem>>, vector<40x1x2048xf32>
    %get3A_40 = vector.shape_cast %get3A_39 : vector<40x1x2048xf32> to vector<40x2048xf32>
    %get3A_41 = arith.constant 4 : index
    %get3A_42 = memref.load %arg3[%get3A_41] : memref<16xf32, #tpu.memory_space<smem>>
    %mul3A_43 = vector.broadcast %get3A_42 : f32 to vector<40x2048xf32>
    %mul3A_44 = arith.mulf %get3A_40, %mul3A_43 : vector<40x2048xf32>
    %add3A_45 = arith.addf %add3A_35, %mul3A_44 : vector<40x2048xf32>
    %get3A_46 = arith.constant 0 : index
    %get3A_47 = arith.constant 5 : index
    %get3A_48 = arith.constant 0 : index
    %get3A_49 = vector.load %arg1[%get3A_46, %get3A_47, %get3A_48] : memref<40x16x2048xf32, #tpu.memory_space<vmem>>, vector<40x1x2048xf32>
    %get3A_50 = vector.shape_cast %get3A_49 : vector<40x1x2048xf32> to vector<40x2048xf32>
    %get3A_51 = arith.constant 5 : index
    %get3A_52 = memref.load %arg3[%get3A_51] : memref<16xf32, #tpu.memory_space<smem>>
    %mul3A_53 = vector.broadcast %get3A_52 : f32 to vector<40x2048xf32>
    %mul3A_54 = arith.mulf %get3A_50, %mul3A_53 : vector<40x2048xf32>
    %add3A_55 = arith.addf %add3A_45, %mul3A_54 : vector<40x2048xf32>
    %get3A_56 = arith.constant 0 : index
    %get3A_57 = arith.constant 6 : index
    %get3A_58 = arith.constant 0 : index
    %get3A_59 = vector.load %arg1[%get3A_56, %get3A_57, %get3A_58] : memref<40x16x2048xf32, #tpu.memory_space<vmem>>, vector<40x1x2048xf32>
    %get3A_60 = vector.shape_cast %get3A_59 : vector<40x1x2048xf32> to vector<40x2048xf32>
    %get3A_61 = arith.constant 6 : index
    %get3A_62 = memref.load %arg3[%get3A_61] : memref<16xf32, #tpu.memory_space<smem>>
    %mul3A_63 = vector.broadcast %get3A_62 : f32 to vector<40x2048xf32>
    %mul3A_64 = arith.mulf %get3A_60, %mul3A_63 : vector<40x2048xf32>
    %add3A_65 = arith.addf %add3A_55, %mul3A_64 : vector<40x2048xf32>
    %get3A_66 = arith.constant 0 : index
    %get3A_67 = arith.constant 7 : index
    %get3A_68 = arith.constant 0 : index
    %get3A_69 = vector.load %arg1[%get3A_66, %get3A_67, %get3A_68] : memref<40x16x2048xf32, #tpu.memory_space<vmem>>, vector<40x1x2048xf32>
    %get3A_70 = vector.shape_cast %get3A_69 : vector<40x1x2048xf32> to vector<40x2048xf32>
    %get3A_71 = arith.constant 7 : index
    %get3A_72 = memref.load %arg3[%get3A_71] : memref<16xf32, #tpu.memory_space<smem>>
    %mul3A_73 = vector.broadcast %get3A_72 : f32 to vector<40x2048xf32>
    %mul3A_74 = arith.mulf %get3A_70, %mul3A_73 : vector<40x2048xf32>
    %add3A_75 = arith.addf %add3A_65, %mul3A_74 : vector<40x2048xf32>
    %get3A_76 = arith.constant 0 : index
    %get3A_77 = arith.constant 8 : index
    %get3A_78 = arith.constant 0 : index
    %get3A_79 = vector.load %arg1[%get3A_76, %get3A_77, %get3A_78] : memref<40x16x2048xf32, #tpu.memory_space<vmem>>, vector<40x1x2048xf32>
    %get3A_80 = vector.shape_cast %get3A_79 : vector<40x1x2048xf32> to vector<40x2048xf32>
    %get3A_81 = arith.constant 8 : index
    %get3A_82 = memref.load %arg3[%get3A_81] : memref<16xf32, #tpu.memory_space<smem>>
    %mul3A_83 = vector.broadcast %get3A_82 : f32 to vector<40x2048xf32>
    %mul3A_84 = arith.mulf %get3A_80, %mul3A_83 : vector<40x2048xf32>
    %add3A_85 = arith.addf %add3A_75, %mul3A_84 : vector<40x2048xf32>
    %get3A_86 = arith.constant 0 : index
    %get3A_87 = arith.constant 9 : index
    %get3A_88 = arith.constant 0 : index
    %get3A_89 = vector.load %arg1[%get3A_86, %get3A_87, %get3A_88] : memref<40x16x2048xf32, #tpu.memory_space<vmem>>, vector<40x1x2048xf32>
    %get3A_90 = vector.shape_cast %get3A_89 : vector<40x1x2048xf32> to vector<40x2048xf32>
    %get3A_91 = arith.constant 9 : index
    %get3A_92 = memref.load %arg3[%get3A_91] : memref<16xf32, #tpu.memory_space<smem>>
    %mul3A_93 = vector.broadcast %get3A_92 : f32 to vector<40x2048xf32>
    %mul3A_94 = arith.mulf %get3A_90, %mul3A_93 : vector<40x2048xf32>
    %add3A_95 = arith.addf %add3A_85, %mul3A_94 : vector<40x2048xf32>
    %get3A_96 = arith.constant 0 : index
    %get3A_97 = arith.constant 10 : index
    %get3A_98 = arith.constant 0 : index
    %get3A_99 = vector.load %arg1[%get3A_96, %get3A_97, %get3A_98] : memref<40x16x2048xf32, #tpu.memory_space<vmem>>, vector<40x1x2048xf32>
    %get3A_100 = vector.shape_cast %get3A_99 : vector<40x1x2048xf32> to vector<40x2048xf32>
    %get3A_101 = arith.constant 10 : index
    %get3A_102 = memref.load %arg3[%get3A_101] : memref<16xf32, #tpu.memory_space<smem>>
    %mul3A_103 = vector.broadcast %get3A_102 : f32 to vector<40x2048xf32>
    %mul3A_104 = arith.mulf %get3A_100, %mul3A_103 : vector<40x2048xf32>
    %add3A_105 = arith.addf %add3A_95, %mul3A_104 : vector<40x2048xf32>
    %get3A_106 = arith.constant 0 : index
    %get3A_107 = arith.constant 11 : index
    %get3A_108 = arith.constant 0 : index
    %get3A_109 = vector.load %arg1[%get3A_106, %get3A_107, %get3A_108] : memref<40x16x2048xf32, #tpu.memory_space<vmem>>, vector<40x1x2048xf32>
    %get3A_110 = vector.shape_cast %get3A_109 : vector<40x1x2048xf32> to vector<40x2048xf32>
    %get3A_111 = arith.constant 11 : index
    %get3A_112 = memref.load %arg3[%get3A_111] : memref<16xf32, #tpu.memory_space<smem>>
    %mul3A_113 = vector.broadcast %get3A_112 : f32 to vector<40x2048xf32>
    %mul3A_114 = arith.mulf %get3A_110, %mul3A_113 : vector<40x2048xf32>
    %add3A_115 = arith.addf %add3A_105, %mul3A_114 : vector<40x2048xf32>
    %get3A_116 = arith.constant 0 : index
    %get3A_117 = arith.constant 12 : index
    %get3A_118 = arith.constant 0 : index
    %get3A_119 = vector.load %arg1[%get3A_116, %get3A_117, %get3A_118] : memref<40x16x2048xf32, #tpu.memory_space<vmem>>, vector<40x1x2048xf32>
    %get3A_120 = vector.shape_cast %get3A_119 : vector<40x1x2048xf32> to vector<40x2048xf32>
    %get3A_121 = arith.constant 12 : index
    %get3A_122 = memref.load %arg3[%get3A_121] : memref<16xf32, #tpu.memory_space<smem>>
    %mul3A_123 = vector.broadcast %get3A_122 : f32 to vector<40x2048xf32>
    %mul3A_124 = arith.mulf %get3A_120, %mul3A_123 : vector<40x2048xf32>
    %add3A_125 = arith.addf %add3A_115, %mul3A_124 : vector<40x2048xf32>
    %get3A_126 = arith.constant 0 : index
    %get3A_127 = arith.constant 13 : index
    %get3A_128 = arith.constant 0 : index
    %get3A_129 = vector.load %arg1[%get3A_126, %get3A_127, %get3A_128] : memref<40x16x2048xf32, #tpu.memory_space<vmem>>, vector<40x1x2048xf32>
    %get3A_130 = vector.shape_cast %get3A_129 : vector<40x1x2048xf32> to vector<40x2048xf32>
    %get3A_131 = arith.constant 13 : index
    %get3A_132 = memref.load %arg3[%get3A_131] : memref<16xf32, #tpu.memory_space<smem>>
    %mul3A_133 = vector.broadcast %get3A_132 : f32 to vector<40x2048xf32>
    %mul3A_134 = arith.mulf %get3A_130, %mul3A_133 : vector<40x2048xf32>
    %add3A_135 = arith.addf %add3A_125, %mul3A_134 : vector<40x2048xf32>
    %get3A_136 = arith.constant 0 : index
    %get3A_137 = arith.constant 14 : index
    %get3A_138 = arith.constant 0 : index
    %get3A_139 = vector.load %arg1[%get3A_136, %get3A_137, %get3A_138] : memref<40x16x2048xf32, #tpu.memory_space<vmem>>, vector<40x1x2048xf32>
    %get3A_140 = vector.shape_cast %get3A_139 : vector<40x1x2048xf32> to vector<40x2048xf32>
    %get3A_141 = arith.constant 14 : index
    %get3A_142 = memref.load %arg3[%get3A_141] : memref<16xf32, #tpu.memory_space<smem>>
    %mul3A_143 = vector.broadcast %get3A_142 : f32 to vector<40x2048xf32>
    %mul3A_144 = arith.mulf %get3A_140, %mul3A_143 : vector<40x2048xf32>
    %add3A_145 = arith.addf %add3A_135, %mul3A_144 : vector<40x2048xf32>
    %get3A_146 = arith.constant 0 : index
    %get3A_147 = arith.constant 15 : index
    %get3A_148 = arith.constant 0 : index
    %get3A_149 = vector.load %arg1[%get3A_146, %get3A_147, %get3A_148] : memref<40x16x2048xf32, #tpu.memory_space<vmem>>, vector<40x1x2048xf32>
    %get3A_150 = vector.shape_cast %get3A_149 : vector<40x1x2048xf32> to vector<40x2048xf32>
    %get3A_151 = arith.constant 15 : index
    %get3A_152 = memref.load %arg3[%get3A_151] : memref<16xf32, #tpu.memory_space<smem>>
    %mul3A_153 = vector.broadcast %get3A_152 : f32 to vector<40x2048xf32>
    %mul3A_154 = arith.mulf %get3A_150, %mul3A_153 : vector<40x2048xf32>
    %add3A_155 = arith.addf %add3A_145, %mul3A_154 : vector<40x2048xf32>
    %get3A_156 = arith.constant 0 : index
    %get3A_157 = memref.load %arg4[%get3A_156] : memref<1xf32, #tpu.memory_space<smem>>
    %add3A_158 = vector.broadcast %get3A_157 : f32 to vector<40x2048xf32>
    %add3A_159 = arith.addf %add3A_155, %add3A_158 : vector<40x2048xf32>
    %exp3A = math.exp %add3A_159 : vector<40x2048xf32>
    %get3A_160 = arith.constant 0 : index
    %get3A_161 = arith.constant 0 : index
    %get3A_162 = vector.load %arg2[%get3A_160, %get3A_161] : memref<40x2048xf32, #tpu.memory_space<vmem>>, vector<40x2048xf32>
    %mul3A_163 = arith.mulf %exp3A, %get3A_162 : vector<40x2048xf32>
    %swap3A = arith.constant 0 : index
    %swap3A_164 = arith.constant 0 : index
    %swap3A_165 = vector.load %arg5[%swap3A, %swap3A_164] : memref<40x2048xf32, #tpu.memory_space<vmem>>, vector<40x2048xf32>
    tpu.vector_store %arg5[%swap3A, %swap3A_164], %mul3A_163 {strides = array<i32>} : memref<40x2048xf32, #tpu.memory_space<vmem>>, vector<40x2048xf32>,
    return
  }
  func.func @transform_0(%arg0: i32) -> (i32, i32, i32) {
    %c0_i32 = arith.constant 0 : i32
    %c0_i32_0 = arith.constant 0 : i32
    %c0_i32_1 = arith.constant 0 : i32
    return %c0_i32, %c0_i32_0, %arg0 : i32, i32, i32
  }
  func.func @transform_1(%arg0: i32) -> (i32, i32) {
    %c0_i32 = arith.constant 0 : i32
    %c0_i32_0 = arith.constant 0 : i32
    return %c0_i32, %arg0 : i32, i32
  }
  func.func @transform_2(%arg0: i32) -> i32 {
    %c0_i32 = arith.constant 0 : i32
    %c0_i32_0 = arith.constant 0 : i32
    return %c0_i32 : i32
  }
  func.func @transform_3(%arg0: i32) -> i32 {
    %c0_i32 = arith.constant 0 : i32
    %c0_i32_0 = arith.constant 0 : i32
    return %c0_i32 : i32
  }
  func.func @transform_4(%arg0: i32) -> (i32, i32) {
    %c0_i32 = arith.constant 0 : i32
    %c0_i32_0 = arith.constant 0 : i32
    return %c0_i32, %arg0 : i32, i32
  }
}

module attributes {stable_mosaic.version = 14 : i64} {
  func.func @_tc_body(%arg0: i32, %arg1: memref<40x16x2048xf32, #tpu.memory_space<vmem>>, %arg2: memref<40x2048xf32, #tpu.memory_space<vmem>>, %arg3: memref<16xf32, #tpu.memory_space<smem>>, %arg4: memref<1xf32, #tpu.memory_space<smem>>, %arg5: memref<200x16384xf32, #tpu.memory_space<any>>, %arg6: memref<40x2048xf32, #tpu.memory_space<vmem>>) attributes {dimension_semantics = [#tpu.dimension_semantics<arbitrary>], iteration_bounds = array<i64: 8>, scalar_prefetch = 0 : i64, scratch_operands = 0 : i64, tpu.core_type = #tpu.core_type<tc>, window_params = [{transform_indices = @transform_0, window_bounds = array<i64: 40, 16, 2048>}, {transform_indices = @transform_1, window_bounds = array<i64: 40, 2048>}, {transform_indices = @transform_2, window_bounds = array<i64: 16>}, {transform_indices = @transform_3, window_bounds = array<i64: 1>}, {}, {transform_indices = @transform_5, window_bounds = array<i64: 40, 2048>}]} {
    %get3A = arith.constant 0 : index
    %get3A_0 = arith.constant 0 : index
    %get3A_1 = arith.constant 0 : index
    %get3A_2 = vector.load %arg1[%get3A, %get3A_0, %get3A_1] : memref<40x16x2048xf32, #tpu.memory_space<vmem>>, vector<40x1x2048xf32>
    %get3A_3 = vector.shape_cast %get3A_2 : vector<40x1x2048xf32> to vector<40x2048xf32>
    %get3A_4 = arith.constant 0 : index
    %get3A_5 = memref.load %arg3[%get3A_4] : memref<16xf32, #tpu.memory_space<smem>>
    %mul3A = vector.broadcast %get3A_5 : f32 to vector<40x2048xf32>
    %mul3A_6 = arith.mulf %get3A_3, %mul3A : vector<40x2048xf32>
    %get3A_7 = arith.constant 0 : index
    %get3A_8 = arith.constant 1 : index
    %get3A_9 = arith.constant 0 : index
    %get3A_10 = vector.load %arg1[%get3A_7, %get3A_8, %get3A_9] : memref<40x16x2048xf32, #tpu.memory_space<vmem>>, vector<40x1x2048xf32>
    %get3A_11 = vector.shape_cast %get3A_10 : vector<40x1x2048xf32> to vector<40x2048xf32>
    %get3A_12 = arith.constant 1 : index
    %get3A_13 = memref.load %arg3[%get3A_12] : memref<16xf32, #tpu.memory_space<smem>>
    %mul3A_14 = vector.broadcast %get3A_13 : f32 to vector<40x2048xf32>
    %mul3A_15 = arith.mulf %get3A_11, %mul3A_14 : vector<40x2048xf32>
    %add3A = arith.addf %mul3A_6, %mul3A_15 : vector<40x2048xf32>
    %get3A_16 = arith.constant 0 : index
    %get3A_17 = arith.constant 2 : index
    %get3A_18 = arith.constant 0 : index
    %get3A_19 = vector.load %arg1[%get3A_16, %get3A_17, %get3A_18] : memref<40x16x2048xf32, #tpu.memory_space<vmem>>, vector<40x1x2048xf32>
    %get3A_20 = vector.shape_cast %get3A_19 : vector<40x1x2048xf32> to vector<40x2048xf32>
    %get3A_21 = arith.constant 2 : index
    %get3A_22 = memref.load %arg3[%get3A_21] : memref<16xf32, #tpu.memory_space<smem>>
    %mul3A_23 = vector.broadcast %get3A_22 : f32 to vector<40x2048xf32>
    %mul3A_24 = arith.mulf %get3A_20, %mul3A_23 : vector<40x2048xf32>
    %add3A_25 = arith.addf %add3A, %mul3A_24 : vector<40x2048xf32>
    %get3A_26 = arith.constant 0 : index
    %get3A_27 = arith.constant 3 : index
    %get3A_28 = arith.constant 0 : index
    %get3A_29 = vector.load %arg1[%get3A_26, %get3A_27, %get3A_28] : memref<40x16x2048xf32, #tpu.memory_space<vmem>>, vector<40x1x2048xf32>
    %get3A_30 = vector.shape_cast %get3A_29 : vector<40x1x2048xf32> to vector<40x2048xf32>
    %get3A_31 = arith.constant 3 : index
    %get3A_32 = memref.load %arg3[%get3A_31] : memref<16xf32, #tpu.memory_space<smem>>
    %mul3A_33 = vector.broadcast %get3A_32 : f32 to vector<40x2048xf32>
    %mul3A_34 = arith.mulf %get3A_30, %mul3A_33 : vector<40x2048xf32>
    %add3A_35 = arith.addf %add3A_25, %mul3A_34 : vector<40x2048xf32>
    %get3A_36 = arith.constant 0 : index
    %get3A_37 = arith.constant 4 : index
    %get3A_38 = arith.constant 0 : index
    %get3A_39 = vector.load %arg1[%get3A_36, %get3A_37, %get3A_38] : memref<40x16x2048xf32, #tpu.memory_space<vmem>>, vector<40x1x2048xf32>
    %get3A_40 = vector.shape_cast %get3A_39 : vector<40x1x2048xf32> to vector<40x2048xf32>
    %get3A_41 = arith.constant 4 : index
    %get3A_42 = memref.load %arg3[%get3A_41] : memref<16xf32, #tpu.memory_space<smem>>
    %mul3A_43 = vector.broadcast %get3A_42 : f32 to vector<40x2048xf32>
    %mul3A_44 = arith.mulf %get3A_40, %mul3A_43 : vector<40x2048xf32>
    %add3A_45 = arith.addf %add3A_35, %mul3A_44 : vector<40x2048xf32>
    %get3A_46 = arith.constant 0 : index
    %get3A_47 = arith.constant 5 : index
    %get3A_48 = arith.constant 0 : index
    %get3A_49 = vector.load %arg1[%get3A_46, %get3A_47, %get3A_48] : memref<40x16x2048xf32, #tpu.memory_space<vmem>>, vector<40x1x2048xf32>
    %get3A_50 = vector.shape_cast %get3A_49 : vector<40x1x2048xf32> to vector<40x2048xf32>
    %get3A_51 = arith.constant 5 : index
    %get3A_52 = memref.load %arg3[%get3A_51] : memref<16xf32, #tpu.memory_space<smem>>
    %mul3A_53 = vector.broadcast %get3A_52 : f32 to vector<40x2048xf32>
    %mul3A_54 = arith.mulf %get3A_50, %mul3A_53 : vector<40x2048xf32>
    %add3A_55 = arith.addf %add3A_45, %mul3A_54 : vector<40x2048xf32>
    %get3A_56 = arith.constant 0 : index
    %get3A_57 = arith.constant 6 : index
    %get3A_58 = arith.constant 0 : index
    %get3A_59 = vector.load %arg1[%get3A_56, %get3A_57, %get3A_58] : memref<40x16x2048xf32, #tpu.memory_space<vmem>>, vector<40x1x2048xf32>
    %get3A_60 = vector.shape_cast %get3A_59 : vector<40x1x2048xf32> to vector<40x2048xf32>
    %get3A_61 = arith.constant 6 : index
    %get3A_62 = memref.load %arg3[%get3A_61] : memref<16xf32, #tpu.memory_space<smem>>
    %mul3A_63 = vector.broadcast %get3A_62 : f32 to vector<40x2048xf32>
    %mul3A_64 = arith.mulf %get3A_60, %mul3A_63 : vector<40x2048xf32>
    %add3A_65 = arith.addf %add3A_55, %mul3A_64 : vector<40x2048xf32>
    %get3A_66 = arith.constant 0 : index
    %get3A_67 = arith.constant 7 : index
    %get3A_68 = arith.constant 0 : index
    %get3A_69 = vector.load %arg1[%get3A_66, %get3A_67, %get3A_68] : memref<40x16x2048xf32, #tpu.memory_space<vmem>>, vector<40x1x2048xf32>
    %get3A_70 = vector.shape_cast %get3A_69 : vector<40x1x2048xf32> to vector<40x2048xf32>
    %get3A_71 = arith.constant 7 : index
    %get3A_72 = memref.load %arg3[%get3A_71] : memref<16xf32, #tpu.memory_space<smem>>
    %mul3A_73 = vector.broadcast %get3A_72 : f32 to vector<40x2048xf32>
    %mul3A_74 = arith.mulf %get3A_70, %mul3A_73 : vector<40x2048xf32>
    %add3A_75 = arith.addf %add3A_65, %mul3A_74 : vector<40x2048xf32>
    %get3A_76 = arith.constant 0 : index
    %get3A_77 = arith.constant 8 : index
    %get3A_78 = arith.constant 0 : index
    %get3A_79 = vector.load %arg1[%get3A_76, %get3A_77, %get3A_78] : memref<40x16x2048xf32, #tpu.memory_space<vmem>>, vector<40x1x2048xf32>
    %get3A_80 = vector.shape_cast %get3A_79 : vector<40x1x2048xf32> to vector<40x2048xf32>
    %get3A_81 = arith.constant 8 : index
    %get3A_82 = memref.load %arg3[%get3A_81] : memref<16xf32, #tpu.memory_space<smem>>
    %mul3A_83 = vector.broadcast %get3A_82 : f32 to vector<40x2048xf32>
    %mul3A_84 = arith.mulf %get3A_80, %mul3A_83 : vector<40x2048xf32>
    %add3A_85 = arith.addf %add3A_75, %mul3A_84 : vector<40x2048xf32>
    %get3A_86 = arith.constant 0 : index
    %get3A_87 = arith.constant 9 : index
    %get3A_88 = arith.constant 0 : index
    %get3A_89 = vector.load %arg1[%get3A_86, %get3A_87, %get3A_88] : memref<40x16x2048xf32, #tpu.memory_space<vmem>>, vector<40x1x2048xf32>
    %get3A_90 = vector.shape_cast %get3A_89 : vector<40x1x2048xf32> to vector<40x2048xf32>
    %get3A_91 = arith.constant 9 : index
    %get3A_92 = memref.load %arg3[%get3A_91] : memref<16xf32, #tpu.memory_space<smem>>
    %mul3A_93 = vector.broadcast %get3A_92 : f32 to vector<40x2048xf32>
    %mul3A_94 = arith.mulf %get3A_90, %mul3A_93 : vector<40x2048xf32>
    %add3A_95 = arith.addf %add3A_85, %mul3A_94 : vector<40x2048xf32>
    %get3A_96 = arith.constant 0 : index
    %get3A_97 = arith.constant 10 : index
    %get3A_98 = arith.constant 0 : index
    %get3A_99 = vector.load %arg1[%get3A_96, %get3A_97, %get3A_98] : memref<40x16x2048xf32, #tpu.memory_space<vmem>>, vector<40x1x2048xf32>
    %get3A_100 = vector.shape_cast %get3A_99 : vector<40x1x2048xf32> to vector<40x2048xf32>
    %get3A_101 = arith.constant 10 : index
    %get3A_102 = memref.load %arg3[%get3A_101] : memref<16xf32, #tpu.memory_space<smem>>
    %mul3A_103 = vector.broadcast %get3A_102 : f32 to vector<40x2048xf32>
    %mul3A_104 = arith.mulf %get3A_100, %mul3A_103 : vector<40x2048xf32>
    %add3A_105 = arith.addf %add3A_95, %mul3A_104 : vector<40x2048xf32>
    %get3A_106 = arith.constant 0 : index
    %get3A_107 = arith.constant 11 : index
    %get3A_108 = arith.constant 0 : index
    %get3A_109 = vector.load %arg1[%get3A_106, %get3A_107, %get3A_108] : memref<40x16x2048xf32, #tpu.memory_space<vmem>>, vector<40x1x2048xf32>
    %get3A_110 = vector.shape_cast %get3A_109 : vector<40x1x2048xf32> to vector<40x2048xf32>
    %get3A_111 = arith.constant 11 : index
    %get3A_112 = memref.load %arg3[%get3A_111] : memref<16xf32, #tpu.memory_space<smem>>
    %mul3A_113 = vector.broadcast %get3A_112 : f32 to vector<40x2048xf32>
    %mul3A_114 = arith.mulf %get3A_110, %mul3A_113 : vector<40x2048xf32>
    %add3A_115 = arith.addf %add3A_105, %mul3A_114 : vector<40x2048xf32>
    %get3A_116 = arith.constant 0 : index
    %get3A_117 = arith.constant 12 : index
    %get3A_118 = arith.constant 0 : index
    %get3A_119 = vector.load %arg1[%get3A_116, %get3A_117, %get3A_118] : memref<40x16x2048xf32, #tpu.memory_space<vmem>>, vector<40x1x2048xf32>
    %get3A_120 = vector.shape_cast %get3A_119 : vector<40x1x2048xf32> to vector<40x2048xf32>
    %get3A_121 = arith.constant 12 : index
    %get3A_122 = memref.load %arg3[%get3A_121] : memref<16xf32, #tpu.memory_space<smem>>
    %mul3A_123 = vector.broadcast %get3A_122 : f32 to vector<40x2048xf32>
    %mul3A_124 = arith.mulf %get3A_120, %mul3A_123 : vector<40x2048xf32>
    %add3A_125 = arith.addf %add3A_115, %mul3A_124 : vector<40x2048xf32>
    %get3A_126 = arith.constant 0 : index
    %get3A_127 = arith.constant 13 : index
    %get3A_128 = arith.constant 0 : index
    %get3A_129 = vector.load %arg1[%get3A_126, %get3A_127, %get3A_128] : memref<40x16x2048xf32, #tpu.memory_space<vmem>>, vector<40x1x2048xf32>
    %get3A_130 = vector.shape_cast %get3A_129 : vector<40x1x2048xf32> to vector<40x2048xf32>
    %get3A_131 = arith.constant 13 : index
    %get3A_132 = memref.load %arg3[%get3A_131] : memref<16xf32, #tpu.memory_space<smem>>
    %mul3A_133 = vector.broadcast %get3A_132 : f32 to vector<40x2048xf32>
    %mul3A_134 = arith.mulf %get3A_130, %mul3A_133 : vector<40x2048xf32>
    %add3A_135 = arith.addf %add3A_125, %mul3A_134 : vector<40x2048xf32>
    %get3A_136 = arith.constant 0 : index
    %get3A_137 = arith.constant 14 : index
    %get3A_138 = arith.constant 0 : index
    %get3A_139 = vector.load %arg1[%get3A_136, %get3A_137, %get3A_138] : memref<40x16x2048xf32, #tpu.memory_space<vmem>>, vector<40x1x2048xf32>
    %get3A_140 = vector.shape_cast %get3A_139 : vector<40x1x2048xf32> to vector<40x2048xf32>
    %get3A_141 = arith.constant 14 : index
    %get3A_142 = memref.load %arg3[%get3A_141] : memref<16xf32, #tpu.memory_space<smem>>
    %mul3A_143 = vector.broadcast %get3A_142 : f32 to vector<40x2048xf32>
    %mul3A_144 = arith.mulf %get3A_140, %mul3A_143 : vector<40x2048xf32>
    %add3A_145 = arith.addf %add3A_135, %mul3A_144 : vector<40x2048xf32>
    %get3A_146 = arith.constant 0 : index
    %get3A_147 = arith.constant 15 : index
    %get3A_148 = arith.constant 0 : index
    %get3A_149 = vector.load %arg1[%get3A_146, %get3A_147, %get3A_148] : memref<40x16x2048xf32, #tpu.memory_space<vmem>>, vector<40x1x2048xf32>
    %get3A_150 = vector.shape_cast %get3A_149 : vector<40x1x2048xf32> to vector<40x2048xf32>
    %get3A_151 = arith.constant 15 : index
    %get3A_152 = memref.load %arg3[%get3A_151] : memref<16xf32, #tpu.memory_space<smem>>
    %mul3A_153 = vector.broadcast %get3A_152 : f32 to vector<40x2048xf32>
    %mul3A_154 = arith.mulf %get3A_150, %mul3A_153 : vector<40x2048xf32>
    %add3A_155 = arith.addf %add3A_145, %mul3A_154 : vector<40x2048xf32>
    %get3A_156 = arith.constant 0 : index
    %get3A_157 = memref.load %arg4[%get3A_156] : memref<1xf32, #tpu.memory_space<smem>>
    %add3A_158 = vector.broadcast %get3A_157 : f32 to vector<40x2048xf32>
    %add3A_159 = arith.addf %add3A_155, %add3A_158 : vector<40x2048xf32>
    %exp3A = math.exp %add3A_159 : vector<40x2048xf32>
    %get3A_160 = arith.constant 0 : index
    %get3A_161 = arith.constant 0 : index
    %get3A_162 = vector.load %arg2[%get3A_160, %get3A_161] : memref<40x2048xf32, #tpu.memory_space<vmem>>, vector<40x2048xf32>
    %mul3A_163 = arith.mulf %exp3A, %get3A_162 : vector<40x2048xf32>
    %swap3A = arith.constant 0 : index
    %swap3A_164 = arith.constant 0 : index
    %swap3A_165 = vector.load %arg6[%swap3A, %swap3A_164] : memref<40x2048xf32, #tpu.memory_space<vmem>>, vector<40x2048xf32>
    tpu.vector_store %arg6[%swap3A, %swap3A_164], %mul3A_163 {strides = array<i32>} : memref<40x2048xf32, #tpu.memory_space<vmem>>, vector<40x2048xf32>,
    return
  }
  func.func @transform_0(%arg0: i32) -> (i32, i32, i32) {
    %c1_i32 = arith.constant 1 : i32
    %c0_i32 = arith.constant 0 : i32
    %c0_i32_0 = arith.constant 0 : i32
    return %c1_i32, %c0_i32, %arg0 : i32, i32, i32
  }
  func.func @transform_1(%arg0: i32) -> (i32, i32) {
    %c0_i32 = arith.constant 0 : i32
    %c0_i32_0 = arith.constant 0 : i32
    return %c0_i32, %arg0 : i32, i32
  }
  func.func @transform_2(%arg0: i32) -> i32 {
    %c0_i32 = arith.constant 0 : i32
    %c0_i32_0 = arith.constant 0 : i32
    return %c0_i32 : i32
  }
  func.func @transform_3(%arg0: i32) -> i32 {
    %c0_i32 = arith.constant 0 : i32
    %c0_i32_0 = arith.constant 0 : i32
    return %c0_i32 : i32
  }
  func.func @transform_5(%arg0: i32) -> (i32, i32) {
    %c1_i32 = arith.constant 1 : i32
    %c0_i32 = arith.constant 0 : i32
    return %c1_i32, %arg0 : i32, i32
  }
}

module attributes {stable_mosaic.version = 14 : i64} {
  func.func @_tc_body(%arg0: i32, %arg1: memref<40x16x2048xf32, #tpu.memory_space<vmem>>, %arg2: memref<40x2048xf32, #tpu.memory_space<vmem>>, %arg3: memref<16xf32, #tpu.memory_space<smem>>, %arg4: memref<1xf32, #tpu.memory_space<smem>>, %arg5: memref<200x16384xf32, #tpu.memory_space<any>>, %arg6: memref<40x2048xf32, #tpu.memory_space<vmem>>) attributes {dimension_semantics = [#tpu.dimension_semantics<arbitrary>], iteration_bounds = array<i64: 8>, scalar_prefetch = 0 : i64, scratch_operands = 0 : i64, tpu.core_type = #tpu.core_type<tc>, window_params = [{transform_indices = @transform_0, window_bounds = array<i64: 40, 16, 2048>}, {transform_indices = @transform_1, window_bounds = array<i64: 40, 2048>}, {transform_indices = @transform_2, window_bounds = array<i64: 16>}, {transform_indices = @transform_3, window_bounds = array<i64: 1>}, {}, {transform_indices = @transform_5, window_bounds = array<i64: 40, 2048>}]} {
    %get3A = arith.constant 0 : index
    %get3A_0 = arith.constant 0 : index
    %get3A_1 = arith.constant 0 : index
    %get3A_2 = vector.load %arg1[%get3A, %get3A_0, %get3A_1] : memref<40x16x2048xf32, #tpu.memory_space<vmem>>, vector<40x1x2048xf32>
    %get3A_3 = vector.shape_cast %get3A_2 : vector<40x1x2048xf32> to vector<40x2048xf32>
    %get3A_4 = arith.constant 0 : index
    %get3A_5 = memref.load %arg3[%get3A_4] : memref<16xf32, #tpu.memory_space<smem>>
    %mul3A = vector.broadcast %get3A_5 : f32 to vector<40x2048xf32>
    %mul3A_6 = arith.mulf %get3A_3, %mul3A : vector<40x2048xf32>
    %get3A_7 = arith.constant 0 : index
    %get3A_8 = arith.constant 1 : index
    %get3A_9 = arith.constant 0 : index
    %get3A_10 = vector.load %arg1[%get3A_7, %get3A_8, %get3A_9] : memref<40x16x2048xf32, #tpu.memory_space<vmem>>, vector<40x1x2048xf32>
    %get3A_11 = vector.shape_cast %get3A_10 : vector<40x1x2048xf32> to vector<40x2048xf32>
    %get3A_12 = arith.constant 1 : index
    %get3A_13 = memref.load %arg3[%get3A_12] : memref<16xf32, #tpu.memory_space<smem>>
    %mul3A_14 = vector.broadcast %get3A_13 : f32 to vector<40x2048xf32>
    %mul3A_15 = arith.mulf %get3A_11, %mul3A_14 : vector<40x2048xf32>
    %add3A = arith.addf %mul3A_6, %mul3A_15 : vector<40x2048xf32>
    %get3A_16 = arith.constant 0 : index
    %get3A_17 = arith.constant 2 : index
    %get3A_18 = arith.constant 0 : index
    %get3A_19 = vector.load %arg1[%get3A_16, %get3A_17, %get3A_18] : memref<40x16x2048xf32, #tpu.memory_space<vmem>>, vector<40x1x2048xf32>
    %get3A_20 = vector.shape_cast %get3A_19 : vector<40x1x2048xf32> to vector<40x2048xf32>
    %get3A_21 = arith.constant 2 : index
    %get3A_22 = memref.load %arg3[%get3A_21] : memref<16xf32, #tpu.memory_space<smem>>
    %mul3A_23 = vector.broadcast %get3A_22 : f32 to vector<40x2048xf32>
    %mul3A_24 = arith.mulf %get3A_20, %mul3A_23 : vector<40x2048xf32>
    %add3A_25 = arith.addf %add3A, %mul3A_24 : vector<40x2048xf32>
    %get3A_26 = arith.constant 0 : index
    %get3A_27 = arith.constant 3 : index
    %get3A_28 = arith.constant 0 : index
    %get3A_29 = vector.load %arg1[%get3A_26, %get3A_27, %get3A_28] : memref<40x16x2048xf32, #tpu.memory_space<vmem>>, vector<40x1x2048xf32>
    %get3A_30 = vector.shape_cast %get3A_29 : vector<40x1x2048xf32> to vector<40x2048xf32>
    %get3A_31 = arith.constant 3 : index
    %get3A_32 = memref.load %arg3[%get3A_31] : memref<16xf32, #tpu.memory_space<smem>>
    %mul3A_33 = vector.broadcast %get3A_32 : f32 to vector<40x2048xf32>
    %mul3A_34 = arith.mulf %get3A_30, %mul3A_33 : vector<40x2048xf32>
    %add3A_35 = arith.addf %add3A_25, %mul3A_34 : vector<40x2048xf32>
    %get3A_36 = arith.constant 0 : index
    %get3A_37 = arith.constant 4 : index
    %get3A_38 = arith.constant 0 : index
    %get3A_39 = vector.load %arg1[%get3A_36, %get3A_37, %get3A_38] : memref<40x16x2048xf32, #tpu.memory_space<vmem>>, vector<40x1x2048xf32>
    %get3A_40 = vector.shape_cast %get3A_39 : vector<40x1x2048xf32> to vector<40x2048xf32>
    %get3A_41 = arith.constant 4 : index
    %get3A_42 = memref.load %arg3[%get3A_41] : memref<16xf32, #tpu.memory_space<smem>>
    %mul3A_43 = vector.broadcast %get3A_42 : f32 to vector<40x2048xf32>
    %mul3A_44 = arith.mulf %get3A_40, %mul3A_43 : vector<40x2048xf32>
    %add3A_45 = arith.addf %add3A_35, %mul3A_44 : vector<40x2048xf32>
    %get3A_46 = arith.constant 0 : index
    %get3A_47 = arith.constant 5 : index
    %get3A_48 = arith.constant 0 : index
    %get3A_49 = vector.load %arg1[%get3A_46, %get3A_47, %get3A_48] : memref<40x16x2048xf32, #tpu.memory_space<vmem>>, vector<40x1x2048xf32>
    %get3A_50 = vector.shape_cast %get3A_49 : vector<40x1x2048xf32> to vector<40x2048xf32>
    %get3A_51 = arith.constant 5 : index
    %get3A_52 = memref.load %arg3[%get3A_51] : memref<16xf32, #tpu.memory_space<smem>>
    %mul3A_53 = vector.broadcast %get3A_52 : f32 to vector<40x2048xf32>
    %mul3A_54 = arith.mulf %get3A_50, %mul3A_53 : vector<40x2048xf32>
    %add3A_55 = arith.addf %add3A_45, %mul3A_54 : vector<40x2048xf32>
    %get3A_56 = arith.constant 0 : index
    %get3A_57 = arith.constant 6 : index
    %get3A_58 = arith.constant 0 : index
    %get3A_59 = vector.load %arg1[%get3A_56, %get3A_57, %get3A_58] : memref<40x16x2048xf32, #tpu.memory_space<vmem>>, vector<40x1x2048xf32>
    %get3A_60 = vector.shape_cast %get3A_59 : vector<40x1x2048xf32> to vector<40x2048xf32>
    %get3A_61 = arith.constant 6 : index
    %get3A_62 = memref.load %arg3[%get3A_61] : memref<16xf32, #tpu.memory_space<smem>>
    %mul3A_63 = vector.broadcast %get3A_62 : f32 to vector<40x2048xf32>
    %mul3A_64 = arith.mulf %get3A_60, %mul3A_63 : vector<40x2048xf32>
    %add3A_65 = arith.addf %add3A_55, %mul3A_64 : vector<40x2048xf32>
    %get3A_66 = arith.constant 0 : index
    %get3A_67 = arith.constant 7 : index
    %get3A_68 = arith.constant 0 : index
    %get3A_69 = vector.load %arg1[%get3A_66, %get3A_67, %get3A_68] : memref<40x16x2048xf32, #tpu.memory_space<vmem>>, vector<40x1x2048xf32>
    %get3A_70 = vector.shape_cast %get3A_69 : vector<40x1x2048xf32> to vector<40x2048xf32>
    %get3A_71 = arith.constant 7 : index
    %get3A_72 = memref.load %arg3[%get3A_71] : memref<16xf32, #tpu.memory_space<smem>>
    %mul3A_73 = vector.broadcast %get3A_72 : f32 to vector<40x2048xf32>
    %mul3A_74 = arith.mulf %get3A_70, %mul3A_73 : vector<40x2048xf32>
    %add3A_75 = arith.addf %add3A_65, %mul3A_74 : vector<40x2048xf32>
    %get3A_76 = arith.constant 0 : index
    %get3A_77 = arith.constant 8 : index
    %get3A_78 = arith.constant 0 : index
    %get3A_79 = vector.load %arg1[%get3A_76, %get3A_77, %get3A_78] : memref<40x16x2048xf32, #tpu.memory_space<vmem>>, vector<40x1x2048xf32>
    %get3A_80 = vector.shape_cast %get3A_79 : vector<40x1x2048xf32> to vector<40x2048xf32>
    %get3A_81 = arith.constant 8 : index
    %get3A_82 = memref.load %arg3[%get3A_81] : memref<16xf32, #tpu.memory_space<smem>>
    %mul3A_83 = vector.broadcast %get3A_82 : f32 to vector<40x2048xf32>
    %mul3A_84 = arith.mulf %get3A_80, %mul3A_83 : vector<40x2048xf32>
    %add3A_85 = arith.addf %add3A_75, %mul3A_84 : vector<40x2048xf32>
    %get3A_86 = arith.constant 0 : index
    %get3A_87 = arith.constant 9 : index
    %get3A_88 = arith.constant 0 : index
    %get3A_89 = vector.load %arg1[%get3A_86, %get3A_87, %get3A_88] : memref<40x16x2048xf32, #tpu.memory_space<vmem>>, vector<40x1x2048xf32>
    %get3A_90 = vector.shape_cast %get3A_89 : vector<40x1x2048xf32> to vector<40x2048xf32>
    %get3A_91 = arith.constant 9 : index
    %get3A_92 = memref.load %arg3[%get3A_91] : memref<16xf32, #tpu.memory_space<smem>>
    %mul3A_93 = vector.broadcast %get3A_92 : f32 to vector<40x2048xf32>
    %mul3A_94 = arith.mulf %get3A_90, %mul3A_93 : vector<40x2048xf32>
    %add3A_95 = arith.addf %add3A_85, %mul3A_94 : vector<40x2048xf32>
    %get3A_96 = arith.constant 0 : index
    %get3A_97 = arith.constant 10 : index
    %get3A_98 = arith.constant 0 : index
    %get3A_99 = vector.load %arg1[%get3A_96, %get3A_97, %get3A_98] : memref<40x16x2048xf32, #tpu.memory_space<vmem>>, vector<40x1x2048xf32>
    %get3A_100 = vector.shape_cast %get3A_99 : vector<40x1x2048xf32> to vector<40x2048xf32>
    %get3A_101 = arith.constant 10 : index
    %get3A_102 = memref.load %arg3[%get3A_101] : memref<16xf32, #tpu.memory_space<smem>>
    %mul3A_103 = vector.broadcast %get3A_102 : f32 to vector<40x2048xf32>
    %mul3A_104 = arith.mulf %get3A_100, %mul3A_103 : vector<40x2048xf32>
    %add3A_105 = arith.addf %add3A_95, %mul3A_104 : vector<40x2048xf32>
    %get3A_106 = arith.constant 0 : index
    %get3A_107 = arith.constant 11 : index
    %get3A_108 = arith.constant 0 : index
    %get3A_109 = vector.load %arg1[%get3A_106, %get3A_107, %get3A_108] : memref<40x16x2048xf32, #tpu.memory_space<vmem>>, vector<40x1x2048xf32>
    %get3A_110 = vector.shape_cast %get3A_109 : vector<40x1x2048xf32> to vector<40x2048xf32>
    %get3A_111 = arith.constant 11 : index
    %get3A_112 = memref.load %arg3[%get3A_111] : memref<16xf32, #tpu.memory_space<smem>>
    %mul3A_113 = vector.broadcast %get3A_112 : f32 to vector<40x2048xf32>
    %mul3A_114 = arith.mulf %get3A_110, %mul3A_113 : vector<40x2048xf32>
    %add3A_115 = arith.addf %add3A_105, %mul3A_114 : vector<40x2048xf32>
    %get3A_116 = arith.constant 0 : index
    %get3A_117 = arith.constant 12 : index
    %get3A_118 = arith.constant 0 : index
    %get3A_119 = vector.load %arg1[%get3A_116, %get3A_117, %get3A_118] : memref<40x16x2048xf32, #tpu.memory_space<vmem>>, vector<40x1x2048xf32>
    %get3A_120 = vector.shape_cast %get3A_119 : vector<40x1x2048xf32> to vector<40x2048xf32>
    %get3A_121 = arith.constant 12 : index
    %get3A_122 = memref.load %arg3[%get3A_121] : memref<16xf32, #tpu.memory_space<smem>>
    %mul3A_123 = vector.broadcast %get3A_122 : f32 to vector<40x2048xf32>
    %mul3A_124 = arith.mulf %get3A_120, %mul3A_123 : vector<40x2048xf32>
    %add3A_125 = arith.addf %add3A_115, %mul3A_124 : vector<40x2048xf32>
    %get3A_126 = arith.constant 0 : index
    %get3A_127 = arith.constant 13 : index
    %get3A_128 = arith.constant 0 : index
    %get3A_129 = vector.load %arg1[%get3A_126, %get3A_127, %get3A_128] : memref<40x16x2048xf32, #tpu.memory_space<vmem>>, vector<40x1x2048xf32>
    %get3A_130 = vector.shape_cast %get3A_129 : vector<40x1x2048xf32> to vector<40x2048xf32>
    %get3A_131 = arith.constant 13 : index
    %get3A_132 = memref.load %arg3[%get3A_131] : memref<16xf32, #tpu.memory_space<smem>>
    %mul3A_133 = vector.broadcast %get3A_132 : f32 to vector<40x2048xf32>
    %mul3A_134 = arith.mulf %get3A_130, %mul3A_133 : vector<40x2048xf32>
    %add3A_135 = arith.addf %add3A_125, %mul3A_134 : vector<40x2048xf32>
    %get3A_136 = arith.constant 0 : index
    %get3A_137 = arith.constant 14 : index
    %get3A_138 = arith.constant 0 : index
    %get3A_139 = vector.load %arg1[%get3A_136, %get3A_137, %get3A_138] : memref<40x16x2048xf32, #tpu.memory_space<vmem>>, vector<40x1x2048xf32>
    %get3A_140 = vector.shape_cast %get3A_139 : vector<40x1x2048xf32> to vector<40x2048xf32>
    %get3A_141 = arith.constant 14 : index
    %get3A_142 = memref.load %arg3[%get3A_141] : memref<16xf32, #tpu.memory_space<smem>>
    %mul3A_143 = vector.broadcast %get3A_142 : f32 to vector<40x2048xf32>
    %mul3A_144 = arith.mulf %get3A_140, %mul3A_143 : vector<40x2048xf32>
    %add3A_145 = arith.addf %add3A_135, %mul3A_144 : vector<40x2048xf32>
    %get3A_146 = arith.constant 0 : index
    %get3A_147 = arith.constant 15 : index
    %get3A_148 = arith.constant 0 : index
    %get3A_149 = vector.load %arg1[%get3A_146, %get3A_147, %get3A_148] : memref<40x16x2048xf32, #tpu.memory_space<vmem>>, vector<40x1x2048xf32>
    %get3A_150 = vector.shape_cast %get3A_149 : vector<40x1x2048xf32> to vector<40x2048xf32>
    %get3A_151 = arith.constant 15 : index
    %get3A_152 = memref.load %arg3[%get3A_151] : memref<16xf32, #tpu.memory_space<smem>>
    %mul3A_153 = vector.broadcast %get3A_152 : f32 to vector<40x2048xf32>
    %mul3A_154 = arith.mulf %get3A_150, %mul3A_153 : vector<40x2048xf32>
    %add3A_155 = arith.addf %add3A_145, %mul3A_154 : vector<40x2048xf32>
    %get3A_156 = arith.constant 0 : index
    %get3A_157 = memref.load %arg4[%get3A_156] : memref<1xf32, #tpu.memory_space<smem>>
    %add3A_158 = vector.broadcast %get3A_157 : f32 to vector<40x2048xf32>
    %add3A_159 = arith.addf %add3A_155, %add3A_158 : vector<40x2048xf32>
    %exp3A = math.exp %add3A_159 : vector<40x2048xf32>
    %get3A_160 = arith.constant 0 : index
    %get3A_161 = arith.constant 0 : index
    %get3A_162 = vector.load %arg2[%get3A_160, %get3A_161] : memref<40x2048xf32, #tpu.memory_space<vmem>>, vector<40x2048xf32>
    %mul3A_163 = arith.mulf %exp3A, %get3A_162 : vector<40x2048xf32>
    %swap3A = arith.constant 0 : index
    %swap3A_164 = arith.constant 0 : index
    %swap3A_165 = vector.load %arg6[%swap3A, %swap3A_164] : memref<40x2048xf32, #tpu.memory_space<vmem>>, vector<40x2048xf32>
    tpu.vector_store %arg6[%swap3A, %swap3A_164], %mul3A_163 {strides = array<i32>} : memref<40x2048xf32, #tpu.memory_space<vmem>>, vector<40x2048xf32>,
    return
  }
  func.func @transform_0(%arg0: i32) -> (i32, i32, i32) {
    %c3_i32 = arith.constant 3 : i32
    %c0_i32 = arith.constant 0 : i32
    %c0_i32_0 = arith.constant 0 : i32
    return %c3_i32, %c0_i32, %arg0 : i32, i32, i32
  }
  func.func @transform_1(%arg0: i32) -> (i32, i32) {
    %c0_i32 = arith.constant 0 : i32
    %c0_i32_0 = arith.constant 0 : i32
    return %c0_i32, %arg0 : i32, i32
  }
  func.func @transform_2(%arg0: i32) -> i32 {
    %c0_i32 = arith.constant 0 : i32
    %c0_i32_0 = arith.constant 0 : i32
    return %c0_i32 : i32
  }
  func.func @transform_3(%arg0: i32) -> i32 {
    %c0_i32 = arith.constant 0 : i32
    %c0_i32_0 = arith.constant 0 : i32
    return %c0_i32 : i32
  }
  func.func @transform_5(%arg0: i32) -> (i32, i32) {
    %c3_i32 = arith.constant 3 : i32
    %c0_i32 = arith.constant 0 : i32
    return %c3_i32, %arg0 : i32, i32
  }
}

module attributes {stable_mosaic.version = 14 : i64} {
  func.func @_tc_body(%arg0: i32, %arg1: memref<40x16x2048xf32, #tpu.memory_space<vmem>>, %arg2: memref<40x2048xf32, #tpu.memory_space<vmem>>, %arg3: memref<16xf32, #tpu.memory_space<smem>>, %arg4: memref<1xf32, #tpu.memory_space<smem>>, %arg5: memref<200x16384xf32, #tpu.memory_space<any>>, %arg6: memref<40x2048xf32, #tpu.memory_space<vmem>>) attributes {dimension_semantics = [#tpu.dimension_semantics<arbitrary>], iteration_bounds = array<i64: 8>, scalar_prefetch = 0 : i64, scratch_operands = 0 : i64, tpu.core_type = #tpu.core_type<tc>, window_params = [{transform_indices = @transform_0, window_bounds = array<i64: 40, 16, 2048>}, {transform_indices = @transform_1, window_bounds = array<i64: 40, 2048>}, {transform_indices = @transform_2, window_bounds = array<i64: 16>}, {transform_indices = @transform_3, window_bounds = array<i64: 1>}, {}, {transform_indices = @transform_5, window_bounds = array<i64: 40, 2048>}]} {
    %get3A = arith.constant 0 : index
    %get3A_0 = arith.constant 0 : index
    %get3A_1 = arith.constant 0 : index
    %get3A_2 = vector.load %arg1[%get3A, %get3A_0, %get3A_1] : memref<40x16x2048xf32, #tpu.memory_space<vmem>>, vector<40x1x2048xf32>
    %get3A_3 = vector.shape_cast %get3A_2 : vector<40x1x2048xf32> to vector<40x2048xf32>
    %get3A_4 = arith.constant 0 : index
    %get3A_5 = memref.load %arg3[%get3A_4] : memref<16xf32, #tpu.memory_space<smem>>
    %mul3A = vector.broadcast %get3A_5 : f32 to vector<40x2048xf32>
    %mul3A_6 = arith.mulf %get3A_3, %mul3A : vector<40x2048xf32>
    %get3A_7 = arith.constant 0 : index
    %get3A_8 = arith.constant 1 : index
    %get3A_9 = arith.constant 0 : index
    %get3A_10 = vector.load %arg1[%get3A_7, %get3A_8, %get3A_9] : memref<40x16x2048xf32, #tpu.memory_space<vmem>>, vector<40x1x2048xf32>
    %get3A_11 = vector.shape_cast %get3A_10 : vector<40x1x2048xf32> to vector<40x2048xf32>
    %get3A_12 = arith.constant 1 : index
    %get3A_13 = memref.load %arg3[%get3A_12] : memref<16xf32, #tpu.memory_space<smem>>
    %mul3A_14 = vector.broadcast %get3A_13 : f32 to vector<40x2048xf32>
    %mul3A_15 = arith.mulf %get3A_11, %mul3A_14 : vector<40x2048xf32>
    %add3A = arith.addf %mul3A_6, %mul3A_15 : vector<40x2048xf32>
    %get3A_16 = arith.constant 0 : index
    %get3A_17 = arith.constant 2 : index
    %get3A_18 = arith.constant 0 : index
    %get3A_19 = vector.load %arg1[%get3A_16, %get3A_17, %get3A_18] : memref<40x16x2048xf32, #tpu.memory_space<vmem>>, vector<40x1x2048xf32>
    %get3A_20 = vector.shape_cast %get3A_19 : vector<40x1x2048xf32> to vector<40x2048xf32>
    %get3A_21 = arith.constant 2 : index
    %get3A_22 = memref.load %arg3[%get3A_21] : memref<16xf32, #tpu.memory_space<smem>>
    %mul3A_23 = vector.broadcast %get3A_22 : f32 to vector<40x2048xf32>
    %mul3A_24 = arith.mulf %get3A_20, %mul3A_23 : vector<40x2048xf32>
    %add3A_25 = arith.addf %add3A, %mul3A_24 : vector<40x2048xf32>
    %get3A_26 = arith.constant 0 : index
    %get3A_27 = arith.constant 3 : index
    %get3A_28 = arith.constant 0 : index
    %get3A_29 = vector.load %arg1[%get3A_26, %get3A_27, %get3A_28] : memref<40x16x2048xf32, #tpu.memory_space<vmem>>, vector<40x1x2048xf32>
    %get3A_30 = vector.shape_cast %get3A_29 : vector<40x1x2048xf32> to vector<40x2048xf32>
    %get3A_31 = arith.constant 3 : index
    %get3A_32 = memref.load %arg3[%get3A_31] : memref<16xf32, #tpu.memory_space<smem>>
    %mul3A_33 = vector.broadcast %get3A_32 : f32 to vector<40x2048xf32>
    %mul3A_34 = arith.mulf %get3A_30, %mul3A_33 : vector<40x2048xf32>
    %add3A_35 = arith.addf %add3A_25, %mul3A_34 : vector<40x2048xf32>
    %get3A_36 = arith.constant 0 : index
    %get3A_37 = arith.constant 4 : index
    %get3A_38 = arith.constant 0 : index
    %get3A_39 = vector.load %arg1[%get3A_36, %get3A_37, %get3A_38] : memref<40x16x2048xf32, #tpu.memory_space<vmem>>, vector<40x1x2048xf32>
    %get3A_40 = vector.shape_cast %get3A_39 : vector<40x1x2048xf32> to vector<40x2048xf32>
    %get3A_41 = arith.constant 4 : index
    %get3A_42 = memref.load %arg3[%get3A_41] : memref<16xf32, #tpu.memory_space<smem>>
    %mul3A_43 = vector.broadcast %get3A_42 : f32 to vector<40x2048xf32>
    %mul3A_44 = arith.mulf %get3A_40, %mul3A_43 : vector<40x2048xf32>
    %add3A_45 = arith.addf %add3A_35, %mul3A_44 : vector<40x2048xf32>
    %get3A_46 = arith.constant 0 : index
    %get3A_47 = arith.constant 5 : index
    %get3A_48 = arith.constant 0 : index
    %get3A_49 = vector.load %arg1[%get3A_46, %get3A_47, %get3A_48] : memref<40x16x2048xf32, #tpu.memory_space<vmem>>, vector<40x1x2048xf32>
    %get3A_50 = vector.shape_cast %get3A_49 : vector<40x1x2048xf32> to vector<40x2048xf32>
    %get3A_51 = arith.constant 5 : index
    %get3A_52 = memref.load %arg3[%get3A_51] : memref<16xf32, #tpu.memory_space<smem>>
    %mul3A_53 = vector.broadcast %get3A_52 : f32 to vector<40x2048xf32>
    %mul3A_54 = arith.mulf %get3A_50, %mul3A_53 : vector<40x2048xf32>
    %add3A_55 = arith.addf %add3A_45, %mul3A_54 : vector<40x2048xf32>
    %get3A_56 = arith.constant 0 : index
    %get3A_57 = arith.constant 6 : index
    %get3A_58 = arith.constant 0 : index
    %get3A_59 = vector.load %arg1[%get3A_56, %get3A_57, %get3A_58] : memref<40x16x2048xf32, #tpu.memory_space<vmem>>, vector<40x1x2048xf32>
    %get3A_60 = vector.shape_cast %get3A_59 : vector<40x1x2048xf32> to vector<40x2048xf32>
    %get3A_61 = arith.constant 6 : index
    %get3A_62 = memref.load %arg3[%get3A_61] : memref<16xf32, #tpu.memory_space<smem>>
    %mul3A_63 = vector.broadcast %get3A_62 : f32 to vector<40x2048xf32>
    %mul3A_64 = arith.mulf %get3A_60, %mul3A_63 : vector<40x2048xf32>
    %add3A_65 = arith.addf %add3A_55, %mul3A_64 : vector<40x2048xf32>
    %get3A_66 = arith.constant 0 : index
    %get3A_67 = arith.constant 7 : index
    %get3A_68 = arith.constant 0 : index
    %get3A_69 = vector.load %arg1[%get3A_66, %get3A_67, %get3A_68] : memref<40x16x2048xf32, #tpu.memory_space<vmem>>, vector<40x1x2048xf32>
    %get3A_70 = vector.shape_cast %get3A_69 : vector<40x1x2048xf32> to vector<40x2048xf32>
    %get3A_71 = arith.constant 7 : index
    %get3A_72 = memref.load %arg3[%get3A_71] : memref<16xf32, #tpu.memory_space<smem>>
    %mul3A_73 = vector.broadcast %get3A_72 : f32 to vector<40x2048xf32>
    %mul3A_74 = arith.mulf %get3A_70, %mul3A_73 : vector<40x2048xf32>
    %add3A_75 = arith.addf %add3A_65, %mul3A_74 : vector<40x2048xf32>
    %get3A_76 = arith.constant 0 : index
    %get3A_77 = arith.constant 8 : index
    %get3A_78 = arith.constant 0 : index
    %get3A_79 = vector.load %arg1[%get3A_76, %get3A_77, %get3A_78] : memref<40x16x2048xf32, #tpu.memory_space<vmem>>, vector<40x1x2048xf32>
    %get3A_80 = vector.shape_cast %get3A_79 : vector<40x1x2048xf32> to vector<40x2048xf32>
    %get3A_81 = arith.constant 8 : index
    %get3A_82 = memref.load %arg3[%get3A_81] : memref<16xf32, #tpu.memory_space<smem>>
    %mul3A_83 = vector.broadcast %get3A_82 : f32 to vector<40x2048xf32>
    %mul3A_84 = arith.mulf %get3A_80, %mul3A_83 : vector<40x2048xf32>
    %add3A_85 = arith.addf %add3A_75, %mul3A_84 : vector<40x2048xf32>
    %get3A_86 = arith.constant 0 : index
    %get3A_87 = arith.constant 9 : index
    %get3A_88 = arith.constant 0 : index
    %get3A_89 = vector.load %arg1[%get3A_86, %get3A_87, %get3A_88] : memref<40x16x2048xf32, #tpu.memory_space<vmem>>, vector<40x1x2048xf32>
    %get3A_90 = vector.shape_cast %get3A_89 : vector<40x1x2048xf32> to vector<40x2048xf32>
    %get3A_91 = arith.constant 9 : index
    %get3A_92 = memref.load %arg3[%get3A_91] : memref<16xf32, #tpu.memory_space<smem>>
    %mul3A_93 = vector.broadcast %get3A_92 : f32 to vector<40x2048xf32>
    %mul3A_94 = arith.mulf %get3A_90, %mul3A_93 : vector<40x2048xf32>
    %add3A_95 = arith.addf %add3A_85, %mul3A_94 : vector<40x2048xf32>
    %get3A_96 = arith.constant 0 : index
    %get3A_97 = arith.constant 10 : index
    %get3A_98 = arith.constant 0 : index
    %get3A_99 = vector.load %arg1[%get3A_96, %get3A_97, %get3A_98] : memref<40x16x2048xf32, #tpu.memory_space<vmem>>, vector<40x1x2048xf32>
    %get3A_100 = vector.shape_cast %get3A_99 : vector<40x1x2048xf32> to vector<40x2048xf32>
    %get3A_101 = arith.constant 10 : index
    %get3A_102 = memref.load %arg3[%get3A_101] : memref<16xf32, #tpu.memory_space<smem>>
    %mul3A_103 = vector.broadcast %get3A_102 : f32 to vector<40x2048xf32>
    %mul3A_104 = arith.mulf %get3A_100, %mul3A_103 : vector<40x2048xf32>
    %add3A_105 = arith.addf %add3A_95, %mul3A_104 : vector<40x2048xf32>
    %get3A_106 = arith.constant 0 : index
    %get3A_107 = arith.constant 11 : index
    %get3A_108 = arith.constant 0 : index
    %get3A_109 = vector.load %arg1[%get3A_106, %get3A_107, %get3A_108] : memref<40x16x2048xf32, #tpu.memory_space<vmem>>, vector<40x1x2048xf32>
    %get3A_110 = vector.shape_cast %get3A_109 : vector<40x1x2048xf32> to vector<40x2048xf32>
    %get3A_111 = arith.constant 11 : index
    %get3A_112 = memref.load %arg3[%get3A_111] : memref<16xf32, #tpu.memory_space<smem>>
    %mul3A_113 = vector.broadcast %get3A_112 : f32 to vector<40x2048xf32>
    %mul3A_114 = arith.mulf %get3A_110, %mul3A_113 : vector<40x2048xf32>
    %add3A_115 = arith.addf %add3A_105, %mul3A_114 : vector<40x2048xf32>
    %get3A_116 = arith.constant 0 : index
    %get3A_117 = arith.constant 12 : index
    %get3A_118 = arith.constant 0 : index
    %get3A_119 = vector.load %arg1[%get3A_116, %get3A_117, %get3A_118] : memref<40x16x2048xf32, #tpu.memory_space<vmem>>, vector<40x1x2048xf32>
    %get3A_120 = vector.shape_cast %get3A_119 : vector<40x1x2048xf32> to vector<40x2048xf32>
    %get3A_121 = arith.constant 12 : index
    %get3A_122 = memref.load %arg3[%get3A_121] : memref<16xf32, #tpu.memory_space<smem>>
    %mul3A_123 = vector.broadcast %get3A_122 : f32 to vector<40x2048xf32>
    %mul3A_124 = arith.mulf %get3A_120, %mul3A_123 : vector<40x2048xf32>
    %add3A_125 = arith.addf %add3A_115, %mul3A_124 : vector<40x2048xf32>
    %get3A_126 = arith.constant 0 : index
    %get3A_127 = arith.constant 13 : index
    %get3A_128 = arith.constant 0 : index
    %get3A_129 = vector.load %arg1[%get3A_126, %get3A_127, %get3A_128] : memref<40x16x2048xf32, #tpu.memory_space<vmem>>, vector<40x1x2048xf32>
    %get3A_130 = vector.shape_cast %get3A_129 : vector<40x1x2048xf32> to vector<40x2048xf32>
    %get3A_131 = arith.constant 13 : index
    %get3A_132 = memref.load %arg3[%get3A_131] : memref<16xf32, #tpu.memory_space<smem>>
    %mul3A_133 = vector.broadcast %get3A_132 : f32 to vector<40x2048xf32>
    %mul3A_134 = arith.mulf %get3A_130, %mul3A_133 : vector<40x2048xf32>
    %add3A_135 = arith.addf %add3A_125, %mul3A_134 : vector<40x2048xf32>
    %get3A_136 = arith.constant 0 : index
    %get3A_137 = arith.constant 14 : index
    %get3A_138 = arith.constant 0 : index
    %get3A_139 = vector.load %arg1[%get3A_136, %get3A_137, %get3A_138] : memref<40x16x2048xf32, #tpu.memory_space<vmem>>, vector<40x1x2048xf32>
    %get3A_140 = vector.shape_cast %get3A_139 : vector<40x1x2048xf32> to vector<40x2048xf32>
    %get3A_141 = arith.constant 14 : index
    %get3A_142 = memref.load %arg3[%get3A_141] : memref<16xf32, #tpu.memory_space<smem>>
    %mul3A_143 = vector.broadcast %get3A_142 : f32 to vector<40x2048xf32>
    %mul3A_144 = arith.mulf %get3A_140, %mul3A_143 : vector<40x2048xf32>
    %add3A_145 = arith.addf %add3A_135, %mul3A_144 : vector<40x2048xf32>
    %get3A_146 = arith.constant 0 : index
    %get3A_147 = arith.constant 15 : index
    %get3A_148 = arith.constant 0 : index
    %get3A_149 = vector.load %arg1[%get3A_146, %get3A_147, %get3A_148] : memref<40x16x2048xf32, #tpu.memory_space<vmem>>, vector<40x1x2048xf32>
    %get3A_150 = vector.shape_cast %get3A_149 : vector<40x1x2048xf32> to vector<40x2048xf32>
    %get3A_151 = arith.constant 15 : index
    %get3A_152 = memref.load %arg3[%get3A_151] : memref<16xf32, #tpu.memory_space<smem>>
    %mul3A_153 = vector.broadcast %get3A_152 : f32 to vector<40x2048xf32>
    %mul3A_154 = arith.mulf %get3A_150, %mul3A_153 : vector<40x2048xf32>
    %add3A_155 = arith.addf %add3A_145, %mul3A_154 : vector<40x2048xf32>
    %get3A_156 = arith.constant 0 : index
    %get3A_157 = memref.load %arg4[%get3A_156] : memref<1xf32, #tpu.memory_space<smem>>
    %add3A_158 = vector.broadcast %get3A_157 : f32 to vector<40x2048xf32>
    %add3A_159 = arith.addf %add3A_155, %add3A_158 : vector<40x2048xf32>
    %exp3A = math.exp %add3A_159 : vector<40x2048xf32>
    %get3A_160 = arith.constant 0 : index
    %get3A_161 = arith.constant 0 : index
    %get3A_162 = vector.load %arg2[%get3A_160, %get3A_161] : memref<40x2048xf32, #tpu.memory_space<vmem>>, vector<40x2048xf32>
    %mul3A_163 = arith.mulf %exp3A, %get3A_162 : vector<40x2048xf32>
    %swap3A = arith.constant 0 : index
    %swap3A_164 = arith.constant 0 : index
    %swap3A_165 = vector.load %arg6[%swap3A, %swap3A_164] : memref<40x2048xf32, #tpu.memory_space<vmem>>, vector<40x2048xf32>
    tpu.vector_store %arg6[%swap3A, %swap3A_164], %mul3A_163 {strides = array<i32>} : memref<40x2048xf32, #tpu.memory_space<vmem>>, vector<40x2048xf32>,
    return
  }
  func.func @transform_0(%arg0: i32) -> (i32, i32, i32) {
    %c2_i32 = arith.constant 2 : i32
    %c0_i32 = arith.constant 0 : i32
    %c0_i32_0 = arith.constant 0 : i32
    return %c2_i32, %c0_i32, %arg0 : i32, i32, i32
  }
  func.func @transform_1(%arg0: i32) -> (i32, i32) {
    %c0_i32 = arith.constant 0 : i32
    %c0_i32_0 = arith.constant 0 : i32
    return %c0_i32, %arg0 : i32, i32
  }
  func.func @transform_2(%arg0: i32) -> i32 {
    %c0_i32 = arith.constant 0 : i32
    %c0_i32_0 = arith.constant 0 : i32
    return %c0_i32 : i32
  }
  func.func @transform_3(%arg0: i32) -> i32 {
    %c0_i32 = arith.constant 0 : i32
    %c0_i32_0 = arith.constant 0 : i32
    return %c0_i32 : i32
  }
  func.func @transform_5(%arg0: i32) -> (i32, i32) {
    %c2_i32 = arith.constant 2 : i32
    %c0_i32 = arith.constant 0 : i32
    return %c2_i32, %arg0 : i32, i32
  }
}

module attributes {stable_mosaic.version = 14 : i64} {
  func.func @_tc_body(%arg0: i32, %arg1: memref<40x16x2048xf32, #tpu.memory_space<vmem>>, %arg2: memref<40x2048xf32, #tpu.memory_space<vmem>>, %arg3: memref<16xf32, #tpu.memory_space<smem>>, %arg4: memref<1xf32, #tpu.memory_space<smem>>, %arg5: memref<200x16384xf32, #tpu.memory_space<any>>, %arg6: memref<40x2048xf32, #tpu.memory_space<vmem>>) attributes {dimension_semantics = [#tpu.dimension_semantics<arbitrary>], iteration_bounds = array<i64: 8>, scalar_prefetch = 0 : i64, scratch_operands = 0 : i64, tpu.core_type = #tpu.core_type<tc>, window_params = [{transform_indices = @transform_0, window_bounds = array<i64: 40, 16, 2048>}, {transform_indices = @transform_1, window_bounds = array<i64: 40, 2048>}, {transform_indices = @transform_2, window_bounds = array<i64: 16>}, {transform_indices = @transform_3, window_bounds = array<i64: 1>}, {}, {transform_indices = @transform_5, window_bounds = array<i64: 40, 2048>}]} {
    %get3A = arith.constant 0 : index
    %get3A_0 = arith.constant 0 : index
    %get3A_1 = arith.constant 0 : index
    %get3A_2 = vector.load %arg1[%get3A, %get3A_0, %get3A_1] : memref<40x16x2048xf32, #tpu.memory_space<vmem>>, vector<40x1x2048xf32>
    %get3A_3 = vector.shape_cast %get3A_2 : vector<40x1x2048xf32> to vector<40x2048xf32>
    %get3A_4 = arith.constant 0 : index
    %get3A_5 = memref.load %arg3[%get3A_4] : memref<16xf32, #tpu.memory_space<smem>>
    %mul3A = vector.broadcast %get3A_5 : f32 to vector<40x2048xf32>
    %mul3A_6 = arith.mulf %get3A_3, %mul3A : vector<40x2048xf32>
    %get3A_7 = arith.constant 0 : index
    %get3A_8 = arith.constant 1 : index
    %get3A_9 = arith.constant 0 : index
    %get3A_10 = vector.load %arg1[%get3A_7, %get3A_8, %get3A_9] : memref<40x16x2048xf32, #tpu.memory_space<vmem>>, vector<40x1x2048xf32>
    %get3A_11 = vector.shape_cast %get3A_10 : vector<40x1x2048xf32> to vector<40x2048xf32>
    %get3A_12 = arith.constant 1 : index
    %get3A_13 = memref.load %arg3[%get3A_12] : memref<16xf32, #tpu.memory_space<smem>>
    %mul3A_14 = vector.broadcast %get3A_13 : f32 to vector<40x2048xf32>
    %mul3A_15 = arith.mulf %get3A_11, %mul3A_14 : vector<40x2048xf32>
    %add3A = arith.addf %mul3A_6, %mul3A_15 : vector<40x2048xf32>
    %get3A_16 = arith.constant 0 : index
    %get3A_17 = arith.constant 2 : index
    %get3A_18 = arith.constant 0 : index
    %get3A_19 = vector.load %arg1[%get3A_16, %get3A_17, %get3A_18] : memref<40x16x2048xf32, #tpu.memory_space<vmem>>, vector<40x1x2048xf32>
    %get3A_20 = vector.shape_cast %get3A_19 : vector<40x1x2048xf32> to vector<40x2048xf32>
    %get3A_21 = arith.constant 2 : index
    %get3A_22 = memref.load %arg3[%get3A_21] : memref<16xf32, #tpu.memory_space<smem>>
    %mul3A_23 = vector.broadcast %get3A_22 : f32 to vector<40x2048xf32>
    %mul3A_24 = arith.mulf %get3A_20, %mul3A_23 : vector<40x2048xf32>
    %add3A_25 = arith.addf %add3A, %mul3A_24 : vector<40x2048xf32>
    %get3A_26 = arith.constant 0 : index
    %get3A_27 = arith.constant 3 : index
    %get3A_28 = arith.constant 0 : index
    %get3A_29 = vector.load %arg1[%get3A_26, %get3A_27, %get3A_28] : memref<40x16x2048xf32, #tpu.memory_space<vmem>>, vector<40x1x2048xf32>
    %get3A_30 = vector.shape_cast %get3A_29 : vector<40x1x2048xf32> to vector<40x2048xf32>
    %get3A_31 = arith.constant 3 : index
    %get3A_32 = memref.load %arg3[%get3A_31] : memref<16xf32, #tpu.memory_space<smem>>
    %mul3A_33 = vector.broadcast %get3A_32 : f32 to vector<40x2048xf32>
    %mul3A_34 = arith.mulf %get3A_30, %mul3A_33 : vector<40x2048xf32>
    %add3A_35 = arith.addf %add3A_25, %mul3A_34 : vector<40x2048xf32>
    %get3A_36 = arith.constant 0 : index
    %get3A_37 = arith.constant 4 : index
    %get3A_38 = arith.constant 0 : index
    %get3A_39 = vector.load %arg1[%get3A_36, %get3A_37, %get3A_38] : memref<40x16x2048xf32, #tpu.memory_space<vmem>>, vector<40x1x2048xf32>
    %get3A_40 = vector.shape_cast %get3A_39 : vector<40x1x2048xf32> to vector<40x2048xf32>
    %get3A_41 = arith.constant 4 : index
    %get3A_42 = memref.load %arg3[%get3A_41] : memref<16xf32, #tpu.memory_space<smem>>
    %mul3A_43 = vector.broadcast %get3A_42 : f32 to vector<40x2048xf32>
    %mul3A_44 = arith.mulf %get3A_40, %mul3A_43 : vector<40x2048xf32>
    %add3A_45 = arith.addf %add3A_35, %mul3A_44 : vector<40x2048xf32>
    %get3A_46 = arith.constant 0 : index
    %get3A_47 = arith.constant 5 : index
    %get3A_48 = arith.constant 0 : index
    %get3A_49 = vector.load %arg1[%get3A_46, %get3A_47, %get3A_48] : memref<40x16x2048xf32, #tpu.memory_space<vmem>>, vector<40x1x2048xf32>
    %get3A_50 = vector.shape_cast %get3A_49 : vector<40x1x2048xf32> to vector<40x2048xf32>
    %get3A_51 = arith.constant 5 : index
    %get3A_52 = memref.load %arg3[%get3A_51] : memref<16xf32, #tpu.memory_space<smem>>
    %mul3A_53 = vector.broadcast %get3A_52 : f32 to vector<40x2048xf32>
    %mul3A_54 = arith.mulf %get3A_50, %mul3A_53 : vector<40x2048xf32>
    %add3A_55 = arith.addf %add3A_45, %mul3A_54 : vector<40x2048xf32>
    %get3A_56 = arith.constant 0 : index
    %get3A_57 = arith.constant 6 : index
    %get3A_58 = arith.constant 0 : index
    %get3A_59 = vector.load %arg1[%get3A_56, %get3A_57, %get3A_58] : memref<40x16x2048xf32, #tpu.memory_space<vmem>>, vector<40x1x2048xf32>
    %get3A_60 = vector.shape_cast %get3A_59 : vector<40x1x2048xf32> to vector<40x2048xf32>
    %get3A_61 = arith.constant 6 : index
    %get3A_62 = memref.load %arg3[%get3A_61] : memref<16xf32, #tpu.memory_space<smem>>
    %mul3A_63 = vector.broadcast %get3A_62 : f32 to vector<40x2048xf32>
    %mul3A_64 = arith.mulf %get3A_60, %mul3A_63 : vector<40x2048xf32>
    %add3A_65 = arith.addf %add3A_55, %mul3A_64 : vector<40x2048xf32>
    %get3A_66 = arith.constant 0 : index
    %get3A_67 = arith.constant 7 : index
    %get3A_68 = arith.constant 0 : index
    %get3A_69 = vector.load %arg1[%get3A_66, %get3A_67, %get3A_68] : memref<40x16x2048xf32, #tpu.memory_space<vmem>>, vector<40x1x2048xf32>
    %get3A_70 = vector.shape_cast %get3A_69 : vector<40x1x2048xf32> to vector<40x2048xf32>
    %get3A_71 = arith.constant 7 : index
    %get3A_72 = memref.load %arg3[%get3A_71] : memref<16xf32, #tpu.memory_space<smem>>
    %mul3A_73 = vector.broadcast %get3A_72 : f32 to vector<40x2048xf32>
    %mul3A_74 = arith.mulf %get3A_70, %mul3A_73 : vector<40x2048xf32>
    %add3A_75 = arith.addf %add3A_65, %mul3A_74 : vector<40x2048xf32>
    %get3A_76 = arith.constant 0 : index
    %get3A_77 = arith.constant 8 : index
    %get3A_78 = arith.constant 0 : index
    %get3A_79 = vector.load %arg1[%get3A_76, %get3A_77, %get3A_78] : memref<40x16x2048xf32, #tpu.memory_space<vmem>>, vector<40x1x2048xf32>
    %get3A_80 = vector.shape_cast %get3A_79 : vector<40x1x2048xf32> to vector<40x2048xf32>
    %get3A_81 = arith.constant 8 : index
    %get3A_82 = memref.load %arg3[%get3A_81] : memref<16xf32, #tpu.memory_space<smem>>
    %mul3A_83 = vector.broadcast %get3A_82 : f32 to vector<40x2048xf32>
    %mul3A_84 = arith.mulf %get3A_80, %mul3A_83 : vector<40x2048xf32>
    %add3A_85 = arith.addf %add3A_75, %mul3A_84 : vector<40x2048xf32>
    %get3A_86 = arith.constant 0 : index
    %get3A_87 = arith.constant 9 : index
    %get3A_88 = arith.constant 0 : index
    %get3A_89 = vector.load %arg1[%get3A_86, %get3A_87, %get3A_88] : memref<40x16x2048xf32, #tpu.memory_space<vmem>>, vector<40x1x2048xf32>
    %get3A_90 = vector.shape_cast %get3A_89 : vector<40x1x2048xf32> to vector<40x2048xf32>
    %get3A_91 = arith.constant 9 : index
    %get3A_92 = memref.load %arg3[%get3A_91] : memref<16xf32, #tpu.memory_space<smem>>
    %mul3A_93 = vector.broadcast %get3A_92 : f32 to vector<40x2048xf32>
    %mul3A_94 = arith.mulf %get3A_90, %mul3A_93 : vector<40x2048xf32>
    %add3A_95 = arith.addf %add3A_85, %mul3A_94 : vector<40x2048xf32>
    %get3A_96 = arith.constant 0 : index
    %get3A_97 = arith.constant 10 : index
    %get3A_98 = arith.constant 0 : index
    %get3A_99 = vector.load %arg1[%get3A_96, %get3A_97, %get3A_98] : memref<40x16x2048xf32, #tpu.memory_space<vmem>>, vector<40x1x2048xf32>
    %get3A_100 = vector.shape_cast %get3A_99 : vector<40x1x2048xf32> to vector<40x2048xf32>
    %get3A_101 = arith.constant 10 : index
    %get3A_102 = memref.load %arg3[%get3A_101] : memref<16xf32, #tpu.memory_space<smem>>
    %mul3A_103 = vector.broadcast %get3A_102 : f32 to vector<40x2048xf32>
    %mul3A_104 = arith.mulf %get3A_100, %mul3A_103 : vector<40x2048xf32>
    %add3A_105 = arith.addf %add3A_95, %mul3A_104 : vector<40x2048xf32>
    %get3A_106 = arith.constant 0 : index
    %get3A_107 = arith.constant 11 : index
    %get3A_108 = arith.constant 0 : index
    %get3A_109 = vector.load %arg1[%get3A_106, %get3A_107, %get3A_108] : memref<40x16x2048xf32, #tpu.memory_space<vmem>>, vector<40x1x2048xf32>
    %get3A_110 = vector.shape_cast %get3A_109 : vector<40x1x2048xf32> to vector<40x2048xf32>
    %get3A_111 = arith.constant 11 : index
    %get3A_112 = memref.load %arg3[%get3A_111] : memref<16xf32, #tpu.memory_space<smem>>
    %mul3A_113 = vector.broadcast %get3A_112 : f32 to vector<40x2048xf32>
    %mul3A_114 = arith.mulf %get3A_110, %mul3A_113 : vector<40x2048xf32>
    %add3A_115 = arith.addf %add3A_105, %mul3A_114 : vector<40x2048xf32>
    %get3A_116 = arith.constant 0 : index
    %get3A_117 = arith.constant 12 : index
    %get3A_118 = arith.constant 0 : index
    %get3A_119 = vector.load %arg1[%get3A_116, %get3A_117, %get3A_118] : memref<40x16x2048xf32, #tpu.memory_space<vmem>>, vector<40x1x2048xf32>
    %get3A_120 = vector.shape_cast %get3A_119 : vector<40x1x2048xf32> to vector<40x2048xf32>
    %get3A_121 = arith.constant 12 : index
    %get3A_122 = memref.load %arg3[%get3A_121] : memref<16xf32, #tpu.memory_space<smem>>
    %mul3A_123 = vector.broadcast %get3A_122 : f32 to vector<40x2048xf32>
    %mul3A_124 = arith.mulf %get3A_120, %mul3A_123 : vector<40x2048xf32>
    %add3A_125 = arith.addf %add3A_115, %mul3A_124 : vector<40x2048xf32>
    %get3A_126 = arith.constant 0 : index
    %get3A_127 = arith.constant 13 : index
    %get3A_128 = arith.constant 0 : index
    %get3A_129 = vector.load %arg1[%get3A_126, %get3A_127, %get3A_128] : memref<40x16x2048xf32, #tpu.memory_space<vmem>>, vector<40x1x2048xf32>
    %get3A_130 = vector.shape_cast %get3A_129 : vector<40x1x2048xf32> to vector<40x2048xf32>
    %get3A_131 = arith.constant 13 : index
    %get3A_132 = memref.load %arg3[%get3A_131] : memref<16xf32, #tpu.memory_space<smem>>
    %mul3A_133 = vector.broadcast %get3A_132 : f32 to vector<40x2048xf32>
    %mul3A_134 = arith.mulf %get3A_130, %mul3A_133 : vector<40x2048xf32>
    %add3A_135 = arith.addf %add3A_125, %mul3A_134 : vector<40x2048xf32>
    %get3A_136 = arith.constant 0 : index
    %get3A_137 = arith.constant 14 : index
    %get3A_138 = arith.constant 0 : index
    %get3A_139 = vector.load %arg1[%get3A_136, %get3A_137, %get3A_138] : memref<40x16x2048xf32, #tpu.memory_space<vmem>>, vector<40x1x2048xf32>
    %get3A_140 = vector.shape_cast %get3A_139 : vector<40x1x2048xf32> to vector<40x2048xf32>
    %get3A_141 = arith.constant 14 : index
    %get3A_142 = memref.load %arg3[%get3A_141] : memref<16xf32, #tpu.memory_space<smem>>
    %mul3A_143 = vector.broadcast %get3A_142 : f32 to vector<40x2048xf32>
    %mul3A_144 = arith.mulf %get3A_140, %mul3A_143 : vector<40x2048xf32>
    %add3A_145 = arith.addf %add3A_135, %mul3A_144 : vector<40x2048xf32>
    %get3A_146 = arith.constant 0 : index
    %get3A_147 = arith.constant 15 : index
    %get3A_148 = arith.constant 0 : index
    %get3A_149 = vector.load %arg1[%get3A_146, %get3A_147, %get3A_148] : memref<40x16x2048xf32, #tpu.memory_space<vmem>>, vector<40x1x2048xf32>
    %get3A_150 = vector.shape_cast %get3A_149 : vector<40x1x2048xf32> to vector<40x2048xf32>
    %get3A_151 = arith.constant 15 : index
    %get3A_152 = memref.load %arg3[%get3A_151] : memref<16xf32, #tpu.memory_space<smem>>
    %mul3A_153 = vector.broadcast %get3A_152 : f32 to vector<40x2048xf32>
    %mul3A_154 = arith.mulf %get3A_150, %mul3A_153 : vector<40x2048xf32>
    %add3A_155 = arith.addf %add3A_145, %mul3A_154 : vector<40x2048xf32>
    %get3A_156 = arith.constant 0 : index
    %get3A_157 = memref.load %arg4[%get3A_156] : memref<1xf32, #tpu.memory_space<smem>>
    %add3A_158 = vector.broadcast %get3A_157 : f32 to vector<40x2048xf32>
    %add3A_159 = arith.addf %add3A_155, %add3A_158 : vector<40x2048xf32>
    %exp3A = math.exp %add3A_159 : vector<40x2048xf32>
    %get3A_160 = arith.constant 0 : index
    %get3A_161 = arith.constant 0 : index
    %get3A_162 = vector.load %arg2[%get3A_160, %get3A_161] : memref<40x2048xf32, #tpu.memory_space<vmem>>, vector<40x2048xf32>
    %mul3A_163 = arith.mulf %exp3A, %get3A_162 : vector<40x2048xf32>
    %swap3A = arith.constant 0 : index
    %swap3A_164 = arith.constant 0 : index
    %swap3A_165 = vector.load %arg6[%swap3A, %swap3A_164] : memref<40x2048xf32, #tpu.memory_space<vmem>>, vector<40x2048xf32>
    tpu.vector_store %arg6[%swap3A, %swap3A_164], %mul3A_163 {strides = array<i32>} : memref<40x2048xf32, #tpu.memory_space<vmem>>, vector<40x2048xf32>,
    return
  }
  func.func @transform_0(%arg0: i32) -> (i32, i32, i32) {
    %c4_i32 = arith.constant 4 : i32
    %c0_i32 = arith.constant 0 : i32
    %c0_i32_0 = arith.constant 0 : i32
    return %c4_i32, %c0_i32, %arg0 : i32, i32, i32
  }
  func.func @transform_1(%arg0: i32) -> (i32, i32) {
    %c0_i32 = arith.constant 0 : i32
    %c0_i32_0 = arith.constant 0 : i32
    return %c0_i32, %arg0 : i32, i32
  }
  func.func @transform_2(%arg0: i32) -> i32 {
    %c0_i32 = arith.constant 0 : i32
    %c0_i32_0 = arith.constant 0 : i32
    return %c0_i32 : i32
  }
  func.func @transform_3(%arg0: i32) -> i32 {
    %c0_i32 = arith.constant 0 : i32
    %c0_i32_0 = arith.constant 0 : i32
    return %c0_i32 : i32
  }
  func.func @transform_5(%arg0: i32) -> (i32, i32) {
    %c4_i32 = arith.constant 4 : i32
    %c0_i32 = arith.constant 0 : i32
    return %c4_i32, %arg0 : i32, i32
  }
}

</mosaic_0001>

<sc_bundles>
// kernel: kernel.12.cloned.1.call-start
scs
__scs_entry_jumppad:
0x0: {  	(pc) =	sbr.rel $0x88, $3  }
0x1: {  	(tag) =	ssettag $0x0;
	lr =	simm.s32 $0x1  }
0x2: {  	[smem:$0x3F9C] =	sst lr;
	_ =	strace $0xD0000000  }
0x3: {  	_ = 	snop  }
0x4: {  	_ = 	snop  }
0x5: {  	_ = 	snop  }
0x6: {  	_ = 	snop  }
0x7: {  	_ = 	snop  }
__scs_overlays_trampoline_lowered:
0x8: {  	[smem:$0x3FAB] =	sst s0  }
0x9: {  	[smem:$0x3FAC] =	sst s1  }
0xa: {  	[smem:$0x3FAD] =	sst s2  }
0xb: {  	[smem:$0x3FAE] =	sst s3  }
0xc: {  	[smem:$0x3FAF] =	sst s4  }
0xd: {  	[smem:$0x3FB0] =	sst s5  }
0xe: {  	[smem:$0x3FB1] =	sst s6  }
0xf: {  	[smem:$0x3FB2] =	sst s7  }
0x10: {  	[smem:$0x3FB3] =	sst s8  }
0x11: {  	[smem:$0x3FB4] =	sst s9;
	s0 =	simm.s32 @!p0 $0x0  }
0x12: {  	s1 =	sld [smem:$0x3F9A];
	s0 =	simm.s32 @p0 $0x1  }
0x13: {  	[smem:$0x3FB5] =	sst s0;
	s0 =	simm.s32 @!p1 $0x0  }
0x14: {  	s2 =	sld [smem:$0x3F99];
	s0 =	simm.s32 @p1 $0x1  }
0x15: {  	[smem:$0x3FB6] =	sst s0;
	s0 =	simm.s32 @!p2 $0x0  }
0x16: {  	s3 =	sld [smem:$0x3FDB];
	s0 =	simm.s32 @p2 $0x1  }
0x17: {  	s4 =	simm.s32 $0x1BF5;
	[smem:$0x3FB8] =	sst s0  }
0x18: {  	s0 =	sld [smem:$0x3F9B];
	_ =	swait.ge [sflag:s4], $0x0  }
0x19: {  	s7 =	sld [smem:$0x3F9C]  }
0x1a: {  	s8 =	sadd.s32 $0xFFFFE003, lr  }
0x1b: {  	s9 =	sadd.s32 $0xFFFFFEF7, lr;
	s5 =	simm.s32 $0xFFFFFFFF;
	p2 =	slt.u32 s8, $0xFFFFF086  }
0x1c: {  	p1 =	slt.u32 s9, $0xF7A;
	s5 =	simm.s32 @!p2 $0x0  }
0x1d: {  	s5 =	simm.s32 @p1 $0x1;
	p0 =	seq.s32 s7, s2  }
0x1e: {  	s7 =	smul.u32 @!p0 $0xF7A, s2;
	p2 =	seq.s32 @!p0 s5, $0x0  }
0x1f: {  	s9 =	smul.u32 $0xF7A, s1;
	s8 =	simm.s32 @!p0 $0x1BF5;
	p2 =	por !p2, p0  }
0x20: {  	[sflag:s8] =	ssyncset.s32 @!p0 $0xFFFFF086;
	s6 =	sadd.s32 @!p0 s3, s7;
	s7 =	simm.s32 @!p0 $0x108  }
0x21: {  	s3 =	sadd.s32 s3, s9;
	s6 =	sadd.s32 @!p0 $0x88, s6;
	s7 =	simm.s32 @p2 $0x1082  }
0x22: {  	[simem:s7], [sflag:s8] =	dma.local @!p0 [hbm:s6], $0xF7A  }
0x23: {  	s9 =	sor.u32 $0xD0000000, s2;
	s6 =	simm.s32 $0x108;
	_ =	swait.ge @!p0 [sflag:s8], $0x0  }
0x24: {  	s3 =	sadd.s32 $0x88, s3;
	s6 =	simm.s32 @!p1 $0x1082;
	[sflag:s4] =	ssyncset.s32 $0xFFFFF086  }
0x25: {  	[simem:s6], [sflag:s4] =	dma.local [hbm:s3], $0xF7A  }
0x26: {  	[smem:$0x3F9C] =	sst s1;
	(tag) =	ssettag s2;
	_ =	strace s9  }
0x27: {  	s1 =	sld [smem:$0x3FAC]  }
0x28: {  	s2 =	sld [smem:$0x3FAD]  }
0x29: {  	s4 =	sld [smem:$0x3FAF]  }
0x2a: {  	p0 =	seq.s32 s5, $0x0;
	s5 =	sld [smem:$0x3FB0]  }
0x2b: {  	s6 =	sld [smem:$0x3FB1]  }
0x2c: {  	s7 =	sld [smem:$0x3FB2]  }
0x2d: {  	s3 =	simm.s32 $0x108;
	s8 =	sld [smem:$0x3FB3]  }
0x2e: {  	s3 =	simm.s32 @!p0 $0x1082;
	s9 =	sld [smem:$0x3FB4]  }
0x2f: {  	lr =	sadd.s32 s0, s3;
	s0 =	sld [smem:$0x3FAB]  }
0x30: {  	s3 =	sld [smem:$0x3FAE]  }
0x31: {  	[smem:$0x3FB7] =	sst s10  }
0x32: {  	s10 =	sld [smem:$0x3FB5];
	_ =	sdelay $0x3  }
0x33: {  	p0 =	seq.s32 s10, $0x1;
	s10 =	sld [smem:$0x3FB7];
	_ =	sdelay $0x3  }
0x34: {  	[smem:$0x3FB7] =	sst s10  }
0x35: {  	s10 =	sld [smem:$0x3FB6];
	_ =	sdelay $0x3  }
0x36: {  	p1 =	seq.s32 s10, $0x1;
	s10 =	sld [smem:$0x3FB7];
	_ =	sdelay $0x3  }
0x37: {  	[smem:$0x3FB7] =	sst s10  }
0x38: {  	s10 =	sld [smem:$0x3FB8]  }
0x39: {  	_ = 	snop;
	(pc) =	sbr.ind lr, $3  }
0x3a: {  	_ = 	snop  }
0x3b: {  	_ = 	snop  }
0x3c: {  	p2 =	seq.s32 s10, $0x1;
	s10 =	sld [smem:$0x3FB7]  }
0x3d: {  	_ =	shalt  }
0x3e: {  	_ =	shalt  }
0x3f: {  	_ =	shalt  }
0x40: {  	_ =	shalt  }
0x41: {  	_ =	shalt  }
0x42: {  	_ =	shalt  }
0x43: {  	_ =	shalt  }
0x44: {  	_ =	shalt  }
0x45: {  	_ =	shalt  }
0x46: {  	_ =	shalt  }
0x47: {  	_ =	shalt  }
0x48: {  	_ =	shalt  }
0x49: {  	_ =	shalt  }
0x4a: {  	_ =	shalt  }
0x4b: {  	_ =	shalt  }
0x4c: {  	_ =	shalt  }
0x4d: {  	_ =	shalt  }
0x4e: {  	_ =	shalt  }
0x4f: {  	_ =	shalt  }
0x50: {  	_ =	shalt  }
0x51: {  	_ =	shalt  }
0x52: {  	_ =	shalt  }
0x53: {  	_ =	shalt  }
0x54: {  	_ =	shalt  }
0x55: {  	_ =	shalt  }
0x56: {  	_ =	shalt  }
0x57: {  	_ =	shalt  }
0x58: {  	_ =	shalt  }
0x59: {  	_ =	shalt  }
0x5a: {  	_ =	shalt  }
0x5b: {  	_ =	shalt  }
0x5c: {  	_ =	shalt  }
0x5d: {  	_ =	shalt  }
0x5e: {  	_ =	shalt  }
0x5f: {  	_ =	shalt  }
0x60: {  	_ =	shalt  }
0x61: {  	_ =	shalt  }
0x62: {  	_ =	shalt  }
0x63: {  	_ =	shalt  }
0x64: {  	_ =	shalt  }
0x65: {  	_ =	shalt  }
0x66: {  	_ =	shalt  }
0x67: {  	_ =	shalt  }
0x68: {  	_ =	shalt  }
0x69: {  	_ =	shalt  }
0x6a: {  	_ =	shalt  }
0x6b: {  	_ =	shalt  }
0x6c: {  	_ =	shalt  }
0x6d: {  	_ =	shalt  }
0x6e: {  	_ =	shalt  }
0x6f: {  	_ =	shalt  }
0x70: {  	_ =	shalt  }
0x71: {  	_ =	shalt  }
0x72: {  	_ =	shalt  }
0x73: {  	_ =	shalt  }
0x74: {  	_ =	shalt  }
0x75: {  	_ =	shalt  }
0x76: {  	_ =	shalt  }
0x77: {  	_ =	shalt  }
0x78: {  	_ =	shalt  }
0x79: {  	_ =	shalt  }
0x7a: {  	_ =	shalt  }
0x7b: {  	_ =	shalt  }
0x7c: {  	_ =	shalt  }
0x7d: {  	_ =	shalt  }
0x7e: {  	_ =	shalt  }
0x7f: {  	_ =	shalt  }
0x80: {  	_ =	shalt  }
0x81: {  	_ =	shalt  }
0x82: {  	_ =	shalt  }
0x83: {  	_ =	shalt  }
0x84: {  	_ =	shalt  }
0x85: {  	_ =	shalt  }
0x86: {  	_ =	shalt  }
0x87: {  	_ =	shalt  }
.Lfunc_end0:
.L_simem_size_0:
called_computation_lowered:
.L_overlay_start_0:
0x88: {  	s2 =	sld [smem:$0x3FD9]  }
0x89: {  	s3 =	sld [smem:$0x3FFE];
	_ =	sdelay $0x1  }
0x8a: {  	s1 =	srdreg.scid  }
0x8b: {  	s0 =	sand.u32 $0x1, s1  }
0x8c: {  	s18 =	sshll.u32 s0, $0xA;
	s2 =	sadd.s32 s3, s2  }
0x8d: {  	s2 =	sadd.s32 s2, s18  }
0x8e: {  	[smem:$0x3FC3] =	sst s2  }
0x8f: {  	_ = 	snop  }
0x90: {  	s2 =	sld [smem:$0x3FC8]  }
0x91: {  	s19 =	sld [smem:$0x3FC5]  }
0x92: {  	s4 =	sld [smem:$0x3FD0];
	(tm) =	ssettm $0x1  }
0x93: {  	s5 =	sld [smem:$0x3FFB];
	_ =	sdelay $0x3  }
0x94: {  	_ =	strace s5  }
0x95: {  	s5 =	sld [smem:$0x3FFC];
	_ =	sdelay $0x3  }
0x96: {  	_ =	strace s5  }
0x97: {  	s5 =	sld [smem:$0x3FFD];
	_ =	sdelay $0x3  }
0x98: {  	_ =	strace s5  }
0x99: {  	_ =	strace $0x8FFFFFFF  }
0x9a: {  	s20 =	sld [smem:$0x3FDB];
	_ =	sdelay $0x1  }
0x9b: {  	s6 =	simm.s32 $_scs_section_size  }
0x9c: {  	s7 =	simm.s32 $_size__tile_overlayer_lowered;
	s8 =	simm.s32 $_tile_overlayer_lowered  }
0x9d: {  	s23 =	simm.s32 $0x1BFF;
	s22 =	sshll.u32 s8, $0x1;
	s5 =	sadd.s32 s6, s20  }
0x9e: {  	s9 =	simm.s32 $0x0;
	s21 =	sshll.u32 s7, $0x1;
	s7 =	sadd.s32 s22, s5  }
0x9f: {  	[timem:s9], [sflag:s23] =	dma.local [hbm:s7], s21  }
0xa0: {  	_ =	swait.ge [sflag:s23], s21  }
0xa1: {  	s6 =	ssub.s32 $0x0, s21;
	[sflag:s23] =	ssyncset.done $0x0  }
0xa2: {  	[sflag:s23] =	ssyncadd.s32 s6;
	_ =	sdelay $0x1  }
0xa3: {  	s24 =	simm.s32 $0x1B8B  }
0xa4: {  	_ =	swait.ge [sflag:s24], $0x1  }
0xa5: {  	[sflag:s24] =	ssyncset.done $0x0  }
0xa6: {  	s25 =	simm.s32 $0x1B8E;
	[sflag:s24] =	ssyncadd.s32 $0xFFFFFFFF  }
0xa7: {  	s26 =	simm.s32 $execute0_lowered;
	[smem:$0x3FD2] =	sst s25  }
0xa8: {  	s6 =	sshll.u32 s26, $0x1;
	_ =	strace $0x80000046;
	[dreg:$0x1] =	wrdreg $0xFFFFFFFF  }
0xa9: {  	s28 =	simm.s32 $_size_execute0_lowered;
	s5 =	sadd.s32 s5, s6;
	[dreg:$0x0] =	wrdreg $0x0  }
0xaa: {  	s6 =	sshll.u32 s28, $0x1;
	[dreg:$0x2] =	wrdreg s5  }
0xab: {  	[dreg:$0x3] =	wrdreg s6  }
0xac: {  	[dreg:$0x4] =	wrdreg $0xC0  }
0xad: {  	_ =	task [dreg:s9], $0x5FFFF  }
0xae: {  	[dreg:$0x1] =	wrdreg $0xFFFFFFFF  }
0xaf: {  	[dreg:$0x0] =	wrdreg $0x60  }
0xb0: {  	[dreg:$0x2] =	wrdreg s2  }
0xb1: {  	[dreg:$0x3] =	wrdreg s19  }
0xb2: {  	[dreg:$0x4] =	wrdreg s4  }
0xb3: {  	[dreg:$0x5] =	wrdreg $0xA0000  }
0xb4: {  	[dreg:$0x6] =	wrdreg $0x9  }
0xb5: {  	_ =	task.clear_ibuf [dreg:s9], $0x7FFFF;
	_ =	strace $0x90000046  }
0xb6: {  	s29 =	simm.s32 $0x9;
	_ =	strace $0x80000048  }
0xb7: {  	_ =	swait.ge [sflag:s29], $0x1  }
0xb8: {  	[sflag:s29] =	ssyncadd.s32 $0xFFFFFFFF  }
0xb9: {  	_ =	strace $0x90000048  }
0xba: {  	_ =	sfence  }
0xbb: {  	s30 =	sld [smem:$0x0];
	_ =	sdelay $0x2  }
0xbc: {  	s31 =	sshll.u32 s1, $0xD;
	s1 =	sshrl.u32 s1, $0x2  }
0xbd: {  	s3 =	sand.u32 $0x4000, s31;
	s1 =	sadd.s32 s1, s30  }
0xbe: {  	s0 =	sor.u32 s3, s0;
	s1 =	sshll.u32 s1, $0x11  }
0xbf: {  	s0 =	sor.u32 s1, s0  }
0xc0: {  	s0 =	sadd.s32 $0x8F2B, s0  }
0xc1: {  	[sflag:s0] =	ssyncadd.remote.s32 $0x1  }
0xc2: {  	_ =	sfence.sel $0xFFFF  }
0xc3: {  	[dreg:$0x0] =	wrdreg $0xFFFFFFFF;
	(pc) =	sbr.abs _section_cstart, $3  }
0xc4: {  	[dreg:$0x1] =	wrdreg $0xFFFFFFFF  }
0xc5: {  	_ =	task.clear_ibuf [dreg:s9], $0x2FFFF;
	_ =	strace $0x9FFFFFFF  }
0xc6: {  	(tm) =	ssettm $0x7FFFFFFF  }
0xc7: {  	_ =	shalt  }
tec
execute0_lowered:
.L_overlay_start_1:
0x0: {  	(tag) =	ssettag $0x1  }
0x1: {  	s3 =	rddreg [dreg:$0x0]  }
0x2: {  	s0 =	srdreg.scid;
	s6 =	stileid.u32  }
0x3: {  	s4 =	rddreg [dreg:$0x1];
	s5 =	sand.u32 $0x1, s0;
	s31 =	sshll.u32 s6, $0x1  }
0x4: {  	s7 =	rddreg [dreg:$0x2];
	s0 =	sor.u32 s5, s31;
	s5 =	ssub.s32 $0x2, s5  }
0x5: {  	s2 =	rddreg [dreg:$0x3];
	s9 =	sshrl.u32 s5, $0x1  }
0x6: {  	s1 =	simm.s32 $0x0;
	s15 =	simm.s32 $0x1;
	s9 =	ssub.s32 s5, s9  }
0x7: {  	s12 =	simm.s32 $0x5000;
	s13 =	simm.s32 $0x2;
	s9 =	smax.u32 s9, $0x1  }
0x8: {  	p1 =	por $0x0, $0x0;
	[smem:$0x7FF] =	sst s1;
	s19 =	sadd.s32 $0xFFFFFFFF, s9  }
0x9: {  	p0 =	sne.s32 s6, $0x0;
	s8 =	smul.u32 $0x5000, s0;
	p2 =	sne.s32 s19, $0x0  }
.Ltmp0:
0xa: {  	s6 =	simm.s32 $0x5;
	s16 =	sshrl.u32 @!p0 s2, $0x3;
	(pc) =	sbr.rel @!p2 .LBB2_3-.Ltmp0, $4  }
0xb: {  	s0 =	rddreg [dreg:$0x4];
	_ =	strace $0x80000047;
	s8 =	sshrl.u32 s8, $0x3  }
0xc: {  	s10 =	sadd.s32 $0x500, s8;
	s14 =	sadd.s32 s3, s8;
	s5 =	sadd.s32 s7, s8  }
0xd: {  	s8 =	simm.s32 $0x3;
	s9 =	simm.s32 $0x4;
	s11 =	sadd.s32 s3, s10  }
0xe: {  	s3 =	sadd.s32 s7, s10;
	s7 =	simm.s32 $0x2800;
	s10 =	simm.s32 $0x7800  }
0xf: {  	s17 =	simm.s32 @!p0 $0x1C06;
	s18 =	simm.s32 @!p0 $0x6  }
0x10: {  	[spmem:s16], [sflag:s17] =	dma.local @!p0 [hbm:s4], $0x1E850  }
0x11: {  	_ =	swait.ge @!p0 [sflag:s18], $0x1E850  }
0x12: {  	[sflag:s18] =	ssyncset.done @!p0 $0x0  }
0x13: {  	[sflag:s18] =	ssyncadd.s32 @!p0 $0xFFFE17B0  }
0x14: {  	[tilespmem:s1], [sflag:$0x1] =	stream.linear.gather [hbm4b:s14+s1], $0x2800, $0x38;
	[tilespmem:$0x19428] =	vst v63  }
0x15: {  	[bflag:$0x0] =	sbarrier.arrive $0xFFFF  }
0x16: {  	[tilespmem:s7], [sflag:$0x2] =	stream.linear.gather [hbm4b:s11+s1], $0x2800, $0x38;
	[tilespmem:$0x19428] =	vst v63  }
0x17: {  	_ =	swait.ge [sflag:s15], $0x2800  }
0x18: {  	[sflag:s15] =	ssyncset.done $0x0  }
0x19: {  	[sflag:s15] =	ssyncadd.s32 $0xFFFFD800  }
0x1a: {  	[tilespmem:s12], [sflag:$0x3] =	stream.indirect.gather [spmem:s2], $0x1, s1, s7, $0xb8;
	[tilespmem:$0x19428] =	vst v63  }
0x1b: {  	_ =	swait.ge [sflag:s8], $0x2800  }
0x1c: {  	[sflag:s8] =	ssyncset.done $0x0  }
0x1d: {  	[sflag:s8] =	ssyncadd.s32 $0xFFFFD800  }
0x1e: {  	[hbm4b:s5+s1] =	stream.linear.scatter [tilespmem:s12], [sflag:$0x4], $0x2800, $0x38;
	[tilespmem:$0x19428] =	vst v63  }
0x1f: {  	_ =	swait.ge [sflag:s13], $0x2800  }
0x20: {  	[sflag:s13] =	ssyncset.done $0x0  }
0x21: {  	[sflag:s13] =	ssyncadd.s32 $0xFFFFD800  }
0x22: {  	[tilespmem:s10], [sflag:$0x3] =	stream.indirect.gather [spmem:s2], $0x1, s7, s7, $0xb8;
	[tilespmem:$0x19428] =	vst v63  }
0x23: {  	_ =	swait.ge [sflag:s8], $0x2800  }
0x24: {  	s19 =	sadd.s32 $0xFFFFFFFF, s19;
	[sflag:s8] =	ssyncset.done $0x0  }
0x25: {  	p2 =	sne.s32 s19, $0x0;
	[sflag:s8] =	ssyncadd.s32 $0xFFFFD800  }
0x26: {  	[hbm4b:s3+s1] =	stream.linear.scatter [tilespmem:s10], [sflag:$0x5], $0x2800, $0x38;
	[tilespmem:$0x19428] =	vst v63  }
.Ltmp1:
0x27: {  	_ =	swait.ge [sflag:s9], $0x2800;
	(pc) =	sbr.rel @!p2 .LBB2_3-.Ltmp1, $4  }
0x28: {  	[sflag:s9] =	ssyncset.done $0x0  }
0x29: {  	[sflag:s9] =	ssyncadd.s32 $0xFFFFD800  }
0x2a: {  	_ =	swait.ge [sflag:s6], $0x2800  }
0x2b: {  	p1 =	por $0x1, $0x1;
	[sflag:s6] =	ssyncset.done $0x0  }
.LBB2_2:
0x2c: {  	[sflag:s6] =	ssyncadd.s32 $0xFFFFD800  }
0x2d: {  	[spmem:s16], [sflag:s17] =	dma.local @!p0 [hbm:s4], $0x1E850  }
0x2e: {  	s19 =	sadd.s32 $0xFFFFFFFF, s19;
	_ =	swait.ge @!p0 [sflag:s18], $0x1E850  }
0x2f: {  	p2 =	sne.s32 s19, $0x0;
	[sflag:s18] =	ssyncset.done @!p0 $0x0  }
0x30: {  	[sflag:s18] =	ssyncadd.s32 @!p0 $0xFFFE17B0  }
0x31: {  	[tilespmem:s1], [sflag:$0x1] =	stream.linear.gather [hbm4b:s14+s1], $0x2800, $0x38;
	[tilespmem:$0x19428] =	vst v63  }
0x32: {  	[bflag:$0x0] =	sbarrier.arrive $0xFFFF  }
0x33: {  	[tilespmem:s7], [sflag:$0x2] =	stream.linear.gather [hbm4b:s11+s1], $0x2800, $0x38;
	[tilespmem:$0x19428] =	vst v63  }
0x34: {  	_ =	swait.ge [sflag:s15], $0x2800  }
0x35: {  	[sflag:s15] =	ssyncset.done $0x0  }
0x36: {  	[sflag:s15] =	ssyncadd.s32 $0xFFFFD800  }
0x37: {  	[tilespmem:s12], [sflag:$0x3] =	stream.indirect.gather [spmem:s2], $0x1, s1, s7, $0xb8;
	[tilespmem:$0x19428] =	vst v63  }
0x38: {  	_ =	swait.ge [sflag:s8], $0x2800  }
0x39: {  	[sflag:s8] =	ssyncset.done $0x0  }
0x3a: {  	[sflag:s8] =	ssyncadd.s32 $0xFFFFD800  }
0x3b: {  	[hbm4b:s5+s1] =	stream.linear.scatter [tilespmem:s12], [sflag:$0x4], $0x2800, $0x38;
	[tilespmem:$0x19428] =	vst v63  }
0x3c: {  	_ =	swait.ge [sflag:s13], $0x2800  }
0x3d: {  	[sflag:s13] =	ssyncset.done $0x0  }
0x3e: {  	[sflag:s13] =	ssyncadd.s32 $0xFFFFD800  }
0x3f: {  	[tilespmem:s10], [sflag:$0x3] =	stream.indirect.gather [spmem:s2], $0x1, s7, s7, $0xb8;
	[tilespmem:$0x19428] =	vst v63  }
0x40: {  	_ =	swait.ge [sflag:s8], $0x2800  }
0x41: {  	[sflag:s8] =	ssyncset.done $0x0  }
0x42: {  	[sflag:s8] =	ssyncadd.s32 $0xFFFFD800  }
0x43: {  	[hbm4b:s3+s1] =	stream.linear.scatter [tilespmem:s10], [sflag:$0x5], $0x2800, $0x38;
	[tilespmem:$0x19428] =	vst v63  }
.Ltmp2:
0x44: {  	_ =	swait.ge [sflag:s9], $0x2800;
	(pc) =	sbr.rel @p2 .LBB2_2-.Ltmp2, $4  }
0x45: {  	[sflag:s9] =	ssyncset.done $0x0  }
0x46: {  	[sflag:s9] =	ssyncadd.s32 $0xFFFFD800  }
0x47: {  	_ =	swait.ge [sflag:s6], $0x2800  }
0x48: {  	[sflag:s6] =	ssyncset.done $0x0  }
.LBB2_3:
0x49: {  	s17 =	simm.s32 @!p0 $0x1C06;
	s18 =	simm.s32 @!p0 $0x6;
	[sflag:s6] =	ssyncadd.s32 @p1 $0xFFFFD800  }
0x4a: {  	[spmem:s16], [sflag:s17] =	dma.local @!p0 [hbm:s4], $0x1E850  }
0x4b: {  	_ =	swait.ge @!p0 [sflag:s18], $0x1E850  }
0x4c: {  	[sflag:s18] =	ssyncset.done @!p0 $0x0  }
0x4d: {  	[sflag:s18] =	ssyncadd.s32 @!p0 $0xFFFE17B0  }
0x4e: {  	[tilespmem:s1], [sflag:$0x1] =	stream.linear.gather [hbm4b:s14+s1], $0x2800, $0x38;
	[tilespmem:$0x19428] =	vst v63  }
0x4f: {  	[bflag:$0x0] =	sbarrier.arrive $0xFFFF  }
0x50: {  	[tilespmem:s7], [sflag:$0x2] =	stream.linear.gather [hbm4b:s11+s1], $0x2800, $0x38;
	[tilespmem:$0x19428] =	vst v63  }
0x51: {  	_ =	swait.ge [sflag:s15], $0x2800  }
0x52: {  	[sflag:s15] =	ssyncset.done $0x0  }
0x53: {  	[sflag:s15] =	ssyncadd.s32 $0xFFFFD800  }
0x54: {  	[tilespmem:s12], [sflag:$0x3] =	stream.indirect.gather [spmem:s2], $0x1, s1, s7, $0xb8;
	[tilespmem:$0x19428] =	vst v63  }
0x55: {  	_ =	swait.ge [sflag:s8], $0x2800  }
0x56: {  	[sflag:s8] =	ssyncset.done $0x0  }
0x57: {  	[sflag:s8] =	ssyncadd.s32 $0xFFFFD800  }
0x58: {  	[hbm4b:s5+s1] =	stream.linear.scatter [tilespmem:s12], [sflag:$0x4], $0x2800, $0x38;
	[tilespmem:$0x19428] =	vst v63  }
0x59: {  	_ =	swait.ge [sflag:s13], $0x2800  }
0x5a: {  	[sflag:s13] =	ssyncset.done $0x0  }
0x5b: {  	[sflag:s13] =	ssyncadd.s32 $0xFFFFD800  }
0x5c: {  	[tilespmem:s10], [sflag:$0x3] =	stream.indirect.gather [spmem:s2], $0x1, s7, s7, $0xb8;
	[tilespmem:$0x19428] =	vst v63  }
0x5d: {  	_ =	swait.ge [sflag:s8], $0x2800  }
0x5e: {  	[sflag:s8] =	ssyncset.done $0x0  }
0x5f: {  	[sflag:s8] =	ssyncadd.s32 $0xFFFFD800  }
0x60: {  	[hbm4b:s3+s1] =	stream.linear.scatter [tilespmem:s10], [sflag:$0x5], $0x2800, $0x38;
	[tilespmem:$0x19428] =	vst v63  }
0x61: {  	_ =	swait.ge [sflag:s9], $0x2800  }
0x62: {  	[sflag:s9] =	ssyncset.done $0x0  }
0x63: {  	[sflag:s9] =	ssyncadd.s32 $0xFFFFD800  }
0x64: {  	_ =	swait.ge [sflag:s6], $0x2800  }
0x65: {  	[sflag:s6] =	ssyncset.done $0x0  }
0x66: {  	[sflag:s6] =	ssyncadd.s32 $0xFFFFD800  }
0x67: {  	_ =	sfence.sel $0x180000  }
0x68: {  	[bflag:$0x0] =	sbarrier.arrive $0xFFFF  }
0x69: {  	_ =	strace $0x90000047  }
0x6a: {  	s0 =	sadd.s32 @!p0 $0x100000, s0;
	[bflag:$0x2] =	sbarrier.arrive $0xFFFF  }
0x6b: {  	[sflag:s0] =	ssyncadd.tile.s32 @!p0 $0x1;
	_ =	shalt  }
.Lfunc_end2:
_tile_overlayer_lowered:
.L_overlay_start_2:
0x6c: {  	(tag) =	ssettag $0x2  }
0x6d: {  	s0 =	rddreg [dreg:$0x0];
	s2 =	stileid.u32  }
0x6e: {  	s1 =	rddreg [dreg:$0x1];
	p0 =	sne.s32 s2, $0x0  }
0x6f: {  	s3 =	rddreg [dreg:$0x2];
	[bflag:$0x3] =	sbarrier.arrive $0xFFFF;
	s2 =	simm.s32 @!p0 $0x1C06  }
0x70: {  	[timem:s3], [sflag:s2] =	dma.local @!p0 [hbm:s0], s1  }
0x71: {  	s0 =	simm.s32 @!p0 $0x6  }
0x72: {  	_ =	swait.ge @!p0 [sflag:s0], s1  }
0x73: {  	s1 =	ssub.s32 @!p0 $0x0, s1;
	[sflag:s0] =	ssyncset.done @!p0 $0x0  }
0x74: {  	[sflag:s0] =	ssyncadd.s32 @!p0 s1  }
0x75: {  	[bflag:$0x3] =	sbarrier.arrive $0xFFFF  }
0x76: {  	_ =	shalt  }

// kernel: kernel.15.cloned.1.call-start
scs
__scs_entry_jumppad:
0x0: {  	(pc) =	sbr.rel $0x88, $3  }
0x1: {  	(tag) =	ssettag $0x0;
	lr =	simm.s32 $0x1  }
0x2: {  	[smem:$0x3F9C] =	sst lr;
	_ =	strace $0xD0000000  }
0x3: {  	_ = 	snop  }
0x4: {  	_ = 	snop  }
0x5: {  	_ = 	snop  }
0x6: {  	_ = 	snop  }
0x7: {  	_ = 	snop  }
__scs_overlays_trampoline_lowered:
0x8: {  	[smem:$0x3FAB] =	sst s0  }
0x9: {  	[smem:$0x3FAC] =	sst s1  }
0xa: {  	[smem:$0x3FAD] =	sst s2  }
0xb: {  	[smem:$0x3FAE] =	sst s3  }
0xc: {  	[smem:$0x3FAF] =	sst s4  }
0xd: {  	[smem:$0x3FB0] =	sst s5  }
0xe: {  	[smem:$0x3FB1] =	sst s6  }
0xf: {  	[smem:$0x3FB2] =	sst s7  }
0x10: {  	[smem:$0x3FB3] =	sst s8  }
0x11: {  	[smem:$0x3FB4] =	sst s9;
	s0 =	simm.s32 @!p0 $0x0  }
0x12: {  	s1 =	sld [smem:$0x3F9A];
	s0 =	simm.s32 @p0 $0x1  }
0x13: {  	[smem:$0x3FB5] =	sst s0;
	s0 =	simm.s32 @!p1 $0x0  }
0x14: {  	s2 =	sld [smem:$0x3F99];
	s0 =	simm.s32 @p1 $0x1  }
0x15: {  	[smem:$0x3FB6] =	sst s0;
	s0 =	simm.s32 @!p2 $0x0  }
0x16: {  	s3 =	sld [smem:$0x3FDB];
	s0 =	simm.s32 @p2 $0x1  }
0x17: {  	s4 =	simm.s32 $0x1BF5;
	[smem:$0x3FB8] =	sst s0  }
0x18: {  	s0 =	sld [smem:$0x3F9B];
	_ =	swait.ge [sflag:s4], $0x0  }
0x19: {  	s7 =	sld [smem:$0x3F9C]  }
0x1a: {  	s8 =	sadd.s32 $0xFFFFE003, lr  }
0x1b: {  	s9 =	sadd.s32 $0xFFFFFEF7, lr;
	s5 =	simm.s32 $0xFFFFFFFF;
	p2 =	slt.u32 s8, $0xFFFFF086  }
0x1c: {  	p1 =	slt.u32 s9, $0xF7A;
	s5 =	simm.s32 @!p2 $0x0  }
0x1d: {  	s5 =	simm.s32 @p1 $0x1;
	p0 =	seq.s32 s7, s2  }
0x1e: {  	s7 =	smul.u32 @!p0 $0xF7A, s2;
	p2 =	seq.s32 @!p0 s5, $0x0  }
0x1f: {  	s9 =	smul.u32 $0xF7A, s1;
	s8 =	simm.s32 @!p0 $0x1BF5;
	p2 =	por !p2, p0  }
0x20: {  	[sflag:s8] =	ssyncset.s32 @!p0 $0xFFFFF086;
	s6 =	sadd.s32 @!p0 s3, s7;
	s7 =	simm.s32 @!p0 $0x108  }
0x21: {  	s3 =	sadd.s32 s3, s9;
	s6 =	sadd.s32 @!p0 $0x88, s6;
	s7 =	simm.s32 @p2 $0x1082  }
0x22: {  	[simem:s7], [sflag:s8] =	dma.local @!p0 [hbm:s6], $0xF7A  }
0x23: {  	s9 =	sor.u32 $0xD0000000, s2;
	s6 =	simm.s32 $0x108;
	_ =	swait.ge @!p0 [sflag:s8], $0x0  }
0x24: {  	s3 =	sadd.s32 $0x88, s3;
	s6 =	simm.s32 @!p1 $0x1082;
	[sflag:s4] =	ssyncset.s32 $0xFFFFF086  }
0x25: {  	[simem:s6], [sflag:s4] =	dma.local [hbm:s3], $0xF7A  }
0x26: {  	[smem:$0x3F9C] =	sst s1;
	(tag) =	ssettag s2;
	_ =	strace s9  }
0x27: {  	s1 =	sld [smem:$0x3FAC]  }
0x28: {  	s2 =	sld [smem:$0x3FAD]  }
0x29: {  	s4 =	sld [smem:$0x3FAF]  }
0x2a: {  	p0 =	seq.s32 s5, $0x0;
	s5 =	sld [smem:$0x3FB0]  }
0x2b: {  	s6 =	sld [smem:$0x3FB1]  }
0x2c: {  	s7 =	sld [smem:$0x3FB2]  }
0x2d: {  	s3 =	simm.s32 $0x108;
	s8 =	sld [smem:$0x3FB3]  }
0x2e: {  	s3 =	simm.s32 @!p0 $0x1082;
	s9 =	sld [smem:$0x3FB4]  }
0x2f: {  	lr =	sadd.s32 s0, s3;
	s0 =	sld [smem:$0x3FAB]  }
0x30: {  	s3 =	sld [smem:$0x3FAE]  }
0x31: {  	[smem:$0x3FB7] =	sst s10  }
0x32: {  	s10 =	sld [smem:$0x3FB5];
	_ =	sdelay $0x3  }
0x33: {  	p0 =	seq.s32 s10, $0x1;
	s10 =	sld [smem:$0x3FB7];
	_ =	sdelay $0x3  }
0x34: {  	[smem:$0x3FB7] =	sst s10  }
0x35: {  	s10 =	sld [smem:$0x3FB6];
	_ =	sdelay $0x3  }
0x36: {  	p1 =	seq.s32 s10, $0x1;
	s10 =	sld [smem:$0x3FB7];
	_ =	sdelay $0x3  }
0x37: {  	[smem:$0x3FB7] =	sst s10  }
0x38: {  	s10 =	sld [smem:$0x3FB8]  }
0x39: {  	_ = 	snop;
	(pc) =	sbr.ind lr, $3  }
0x3a: {  	_ = 	snop  }
0x3b: {  	_ = 	snop  }
0x3c: {  	p2 =	seq.s32 s10, $0x1;
	s10 =	sld [smem:$0x3FB7]  }
0x3d: {  	_ =	shalt  }
0x3e: {  	_ =	shalt  }
0x3f: {  	_ =	shalt  }
0x40: {  	_ =	shalt  }
0x41: {  	_ =	shalt  }
0x42: {  	_ =	shalt  }
0x43: {  	_ =	shalt  }
0x44: {  	_ =	shalt  }
0x45: {  	_ =	shalt  }
0x46: {  	_ =	shalt  }
0x47: {  	_ =	shalt  }
0x48: {  	_ =	shalt  }
0x49: {  	_ =	shalt  }
0x4a: {  	_ =	shalt  }
0x4b: {  	_ =	shalt  }
0x4c: {  	_ =	shalt  }
0x4d: {  	_ =	shalt  }
0x4e: {  	_ =	shalt  }
0x4f: {  	_ =	shalt  }
0x50: {  	_ =	shalt  }
0x51: {  	_ =	shalt  }
0x52: {  	_ =	shalt  }
0x53: {  	_ =	shalt  }
0x54: {  	_ =	shalt  }
0x55: {  	_ =	shalt  }
0x56: {  	_ =	shalt  }
0x57: {  	_ =	shalt  }
0x58: {  	_ =	shalt  }
0x59: {  	_ =	shalt  }
0x5a: {  	_ =	shalt  }
0x5b: {  	_ =	shalt  }
0x5c: {  	_ =	shalt  }
0x5d: {  	_ =	shalt  }
0x5e: {  	_ =	shalt  }
0x5f: {  	_ =	shalt  }
0x60: {  	_ =	shalt  }
0x61: {  	_ =	shalt  }
0x62: {  	_ =	shalt  }
0x63: {  	_ =	shalt  }
0x64: {  	_ =	shalt  }
0x65: {  	_ =	shalt  }
0x66: {  	_ =	shalt  }
0x67: {  	_ =	shalt  }
0x68: {  	_ =	shalt  }
0x69: {  	_ =	shalt  }
0x6a: {  	_ =	shalt  }
0x6b: {  	_ =	shalt  }
0x6c: {  	_ =	shalt  }
0x6d: {  	_ =	shalt  }
0x6e: {  	_ =	shalt  }
0x6f: {  	_ =	shalt  }
0x70: {  	_ =	shalt  }
0x71: {  	_ =	shalt  }
0x72: {  	_ =	shalt  }
0x73: {  	_ =	shalt  }
0x74: {  	_ =	shalt  }
0x75: {  	_ =	shalt  }
0x76: {  	_ =	shalt  }
0x77: {  	_ =	shalt  }
0x78: {  	_ =	shalt  }
0x79: {  	_ =	shalt  }
0x7a: {  	_ =	shalt  }
0x7b: {  	_ =	shalt  }
0x7c: {  	_ =	shalt  }
0x7d: {  	_ =	shalt  }
0x7e: {  	_ =	shalt  }
0x7f: {  	_ =	shalt  }
0x80: {  	_ =	shalt  }
0x81: {  	_ =	shalt  }
0x82: {  	_ =	shalt  }
0x83: {  	_ =	shalt  }
0x84: {  	_ =	shalt  }
0x85: {  	_ =	shalt  }
0x86: {  	_ =	shalt  }
0x87: {  	_ =	shalt  }
.Lfunc_end0:
.L_simem_size_0:
called_computation.1_lowered:
.L_overlay_start_0:
0x88: {  	s2 =	sld [smem:$0x3FD9]  }
0x89: {  	s3 =	sld [smem:$0x3FFE];
	_ =	sdelay $0x1  }
0x8a: {  	s1 =	srdreg.scid  }
0x8b: {  	s0 =	sand.u32 $0x1, s1  }
0x8c: {  	s17 =	sshll.u32 s0, $0xA;
	s2 =	sadd.s32 s3, s2  }
0x8d: {  	s2 =	sadd.s32 s2, s17  }
0x8e: {  	[smem:$0x3FC3] =	sst s2  }
0x8f: {  	_ = 	snop  }
0x90: {  	s18 =	sld [smem:$0x3FC8]  }
0x91: {  	s4 =	sld [smem:$0x3FC5];
	(tm) =	ssettm $0x1  }
0x92: {  	s19 =	sld [smem:$0x3FFB];
	_ =	sdelay $0x3  }
0x93: {  	_ =	strace s19  }
0x94: {  	s2 =	sld [smem:$0x3FFC];
	_ =	sdelay $0x3  }
0x95: {  	_ =	strace s2  }
0x96: {  	s2 =	sld [smem:$0x3FFD];
	_ =	sdelay $0x3  }
0x97: {  	_ =	strace s2  }
0x98: {  	_ =	strace $0x8FFFFFFF  }
0x99: {  	s20 =	sld [smem:$0x3FDB];
	_ =	sdelay $0x1  }
0x9a: {  	s5 =	simm.s32 $_scs_section_size  }
0x9b: {  	s6 =	simm.s32 $_size__tile_overlayer_lowered;
	s7 =	simm.s32 $_tile_overlayer_lowered  }
0x9c: {  	s8 =	simm.s32 $0x1BFF;
	s21 =	sshll.u32 s7, $0x1;
	s5 =	sadd.s32 s5, s20  }
0x9d: {  	s22 =	simm.s32 $0x0;
	s6 =	sshll.u32 s6, $0x1;
	s7 =	sadd.s32 s21, s5  }
0x9e: {  	[timem:s22], [sflag:s8] =	dma.local [hbm:s7], s6  }
0x9f: {  	_ =	swait.ge [sflag:s8], s6  }
0xa0: {  	s6 =	ssub.s32 $0x0, s6;
	[sflag:s8] =	ssyncset.done $0x0  }
0xa1: {  	[sflag:s8] =	ssyncadd.s32 s6;
	_ =	sdelay $0x1  }
0xa2: {  	s23 =	simm.s32 $0x1B8B  }
0xa3: {  	_ =	swait.ge [sflag:s23], $0x1  }
0xa4: {  	[sflag:s23] =	ssyncset.done $0x0  }
0xa5: {  	[sflag:s23] =	ssyncadd.s32 $0xFFFFFFFF  }
0xa6: {  	s6 =	sld [smem:$0x0]  }
0xa7: {  	s7 =	sand.u32 $0xFFFFFFFE, s1  }
0xa8: {  	p0 =	sne.s32 s1, s7  }
0xa9: {  	s7 =	sshll.u32 @p0 s7, $0xE  }
0xaa: {  	s7 =	sadd.s32 @p0 $0x11B8D, s7;
	s8 =	sshll.u32 @p0 s6, $0x11  }
0xab: {  	s7 =	sor.u32 @p0 s8, s7  }
0xac: {  	[sflag:s7] =	ssyncadd.remote.s32 @p0 $0x1;
	_ =	sdelay $0x1  }
0xad: {  	s7 =	simm.s32 @p0 $0x1B8D  }
0xae: {  	_ =	swait.eq @p0 [sflag:s7], $0x1  }
0xaf: {  	[sflag:s7] =	ssyncadd.s32 @p0 $0xFFFFFFFF  }
0xb0: {  	s8 =	sshll.u32 @!p0 s1, $0xE  }
0xb1: {  	s8 =	sor.u32 @!p0 $0x4000, s8;
	s7 =	simm.s32 @!p0 $0x1B8D  }
0xb2: {  	s6 =	sshll.u32 @!p0 s6, $0x11;
	s8 =	sadd.s32 @!p0 $0x11B8D, s8;
	_ =	swait.eq @!p0 [sflag:s7], $0x1  }
0xb3: {  	s6 =	sor.u32 @!p0 s6, s8;
	[sflag:s7] =	ssyncadd.s32 @!p0 $0xFFFFFFFF  }
0xb4: {  	s25 =	simm.s32 $0x1B8E;
	s24 =	sld [smem:$0x3FFE];
	[sflag:s6] =	ssyncadd.remote.s32 @!p0 $0x1  }
0xb5: {  	s26 =	simm.s32 $execute0_lowered;
	[smem:$0x3FD2] =	sst s25  }
0xb6: {  	s7 =	sshll.u32 s26, $0x1;
	_ =	strace $0x80000049;
	[dreg:$0x1] =	wrdreg $0xFFFFFFFF  }
0xb7: {  	s28 =	simm.s32 $_size_execute0_lowered;
	s5 =	sadd.s32 s5, s7;
	[dreg:$0x0] =	wrdreg $0x0  }
0xb8: {  	s7 =	sshll.u32 s28, $0x1;
	[dreg:$0x2] =	wrdreg s5  }
0xb9: {  	[dreg:$0x3] =	wrdreg s7  }
0xba: {  	[dreg:$0x4] =	wrdreg $0xC0  }
0xbb: {  	_ =	task [dreg:s22], $0x5FFFF  }
0xbc: {  	[dreg:$0x1] =	wrdreg $0xFFFFFFFF  }
0xbd: {  	[dreg:$0x0] =	wrdreg $0x60  }
0xbe: {  	[dreg:$0x2] =	wrdreg s18  }
0xbf: {  	[dreg:$0x3] =	wrdreg s4  }
0xc0: {  	[dreg:$0x4] =	wrdreg s24  }
0xc1: {  	[dreg:$0x5] =	wrdreg $0xA0000  }
0xc2: {  	[dreg:$0x6] =	wrdreg $0xA  }
0xc3: {  	_ =	task.clear_ibuf [dreg:s22], $0x7FFFF;
	_ =	strace $0x90000049  }
0xc4: {  	s29 =	simm.s32 $0xA;
	_ =	strace $0x8000004B  }
0xc5: {  	_ =	swait.ge [sflag:s29], $0x1  }
0xc6: {  	[sflag:s29] =	ssyncadd.s32 $0xFFFFFFFF  }
0xc7: {  	_ =	strace $0x9000004B  }
0xc8: {  	_ =	sfence  }
0xc9: {  	s30 =	sld [smem:$0x0];
	_ =	sdelay $0x2  }
0xca: {  	s31 =	sshll.u32 s1, $0xD;
	s1 =	sshrl.u32 s1, $0x2  }
0xcb: {  	s4 =	sand.u32 $0x4000, s31;
	s1 =	sadd.s32 s1, s30  }
0xcc: {  	s0 =	sor.u32 s4, s0;
	s1 =	sshll.u32 s1, $0x11  }
0xcd: {  	s0 =	sor.u32 s1, s0  }
0xce: {  	s0 =	sadd.s32 $0x8F2B, s0  }
0xcf: {  	[sflag:s0] =	ssyncadd.remote.s32 $0x1  }
0xd0: {  	_ =	sfence.sel $0xFFFF  }
0xd1: {  	[dreg:$0x0] =	wrdreg $0xFFFFFFFF;
	(pc) =	sbr.abs _section_cstart, $3  }
0xd2: {  	[dreg:$0x1] =	wrdreg $0xFFFFFFFF  }
0xd3: {  	_ =	task.clear_ibuf [dreg:s22], $0x2FFFF;
	_ =	strace $0x9FFFFFFF  }
0xd4: {  	(tm) =	ssettm $0x7FFFFFFF  }
0xd5: {  	_ =	shalt  }
tec
execute0_lowered:
.L_overlay_start_1:
0x0: {  	(tag) =	ssettag $0x1  }
0x1: {  	s4 =	rddreg [dreg:$0x0]  }
0x2: {  	s0 =	srdreg.scid;
	s6 =	stileid.u32  }
0x3: {  	s3 =	rddreg [dreg:$0x1];
	s7 =	sand.u32 $0x1, s0;
	s31 =	sshll.u32 s6, $0x1  }
0x4: {  	s5 =	rddreg [dreg:$0x2];
	s8 =	sor.u32 s7, s31;
	s7 =	ssub.s32 $0x2, s7  }
0x5: {  	s2 =	rddreg [dreg:$0x3];
	s1 =	simm.s32 $0x0;
	s9 =	sshrl.u32 s7, $0x1  }
0x6: {  	s15 =	simm.s32 $0x1;
	s12 =	simm.s32 $0x5000;
	s7 =	ssub.s32 s7, s9  }
0x7: {  	s13 =	simm.s32 $0x2;
	s0 =	rddreg [dreg:$0x4];
	s9 =	smax.u32 s7, $0x1  }
0x8: {  	p1 =	por $0x0, $0x0;
	[smem:$0x7FF] =	sst s1;
	s19 =	sadd.s32 $0xFFFFFFFF, s9  }
0x9: {  	p0 =	sne.s32 s6, $0x0;
	s8 =	smul.u32 $0x5000, s8;
	p2 =	sne.s32 s19, $0x0  }
.Ltmp0:
0xa: {  	s6 =	simm.s32 $0x5;
	_ =	strace $0x8000004A;
	(pc) =	sbr.rel @!p2 .LBB2_3-.Ltmp0, $4  }
0xb: {  	s16 =	sshrl.u32 @!p0 s2, $0x3;
	s8 =	sshrl.u32 s8, $0x3;
	s7 =	simm.s32 $0x2800  }
0xc: {  	s10 =	sadd.s32 s8, s5;
	s4 =	sadd.s32 s4, s8;
	s8 =	simm.s32 $0x3  }
0xd: {  	s9 =	simm.s32 $0x4;
	s14 =	sadd.s32 $0x14000, s4;
	s11 =	sadd.s32 $0x14500, s4  }
0xe: {  	s5 =	sadd.s32 $0x2000, s10;
	s4 =	sadd.s32 $0x2500, s10;
	s10 =	simm.s32 $0x7800  }
0xf: {  	s17 =	simm.s32 @!p0 $0x1C06;
	s18 =	simm.s32 @!p0 $0x6  }
0x10: {  	[spmem:s16], [sflag:s17] =	dma.local @!p0 [hbm:s3], $0x1E850  }
0x11: {  	_ =	swait.ge @!p0 [sflag:s18], $0x1E850  }
0x12: {  	[sflag:s18] =	ssyncset.done @!p0 $0x0  }
0x13: {  	[sflag:s18] =	ssyncadd.s32 @!p0 $0xFFFE17B0  }
0x14: {  	[tilespmem:s1], [sflag:$0x1] =	stream.linear.gather [hbm4b:s14+s1], $0x2800, $0x38;
	[tilespmem:$0x19428] =	vst v63  }
0x15: {  	[bflag:$0x0] =	sbarrier.arrive $0xFFFF  }
0x16: {  	[tilespmem:s7], [sflag:$0x2] =	stream.linear.gather [hbm4b:s11+s1], $0x2800, $0x38;
	[tilespmem:$0x19428] =	vst v63  }
0x17: {  	_ =	swait.ge [sflag:s15], $0x2800  }
0x18: {  	[sflag:s15] =	ssyncset.done $0x0  }
0x19: {  	[sflag:s15] =	ssyncadd.s32 $0xFFFFD800  }
0x1a: {  	[tilespmem:s12], [sflag:$0x3] =	stream.indirect.gather [spmem:s2], $0x1, s1, s7, $0xb8;
	[tilespmem:$0x19428] =	vst v63  }
0x1b: {  	_ =	swait.ge [sflag:s8], $0x2800  }
0x1c: {  	[sflag:s8] =	ssyncset.done $0x0  }
0x1d: {  	[sflag:s8] =	ssyncadd.s32 $0xFFFFD800  }
0x1e: {  	[hbm4b:s5+s1] =	stream.linear.scatter [tilespmem:s12], [sflag:$0x4], $0x2800, $0x38;
	[tilespmem:$0x19428] =	vst v63  }
0x1f: {  	_ =	swait.ge [sflag:s13], $0x2800  }
0x20: {  	[sflag:s13] =	ssyncset.done $0x0  }
0x21: {  	[sflag:s13] =	ssyncadd.s32 $0xFFFFD800  }
0x22: {  	[tilespmem:s10], [sflag:$0x3] =	stream.indirect.gather [spmem:s2], $0x1, s7, s7, $0xb8;
	[tilespmem:$0x19428] =	vst v63  }
0x23: {  	_ =	swait.ge [sflag:s8], $0x2800  }
0x24: {  	s19 =	sadd.s32 $0xFFFFFFFF, s19;
	[sflag:s8] =	ssyncset.done $0x0  }
0x25: {  	p2 =	sne.s32 s19, $0x0;
	[sflag:s8] =	ssyncadd.s32 $0xFFFFD800  }
0x26: {  	[hbm4b:s4+s1] =	stream.linear.scatter [tilespmem:s10], [sflag:$0x5], $0x2800, $0x38;
	[tilespmem:$0x19428] =	vst v63  }
.Ltmp1:
0x27: {  	_ =	swait.ge [sflag:s9], $0x2800;
	(pc) =	sbr.rel @!p2 .LBB2_3-.Ltmp1, $4  }
0x28: {  	[sflag:s9] =	ssyncset.done $0x0  }
0x29: {  	[sflag:s9] =	ssyncadd.s32 $0xFFFFD800  }
0x2a: {  	_ =	swait.ge [sflag:s6], $0x2800  }
0x2b: {  	p1 =	por $0x1, $0x1;
	[sflag:s6] =	ssyncset.done $0x0  }
.LBB2_2:
0x2c: {  	[sflag:s6] =	ssyncadd.s32 $0xFFFFD800  }
0x2d: {  	[spmem:s16], [sflag:s17] =	dma.local @!p0 [hbm:s3], $0x1E850  }
0x2e: {  	s19 =	sadd.s32 $0xFFFFFFFF, s19;
	_ =	swait.ge @!p0 [sflag:s18], $0x1E850  }
0x2f: {  	p2 =	sne.s32 s19, $0x0;
	[sflag:s18] =	ssyncset.done @!p0 $0x0  }
0x30: {  	[sflag:s18] =	ssyncadd.s32 @!p0 $0xFFFE17B0  }
0x31: {  	[tilespmem:s1], [sflag:$0x1] =	stream.linear.gather [hbm4b:s14+s1], $0x2800, $0x38;
	[tilespmem:$0x19428] =	vst v63  }
0x32: {  	[bflag:$0x0] =	sbarrier.arrive $0xFFFF  }
0x33: {  	[tilespmem:s7], [sflag:$0x2] =	stream.linear.gather [hbm4b:s11+s1], $0x2800, $0x38;
	[tilespmem:$0x19428] =	vst v63  }
0x34: {  	_ =	swait.ge [sflag:s15], $0x2800  }
0x35: {  	[sflag:s15] =	ssyncset.done $0x0  }
0x36: {  	[sflag:s15] =	ssyncadd.s32 $0xFFFFD800  }
0x37: {  	[tilespmem:s12], [sflag:$0x3] =	stream.indirect.gather [spmem:s2], $0x1, s1, s7, $0xb8;
	[tilespmem:$0x19428] =	vst v63  }
0x38: {  	_ =	swait.ge [sflag:s8], $0x2800  }
0x39: {  	[sflag:s8] =	ssyncset.done $0x0  }
0x3a: {  	[sflag:s8] =	ssyncadd.s32 $0xFFFFD800  }
0x3b: {  	[hbm4b:s5+s1] =	stream.linear.scatter [tilespmem:s12], [sflag:$0x4], $0x2800, $0x38;
	[tilespmem:$0x19428] =	vst v63  }
0x3c: {  	_ =	swait.ge [sflag:s13], $0x2800  }
0x3d: {  	[sflag:s13] =	ssyncset.done $0x0  }
0x3e: {  	[sflag:s13] =	ssyncadd.s32 $0xFFFFD800  }
0x3f: {  	[tilespmem:s10], [sflag:$0x3] =	stream.indirect.gather [spmem:s2], $0x1, s7, s7, $0xb8;
	[tilespmem:$0x19428] =	vst v63  }
0x40: {  	_ =	swait.ge [sflag:s8], $0x2800  }
0x41: {  	[sflag:s8] =	ssyncset.done $0x0  }
0x42: {  	[sflag:s8] =	ssyncadd.s32 $0xFFFFD800  }
0x43: {  	[hbm4b:s4+s1] =	stream.linear.scatter [tilespmem:s10], [sflag:$0x5], $0x2800, $0x38;
	[tilespmem:$0x19428] =	vst v63  }
.Ltmp2:
0x44: {  	_ =	swait.ge [sflag:s9], $0x2800;
	(pc) =	sbr.rel @p2 .LBB2_2-.Ltmp2, $4  }
0x45: {  	[sflag:s9] =	ssyncset.done $0x0  }
0x46: {  	[sflag:s9] =	ssyncadd.s32 $0xFFFFD800  }
0x47: {  	_ =	swait.ge [sflag:s6], $0x2800  }
0x48: {  	[sflag:s6] =	ssyncset.done $0x0  }
.LBB2_3:
0x49: {  	s17 =	simm.s32 @!p0 $0x1C06;
	s18 =	simm.s32 @!p0 $0x6;
	[sflag:s6] =	ssyncadd.s32 @p1 $0xFFFFD800  }
0x4a: {  	[spmem:s16], [sflag:s17] =	dma.local @!p0 [hbm:s3], $0x1E850  }
0x4b: {  	_ =	swait.ge @!p0 [sflag:s18], $0x1E850  }
0x4c: {  	[sflag:s18] =	ssyncset.done @!p0 $0x0  }
0x4d: {  	[sflag:s18] =	ssyncadd.s32 @!p0 $0xFFFE17B0  }
0x4e: {  	[tilespmem:s1], [sflag:$0x1] =	stream.linear.gather [hbm4b:s14+s1], $0x2800, $0x38;
	[tilespmem:$0x19428] =	vst v63  }
0x4f: {  	[bflag:$0x0] =	sbarrier.arrive $0xFFFF  }
0x50: {  	[tilespmem:s7], [sflag:$0x2] =	stream.linear.gather [hbm4b:s11+s1], $0x2800, $0x38;
	[tilespmem:$0x19428] =	vst v63  }
0x51: {  	_ =	swait.ge [sflag:s15], $0x2800  }
0x52: {  	[sflag:s15] =	ssyncset.done $0x0  }
0x53: {  	[sflag:s15] =	ssyncadd.s32 $0xFFFFD800  }
0x54: {  	[tilespmem:s12], [sflag:$0x3] =	stream.indirect.gather [spmem:s2], $0x1, s1, s7, $0xb8;
	[tilespmem:$0x19428] =	vst v63  }
0x55: {  	_ =	swait.ge [sflag:s8], $0x2800  }
0x56: {  	[sflag:s8] =	ssyncset.done $0x0  }
0x57: {  	[sflag:s8] =	ssyncadd.s32 $0xFFFFD800  }
0x58: {  	[hbm4b:s5+s1] =	stream.linear.scatter [tilespmem:s12], [sflag:$0x4], $0x2800, $0x38;
	[tilespmem:$0x19428] =	vst v63  }
0x59: {  	_ =	swait.ge [sflag:s13], $0x2800  }
0x5a: {  	[sflag:s13] =	ssyncset.done $0x0  }
0x5b: {  	[sflag:s13] =	ssyncadd.s32 $0xFFFFD800  }
0x5c: {  	[tilespmem:s10], [sflag:$0x3] =	stream.indirect.gather [spmem:s2], $0x1, s7, s7, $0xb8;
	[tilespmem:$0x19428] =	vst v63  }
0x5d: {  	_ =	swait.ge [sflag:s8], $0x2800  }
0x5e: {  	[sflag:s8] =	ssyncset.done $0x0  }
0x5f: {  	[sflag:s8] =	ssyncadd.s32 $0xFFFFD800  }
0x60: {  	[hbm4b:s4+s1] =	stream.linear.scatter [tilespmem:s10], [sflag:$0x5], $0x2800, $0x38;
	[tilespmem:$0x19428] =	vst v63  }
0x61: {  	_ =	swait.ge [sflag:s9], $0x2800  }
0x62: {  	[sflag:s9] =	ssyncset.done $0x0  }
0x63: {  	[sflag:s9] =	ssyncadd.s32 $0xFFFFD800  }
0x64: {  	_ =	swait.ge [sflag:s6], $0x2800  }
0x65: {  	[sflag:s6] =	ssyncset.done $0x0  }
0x66: {  	[sflag:s6] =	ssyncadd.s32 $0xFFFFD800  }
0x67: {  	_ =	sfence.sel $0x180000  }
0x68: {  	[bflag:$0x0] =	sbarrier.arrive $0xFFFF  }
0x69: {  	_ =	strace $0x9000004A  }
0x6a: {  	s0 =	sadd.s32 @!p0 $0x100000, s0;
	[bflag:$0x2] =	sbarrier.arrive $0xFFFF  }
0x6b: {  	[sflag:s0] =	ssyncadd.tile.s32 @!p0 $0x1;
	_ =	shalt  }
.Lfunc_end2:
_tile_overlayer_lowered:
.L_overlay_start_2:
0x6c: {  	(tag) =	ssettag $0x2  }
0x6d: {  	s0 =	rddreg [dreg:$0x0];
	s2 =	stileid.u32  }
0x6e: {  	s1 =	rddreg [dreg:$0x1];
	p0 =	sne.s32 s2, $0x0  }
0x6f: {  	s3 =	rddreg [dreg:$0x2];
	[bflag:$0x3] =	sbarrier.arrive $0xFFFF;
	s2 =	simm.s32 @!p0 $0x1C06  }
0x70: {  	[timem:s3], [sflag:s2] =	dma.local @!p0 [hbm:s0], s1  }
0x71: {  	s0 =	simm.s32 @!p0 $0x6  }
0x72: {  	_ =	swait.ge @!p0 [sflag:s0], s1  }
0x73: {  	s1 =	ssub.s32 @!p0 $0x0, s1;
	[sflag:s0] =	ssyncset.done @!p0 $0x0  }
0x74: {  	[sflag:s0] =	ssyncadd.s32 @!p0 s1  }
0x75: {  	[bflag:$0x3] =	sbarrier.arrive $0xFFFF  }
0x76: {  	_ =	shalt  }

// kernel: kernel.18.cloned.1.call-start
scs
__scs_entry_jumppad:
0x0: {  	(pc) =	sbr.rel $0x88, $3  }
0x1: {  	(tag) =	ssettag $0x0;
	lr =	simm.s32 $0x1  }
0x2: {  	[smem:$0x3F9C] =	sst lr;
	_ =	strace $0xD0000000  }
0x3: {  	_ = 	snop  }
0x4: {  	_ = 	snop  }
0x5: {  	_ = 	snop  }
0x6: {  	_ = 	snop  }
0x7: {  	_ = 	snop  }
__scs_overlays_trampoline_lowered:
0x8: {  	[smem:$0x3FAB] =	sst s0  }
0x9: {  	[smem:$0x3FAC] =	sst s1  }
0xa: {  	[smem:$0x3FAD] =	sst s2  }
0xb: {  	[smem:$0x3FAE] =	sst s3  }
0xc: {  	[smem:$0x3FAF] =	sst s4  }
0xd: {  	[smem:$0x3FB0] =	sst s5  }
0xe: {  	[smem:$0x3FB1] =	sst s6  }
0xf: {  	[smem:$0x3FB2] =	sst s7  }
0x10: {  	[smem:$0x3FB3] =	sst s8  }
0x11: {  	[smem:$0x3FB4] =	sst s9;
	s0 =	simm.s32 @!p0 $0x0  }
0x12: {  	s1 =	sld [smem:$0x3F9A];
	s0 =	simm.s32 @p0 $0x1  }
0x13: {  	[smem:$0x3FB5] =	sst s0;
	s0 =	simm.s32 @!p1 $0x0  }
0x14: {  	s2 =	sld [smem:$0x3F99];
	s0 =	simm.s32 @p1 $0x1  }
0x15: {  	[smem:$0x3FB6] =	sst s0;
	s0 =	simm.s32 @!p2 $0x0  }
0x16: {  	s3 =	sld [smem:$0x3FDB];
	s0 =	simm.s32 @p2 $0x1  }
0x17: {  	s4 =	simm.s32 $0x1BF5;
	[smem:$0x3FB8] =	sst s0  }
0x18: {  	s0 =	sld [smem:$0x3F9B];
	_ =	swait.ge [sflag:s4], $0x0  }
0x19: {  	s7 =	sld [smem:$0x3F9C]  }
0x1a: {  	s8 =	sadd.s32 $0xFFFFE003, lr  }
0x1b: {  	s9 =	sadd.s32 $0xFFFFFEF7, lr;
	s5 =	simm.s32 $0xFFFFFFFF;
	p2 =	slt.u32 s8, $0xFFFFF086  }
0x1c: {  	p1 =	slt.u32 s9, $0xF7A;
	s5 =	simm.s32 @!p2 $0x0  }
0x1d: {  	s5 =	simm.s32 @p1 $0x1;
	p0 =	seq.s32 s7, s2  }
0x1e: {  	s7 =	smul.u32 @!p0 $0xF7A, s2;
	p2 =	seq.s32 @!p0 s5, $0x0  }
0x1f: {  	s9 =	smul.u32 $0xF7A, s1;
	s8 =	simm.s32 @!p0 $0x1BF5;
	p2 =	por !p2, p0  }
0x20: {  	[sflag:s8] =	ssyncset.s32 @!p0 $0xFFFFF086;
	s6 =	sadd.s32 @!p0 s3, s7;
	s7 =	simm.s32 @!p0 $0x108  }
0x21: {  	s3 =	sadd.s32 s3, s9;
	s6 =	sadd.s32 @!p0 $0x88, s6;
	s7 =	simm.s32 @p2 $0x1082  }
0x22: {  	[simem:s7], [sflag:s8] =	dma.local @!p0 [hbm:s6], $0xF7A  }
0x23: {  	s9 =	sor.u32 $0xD0000000, s2;
	s6 =	simm.s32 $0x108;
	_ =	swait.ge @!p0 [sflag:s8], $0x0  }
0x24: {  	s3 =	sadd.s32 $0x88, s3;
	s6 =	simm.s32 @!p1 $0x1082;
	[sflag:s4] =	ssyncset.s32 $0xFFFFF086  }
0x25: {  	[simem:s6], [sflag:s4] =	dma.local [hbm:s3], $0xF7A  }
0x26: {  	[smem:$0x3F9C] =	sst s1;
	(tag) =	ssettag s2;
	_ =	strace s9  }
0x27: {  	s1 =	sld [smem:$0x3FAC]  }
0x28: {  	s2 =	sld [smem:$0x3FAD]  }
0x29: {  	s4 =	sld [smem:$0x3FAF]  }
0x2a: {  	p0 =	seq.s32 s5, $0x0;
	s5 =	sld [smem:$0x3FB0]  }
0x2b: {  	s6 =	sld [smem:$0x3FB1]  }
0x2c: {  	s7 =	sld [smem:$0x3FB2]  }
0x2d: {  	s3 =	simm.s32 $0x108;
	s8 =	sld [smem:$0x3FB3]  }
0x2e: {  	s3 =	simm.s32 @!p0 $0x1082;
	s9 =	sld [smem:$0x3FB4]  }
0x2f: {  	lr =	sadd.s32 s0, s3;
	s0 =	sld [smem:$0x3FAB]  }
0x30: {  	s3 =	sld [smem:$0x3FAE]  }
0x31: {  	[smem:$0x3FB7] =	sst s10  }
0x32: {  	s10 =	sld [smem:$0x3FB5];
	_ =	sdelay $0x3  }
0x33: {  	p0 =	seq.s32 s10, $0x1;
	s10 =	sld [smem:$0x3FB7];
	_ =	sdelay $0x3  }
0x34: {  	[smem:$0x3FB7] =	sst s10  }
0x35: {  	s10 =	sld [smem:$0x3FB6];
	_ =	sdelay $0x3  }
0x36: {  	p1 =	seq.s32 s10, $0x1;
	s10 =	sld [smem:$0x3FB7];
	_ =	sdelay $0x3  }
0x37: {  	[smem:$0x3FB7] =	sst s10  }
0x38: {  	s10 =	sld [smem:$0x3FB8]  }
0x39: {  	_ = 	snop;
	(pc) =	sbr.ind lr, $3  }
0x3a: {  	_ = 	snop  }
0x3b: {  	_ = 	snop  }
0x3c: {  	p2 =	seq.s32 s10, $0x1;
	s10 =	sld [smem:$0x3FB7]  }
0x3d: {  	_ =	shalt  }
0x3e: {  	_ =	shalt  }
0x3f: {  	_ =	shalt  }
0x40: {  	_ =	shalt  }
0x41: {  	_ =	shalt  }
0x42: {  	_ =	shalt  }
0x43: {  	_ =	shalt  }
0x44: {  	_ =	shalt  }
0x45: {  	_ =	shalt  }
0x46: {  	_ =	shalt  }
0x47: {  	_ =	shalt  }
0x48: {  	_ =	shalt  }
0x49: {  	_ =	shalt  }
0x4a: {  	_ =	shalt  }
0x4b: {  	_ =	shalt  }
0x4c: {  	_ =	shalt  }
0x4d: {  	_ =	shalt  }
0x4e: {  	_ =	shalt  }
0x4f: {  	_ =	shalt  }
0x50: {  	_ =	shalt  }
0x51: {  	_ =	shalt  }
0x52: {  	_ =	shalt  }
0x53: {  	_ =	shalt  }
0x54: {  	_ =	shalt  }
0x55: {  	_ =	shalt  }
0x56: {  	_ =	shalt  }
0x57: {  	_ =	shalt  }
0x58: {  	_ =	shalt  }
0x59: {  	_ =	shalt  }
0x5a: {  	_ =	shalt  }
0x5b: {  	_ =	shalt  }
0x5c: {  	_ =	shalt  }
0x5d: {  	_ =	shalt  }
0x5e: {  	_ =	shalt  }
0x5f: {  	_ =	shalt  }
0x60: {  	_ =	shalt  }
0x61: {  	_ =	shalt  }
0x62: {  	_ =	shalt  }
0x63: {  	_ =	shalt  }
0x64: {  	_ =	shalt  }
0x65: {  	_ =	shalt  }
0x66: {  	_ =	shalt  }
0x67: {  	_ =	shalt  }
0x68: {  	_ =	shalt  }
0x69: {  	_ =	shalt  }
0x6a: {  	_ =	shalt  }
0x6b: {  	_ =	shalt  }
0x6c: {  	_ =	shalt  }
0x6d: {  	_ =	shalt  }
0x6e: {  	_ =	shalt  }
0x6f: {  	_ =	shalt  }
0x70: {  	_ =	shalt  }
0x71: {  	_ =	shalt  }
0x72: {  	_ =	shalt  }
0x73: {  	_ =	shalt  }
0x74: {  	_ =	shalt  }
0x75: {  	_ =	shalt  }
0x76: {  	_ =	shalt  }
0x77: {  	_ =	shalt  }
0x78: {  	_ =	shalt  }
0x79: {  	_ =	shalt  }
0x7a: {  	_ =	shalt  }
0x7b: {  	_ =	shalt  }
0x7c: {  	_ =	shalt  }
0x7d: {  	_ =	shalt  }
0x7e: {  	_ =	shalt  }
0x7f: {  	_ =	shalt  }
0x80: {  	_ =	shalt  }
0x81: {  	_ =	shalt  }
0x82: {  	_ =	shalt  }
0x83: {  	_ =	shalt  }
0x84: {  	_ =	shalt  }
0x85: {  	_ =	shalt  }
0x86: {  	_ =	shalt  }
0x87: {  	_ =	shalt  }
.Lfunc_end0:
.L_simem_size_0:
called_computation.2_lowered:
.L_overlay_start_0:
0x88: {  	s2 =	sld [smem:$0x3FD9]  }
0x89: {  	s3 =	sld [smem:$0x3FFE];
	_ =	sdelay $0x1  }
0x8a: {  	s1 =	srdreg.scid  }
0x8b: {  	s0 =	sand.u32 $0x1, s1  }
0x8c: {  	s17 =	sshll.u32 s0, $0xA;
	s2 =	sadd.s32 s3, s2  }
0x8d: {  	s2 =	sadd.s32 s2, s17  }
0x8e: {  	[smem:$0x3FC3] =	sst s2  }
0x8f: {  	_ = 	snop  }
0x90: {  	s18 =	sld [smem:$0x3FC8]  }
0x91: {  	s4 =	sld [smem:$0x3FC5];
	(tm) =	ssettm $0x1  }
0x92: {  	s19 =	sld [smem:$0x3FFB];
	_ =	sdelay $0x3  }
0x93: {  	_ =	strace s19  }
0x94: {  	s2 =	sld [smem:$0x3FFC];
	_ =	sdelay $0x3  }
0x95: {  	_ =	strace s2  }
0x96: {  	s2 =	sld [smem:$0x3FFD];
	_ =	sdelay $0x3  }
0x97: {  	_ =	strace s2  }
0x98: {  	_ =	strace $0x8FFFFFFF  }
0x99: {  	s20 =	sld [smem:$0x3FDB];
	_ =	sdelay $0x1  }
0x9a: {  	s5 =	simm.s32 $_scs_section_size  }
0x9b: {  	s6 =	simm.s32 $_size__tile_overlayer_lowered;
	s7 =	simm.s32 $_tile_overlayer_lowered  }
0x9c: {  	s8 =	simm.s32 $0x1BFF;
	s21 =	sshll.u32 s7, $0x1;
	s5 =	sadd.s32 s5, s20  }
0x9d: {  	s22 =	simm.s32 $0x0;
	s6 =	sshll.u32 s6, $0x1;
	s7 =	sadd.s32 s21, s5  }
0x9e: {  	[timem:s22], [sflag:s8] =	dma.local [hbm:s7], s6  }
0x9f: {  	_ =	swait.ge [sflag:s8], s6  }
0xa0: {  	s6 =	ssub.s32 $0x0, s6;
	[sflag:s8] =	ssyncset.done $0x0  }
0xa1: {  	[sflag:s8] =	ssyncadd.s32 s6;
	_ =	sdelay $0x1  }
0xa2: {  	s23 =	simm.s32 $0x1B8B  }
0xa3: {  	_ =	swait.ge [sflag:s23], $0x1  }
0xa4: {  	[sflag:s23] =	ssyncset.done $0x0  }
0xa5: {  	[sflag:s23] =	ssyncadd.s32 $0xFFFFFFFF  }
0xa6: {  	s6 =	sld [smem:$0x0]  }
0xa7: {  	s7 =	sand.u32 $0xFFFFFFFE, s1  }
0xa8: {  	p0 =	sne.s32 s1, s7  }
0xa9: {  	s7 =	sshll.u32 @p0 s7, $0xE  }
0xaa: {  	s7 =	sadd.s32 @p0 $0x11B8D, s7;
	s8 =	sshll.u32 @p0 s6, $0x11  }
0xab: {  	s7 =	sor.u32 @p0 s8, s7  }
0xac: {  	[sflag:s7] =	ssyncadd.remote.s32 @p0 $0x1;
	_ =	sdelay $0x1  }
0xad: {  	s7 =	simm.s32 @p0 $0x1B8D  }
0xae: {  	_ =	swait.eq @p0 [sflag:s7], $0x1  }
0xaf: {  	[sflag:s7] =	ssyncadd.s32 @p0 $0xFFFFFFFF  }
0xb0: {  	s8 =	sshll.u32 @!p0 s1, $0xE  }
0xb1: {  	s8 =	sor.u32 @!p0 $0x4000, s8;
	s7 =	simm.s32 @!p0 $0x1B8D  }
0xb2: {  	s6 =	sshll.u32 @!p0 s6, $0x11;
	s8 =	sadd.s32 @!p0 $0x11B8D, s8;
	_ =	swait.eq @!p0 [sflag:s7], $0x1  }
0xb3: {  	s6 =	sor.u32 @!p0 s6, s8;
	[sflag:s7] =	ssyncadd.s32 @!p0 $0xFFFFFFFF  }
0xb4: {  	s25 =	simm.s32 $0x1B8E;
	s24 =	sld [smem:$0x3FFE];
	[sflag:s6] =	ssyncadd.remote.s32 @!p0 $0x1  }
0xb5: {  	s26 =	simm.s32 $execute0_lowered;
	[smem:$0x3FD2] =	sst s25  }
0xb6: {  	s7 =	sshll.u32 s26, $0x1;
	_ =	strace $0x8000004C;
	[dreg:$0x1] =	wrdreg $0xFFFFFFFF  }
0xb7: {  	s28 =	simm.s32 $_size_execute0_lowered;
	s5 =	sadd.s32 s5, s7;
	[dreg:$0x0] =	wrdreg $0x0  }
0xb8: {  	s7 =	sshll.u32 s28, $0x1;
	[dreg:$0x2] =	wrdreg s5  }
0xb9: {  	[dreg:$0x3] =	wrdreg s7  }
0xba: {  	[dreg:$0x4] =	wrdreg $0xC0  }
0xbb: {  	_ =	task [dreg:s22], $0x5FFFF  }
0xbc: {  	[dreg:$0x1] =	wrdreg $0xFFFFFFFF  }
0xbd: {  	[dreg:$0x0] =	wrdreg $0x60  }
0xbe: {  	[dreg:$0x2] =	wrdreg s18  }
0xbf: {  	[dreg:$0x3] =	wrdreg s4  }
0xc0: {  	[dreg:$0x4] =	wrdreg s24  }
0xc1: {  	[dreg:$0x5] =	wrdreg $0xA0000  }
0xc2: {  	[dreg:$0x6] =	wrdreg $0xB  }
0xc3: {  	_ =	task.clear_ibuf [dreg:s22], $0x7FFFF;
	_ =	strace $0x9000004C  }
0xc4: {  	s29 =	simm.s32 $0xB;
	_ =	strace $0x8000004E  }
0xc5: {  	_ =	swait.ge [sflag:s29], $0x1  }
0xc6: {  	[sflag:s29] =	ssyncadd.s32 $0xFFFFFFFF  }
0xc7: {  	_ =	strace $0x9000004E  }
0xc8: {  	_ =	sfence  }
0xc9: {  	s30 =	sld [smem:$0x0];
	_ =	sdelay $0x2  }
0xca: {  	s31 =	sshll.u32 s1, $0xD;
	s1 =	sshrl.u32 s1, $0x2  }
0xcb: {  	s4 =	sand.u32 $0x4000, s31;
	s1 =	sadd.s32 s1, s30  }
0xcc: {  	s0 =	sor.u32 s4, s0;
	s1 =	sshll.u32 s1, $0x11  }
0xcd: {  	s0 =	sor.u32 s1, s0  }
0xce: {  	s0 =	sadd.s32 $0x8F2B, s0  }
0xcf: {  	[sflag:s0] =	ssyncadd.remote.s32 $0x1  }
0xd0: {  	_ =	sfence.sel $0xFFFF  }
0xd1: {  	[dreg:$0x0] =	wrdreg $0xFFFFFFFF;
	(pc) =	sbr.abs _section_cstart, $3  }
0xd2: {  	[dreg:$0x1] =	wrdreg $0xFFFFFFFF  }
0xd3: {  	_ =	task.clear_ibuf [dreg:s22], $0x2FFFF;
	_ =	strace $0x9FFFFFFF  }
0xd4: {  	(tm) =	ssettm $0x7FFFFFFF  }
0xd5: {  	_ =	shalt  }
tec
execute0_lowered:
.L_overlay_start_1:
0x0: {  	(tag) =	ssettag $0x1  }
0x1: {  	s4 =	rddreg [dreg:$0x0]  }
0x2: {  	s0 =	srdreg.scid;
	s6 =	stileid.u32  }
0x3: {  	s3 =	rddreg [dreg:$0x1];
	s7 =	sand.u32 $0x1, s0;
	s31 =	sshll.u32 s6, $0x1  }
0x4: {  	s5 =	rddreg [dreg:$0x2];
	s8 =	sor.u32 s7, s31;
	s7 =	ssub.s32 $0x2, s7  }
0x5: {  	s2 =	rddreg [dreg:$0x3];
	s1 =	simm.s32 $0x0;
	s9 =	sshrl.u32 s7, $0x1  }
0x6: {  	s15 =	simm.s32 $0x1;
	s12 =	simm.s32 $0x5000;
	s7 =	ssub.s32 s7, s9  }
0x7: {  	s13 =	simm.s32 $0x2;
	s0 =	rddreg [dreg:$0x4];
	s9 =	smax.u32 s7, $0x1  }
0x8: {  	p1 =	por $0x0, $0x0;
	[smem:$0x7FF] =	sst s1;
	s19 =	sadd.s32 $0xFFFFFFFF, s9  }
0x9: {  	p0 =	sne.s32 s6, $0x0;
	s8 =	smul.u32 $0x5000, s8;
	p2 =	sne.s32 s19, $0x0  }
.Ltmp0:
0xa: {  	s6 =	simm.s32 $0x5;
	_ =	strace $0x8000004D;
	(pc) =	sbr.rel @!p2 .LBB2_3-.Ltmp0, $4  }
0xb: {  	s16 =	sshrl.u32 @!p0 s2, $0x3;
	s8 =	sshrl.u32 s8, $0x3;
	s7 =	simm.s32 $0x2800  }
0xc: {  	s10 =	sadd.s32 s8, s5;
	s4 =	sadd.s32 s4, s8;
	s8 =	simm.s32 $0x3  }
0xd: {  	s9 =	simm.s32 $0x4;
	s14 =	sadd.s32 $0x28000, s4;
	s11 =	sadd.s32 $0x28500, s4  }
0xe: {  	s5 =	sadd.s32 $0x16000, s10;
	s4 =	sadd.s32 $0x16500, s10;
	s10 =	simm.s32 $0x7800  }
0xf: {  	s17 =	simm.s32 @!p0 $0x1C06;
	s18 =	simm.s32 @!p0 $0x6  }
0x10: {  	[spmem:s16], [sflag:s17] =	dma.local @!p0 [hbm:s3], $0x1E850  }
0x11: {  	_ =	swait.ge @!p0 [sflag:s18], $0x1E850  }
0x12: {  	[sflag:s18] =	ssyncset.done @!p0 $0x0  }
0x13: {  	[sflag:s18] =	ssyncadd.s32 @!p0 $0xFFFE17B0  }
0x14: {  	[tilespmem:s1], [sflag:$0x1] =	stream.linear.gather [hbm4b:s14+s1], $0x2800, $0x38;
	[tilespmem:$0x19428] =	vst v63  }
0x15: {  	[bflag:$0x0] =	sbarrier.arrive $0xFFFF  }
0x16: {  	[tilespmem:s7], [sflag:$0x2] =	stream.linear.gather [hbm4b:s11+s1], $0x2800, $0x38;
	[tilespmem:$0x19428] =	vst v63  }
0x17: {  	_ =	swait.ge [sflag:s15], $0x2800  }
0x18: {  	[sflag:s15] =	ssyncset.done $0x0  }
0x19: {  	[sflag:s15] =	ssyncadd.s32 $0xFFFFD800  }
0x1a: {  	[tilespmem:s12], [sflag:$0x3] =	stream.indirect.gather [spmem:s2], $0x1, s1, s7, $0xb8;
	[tilespmem:$0x19428] =	vst v63  }
0x1b: {  	_ =	swait.ge [sflag:s8], $0x2800  }
0x1c: {  	[sflag:s8] =	ssyncset.done $0x0  }
0x1d: {  	[sflag:s8] =	ssyncadd.s32 $0xFFFFD800  }
0x1e: {  	[hbm4b:s5+s1] =	stream.linear.scatter [tilespmem:s12], [sflag:$0x4], $0x2800, $0x38;
	[tilespmem:$0x19428] =	vst v63  }
0x1f: {  	_ =	swait.ge [sflag:s13], $0x2800  }
0x20: {  	[sflag:s13] =	ssyncset.done $0x0  }
0x21: {  	[sflag:s13] =	ssyncadd.s32 $0xFFFFD800  }
0x22: {  	[tilespmem:s10], [sflag:$0x3] =	stream.indirect.gather [spmem:s2], $0x1, s7, s7, $0xb8;
	[tilespmem:$0x19428] =	vst v63  }
0x23: {  	_ =	swait.ge [sflag:s8], $0x2800  }
0x24: {  	s19 =	sadd.s32 $0xFFFFFFFF, s19;
	[sflag:s8] =	ssyncset.done $0x0  }
0x25: {  	p2 =	sne.s32 s19, $0x0;
	[sflag:s8] =	ssyncadd.s32 $0xFFFFD800  }
0x26: {  	[hbm4b:s4+s1] =	stream.linear.scatter [tilespmem:s10], [sflag:$0x5], $0x2800, $0x38;
	[tilespmem:$0x19428] =	vst v63  }
.Ltmp1:
0x27: {  	_ =	swait.ge [sflag:s9], $0x2800;
	(pc) =	sbr.rel @!p2 .LBB2_3-.Ltmp1, $4  }
0x28: {  	[sflag:s9] =	ssyncset.done $0x0  }
0x29: {  	[sflag:s9] =	ssyncadd.s32 $0xFFFFD800  }
0x2a: {  	_ =	swait.ge [sflag:s6], $0x2800  }
0x2b: {  	p1 =	por $0x1, $0x1;
	[sflag:s6] =	ssyncset.done $0x0  }
.LBB2_2:
0x2c: {  	[sflag:s6] =	ssyncadd.s32 $0xFFFFD800  }
0x2d: {  	[spmem:s16], [sflag:s17] =	dma.local @!p0 [hbm:s3], $0x1E850  }
0x2e: {  	s19 =	sadd.s32 $0xFFFFFFFF, s19;
	_ =	swait.ge @!p0 [sflag:s18], $0x1E850  }
0x2f: {  	p2 =	sne.s32 s19, $0x0;
	[sflag:s18] =	ssyncset.done @!p0 $0x0  }
0x30: {  	[sflag:s18] =	ssyncadd.s32 @!p0 $0xFFFE17B0  }
0x31: {  	[tilespmem:s1], [sflag:$0x1] =	stream.linear.gather [hbm4b:s14+s1], $0x2800, $0x38;
	[tilespmem:$0x19428] =	vst v63  }
0x32: {  	[bflag:$0x0] =	sbarrier.arrive $0xFFFF  }
0x33: {  	[tilespmem:s7], [sflag:$0x2] =	stream.linear.gather [hbm4b:s11+s1], $0x2800, $0x38;
	[tilespmem:$0x19428] =	vst v63  }
0x34: {  	_ =	swait.ge [sflag:s15], $0x2800  }
0x35: {  	[sflag:s15] =	ssyncset.done $0x0  }
0x36: {  	[sflag:s15] =	ssyncadd.s32 $0xFFFFD800  }
0x37: {  	[tilespmem:s12], [sflag:$0x3] =	stream.indirect.gather [spmem:s2], $0x1, s1, s7, $0xb8;
	[tilespmem:$0x19428] =	vst v63  }
0x38: {  	_ =	swait.ge [sflag:s8], $0x2800  }
0x39: {  	[sflag:s8] =	ssyncset.done $0x0  }
0x3a: {  	[sflag:s8] =	ssyncadd.s32 $0xFFFFD800  }
0x3b: {  	[hbm4b:s5+s1] =	stream.linear.scatter [tilespmem:s12], [sflag:$0x4], $0x2800, $0x38;
	[tilespmem:$0x19428] =	vst v63  }
0x3c: {  	_ =	swait.ge [sflag:s13], $0x2800  }
0x3d: {  	[sflag:s13] =	ssyncset.done $0x0  }
0x3e: {  	[sflag:s13] =	ssyncadd.s32 $0xFFFFD800  }
0x3f: {  	[tilespmem:s10], [sflag:$0x3] =	stream.indirect.gather [spmem:s2], $0x1, s7, s7, $0xb8;
	[tilespmem:$0x19428] =	vst v63  }
0x40: {  	_ =	swait.ge [sflag:s8], $0x2800  }
0x41: {  	[sflag:s8] =	ssyncset.done $0x0  }
0x42: {  	[sflag:s8] =	ssyncadd.s32 $0xFFFFD800  }
0x43: {  	[hbm4b:s4+s1] =	stream.linear.scatter [tilespmem:s10], [sflag:$0x5], $0x2800, $0x38;
	[tilespmem:$0x19428] =	vst v63  }
.Ltmp2:
0x44: {  	_ =	swait.ge [sflag:s9], $0x2800;
	(pc) =	sbr.rel @p2 .LBB2_2-.Ltmp2, $4  }
0x45: {  	[sflag:s9] =	ssyncset.done $0x0  }
0x46: {  	[sflag:s9] =	ssyncadd.s32 $0xFFFFD800  }
0x47: {  	_ =	swait.ge [sflag:s6], $0x2800  }
0x48: {  	[sflag:s6] =	ssyncset.done $0x0  }
.LBB2_3:
0x49: {  	s17 =	simm.s32 @!p0 $0x1C06;
	s18 =	simm.s32 @!p0 $0x6;
	[sflag:s6] =	ssyncadd.s32 @p1 $0xFFFFD800  }
0x4a: {  	[spmem:s16], [sflag:s17] =	dma.local @!p0 [hbm:s3], $0x1E850  }
0x4b: {  	_ =	swait.ge @!p0 [sflag:s18], $0x1E850  }
0x4c: {  	[sflag:s18] =	ssyncset.done @!p0 $0x0  }
0x4d: {  	[sflag:s18] =	ssyncadd.s32 @!p0 $0xFFFE17B0  }
0x4e: {  	[tilespmem:s1], [sflag:$0x1] =	stream.linear.gather [hbm4b:s14+s1], $0x2800, $0x38;
	[tilespmem:$0x19428] =	vst v63  }
0x4f: {  	[bflag:$0x0] =	sbarrier.arrive $0xFFFF  }
0x50: {  	[tilespmem:s7], [sflag:$0x2] =	stream.linear.gather [hbm4b:s11+s1], $0x2800, $0x38;
	[tilespmem:$0x19428] =	vst v63  }
0x51: {  	_ =	swait.ge [sflag:s15], $0x2800  }
0x52: {  	[sflag:s15] =	ssyncset.done $0x0  }
0x53: {  	[sflag:s15] =	ssyncadd.s32 $0xFFFFD800  }
0x54: {  	[tilespmem:s12], [sflag:$0x3] =	stream.indirect.gather [spmem:s2], $0x1, s1, s7, $0xb8;
	[tilespmem:$0x19428] =	vst v63  }
0x55: {  	_ =	swait.ge [sflag:s8], $0x2800  }
0x56: {  	[sflag:s8] =	ssyncset.done $0x0  }
0x57: {  	[sflag:s8] =	ssyncadd.s32 $0xFFFFD800  }
0x58: {  	[hbm4b:s5+s1] =	stream.linear.scatter [tilespmem:s12], [sflag:$0x4], $0x2800, $0x38;
	[tilespmem:$0x19428] =	vst v63  }
0x59: {  	_ =	swait.ge [sflag:s13], $0x2800  }
0x5a: {  	[sflag:s13] =	ssyncset.done $0x0  }
0x5b: {  	[sflag:s13] =	ssyncadd.s32 $0xFFFFD800  }
0x5c: {  	[tilespmem:s10], [sflag:$0x3] =	stream.indirect.gather [spmem:s2], $0x1, s7, s7, $0xb8;
	[tilespmem:$0x19428] =	vst v63  }
0x5d: {  	_ =	swait.ge [sflag:s8], $0x2800  }
0x5e: {  	[sflag:s8] =	ssyncset.done $0x0  }
0x5f: {  	[sflag:s8] =	ssyncadd.s32 $0xFFFFD800  }
0x60: {  	[hbm4b:s4+s1] =	stream.linear.scatter [tilespmem:s10], [sflag:$0x5], $0x2800, $0x38;
	[tilespmem:$0x19428] =	vst v63  }
0x61: {  	_ =	swait.ge [sflag:s9], $0x2800  }
0x62: {  	[sflag:s9] =	ssyncset.done $0x0  }
0x63: {  	[sflag:s9] =	ssyncadd.s32 $0xFFFFD800  }
0x64: {  	_ =	swait.ge [sflag:s6], $0x2800  }
0x65: {  	[sflag:s6] =	ssyncset.done $0x0  }
0x66: {  	[sflag:s6] =	ssyncadd.s32 $0xFFFFD800  }
0x67: {  	_ =	sfence.sel $0x180000  }
0x68: {  	[bflag:$0x0] =	sbarrier.arrive $0xFFFF  }
0x69: {  	_ =	strace $0x9000004D  }
0x6a: {  	s0 =	sadd.s32 @!p0 $0x100000, s0;
	[bflag:$0x2] =	sbarrier.arrive $0xFFFF  }
0x6b: {  	[sflag:s0] =	ssyncadd.tile.s32 @!p0 $0x1;
	_ =	shalt  }
.Lfunc_end2:
_tile_overlayer_lowered:
.L_overlay_start_2:
0x6c: {  	(tag) =	ssettag $0x2  }
0x6d: {  	s0 =	rddreg [dreg:$0x0];
	s2 =	stileid.u32  }
0x6e: {  	s1 =	rddreg [dreg:$0x1];
	p0 =	sne.s32 s2, $0x0  }
0x6f: {  	s3 =	rddreg [dreg:$0x2];
	[bflag:$0x3] =	sbarrier.arrive $0xFFFF;
	s2 =	simm.s32 @!p0 $0x1C06  }
0x70: {  	[timem:s3], [sflag:s2] =	dma.local @!p0 [hbm:s0], s1  }
0x71: {  	s0 =	simm.s32 @!p0 $0x6  }
0x72: {  	_ =	swait.ge @!p0 [sflag:s0], s1  }
0x73: {  	s1 =	ssub.s32 @!p0 $0x0, s1;
	[sflag:s0] =	ssyncset.done @!p0 $0x0  }
0x74: {  	[sflag:s0] =	ssyncadd.s32 @!p0 s1  }
0x75: {  	[bflag:$0x3] =	sbarrier.arrive $0xFFFF  }
0x76: {  	_ =	shalt  }

// kernel: kernel.21.cloned.1.call-start
scs
__scs_entry_jumppad:
0x0: {  	(pc) =	sbr.rel $0x88, $3  }
0x1: {  	(tag) =	ssettag $0x0;
	lr =	simm.s32 $0x1  }
0x2: {  	[smem:$0x3F9C] =	sst lr;
	_ =	strace $0xD0000000  }
0x3: {  	_ = 	snop  }
0x4: {  	_ = 	snop  }
0x5: {  	_ = 	snop  }
0x6: {  	_ = 	snop  }
0x7: {  	_ = 	snop  }
__scs_overlays_trampoline_lowered:
0x8: {  	[smem:$0x3FAB] =	sst s0  }
0x9: {  	[smem:$0x3FAC] =	sst s1  }
0xa: {  	[smem:$0x3FAD] =	sst s2  }
0xb: {  	[smem:$0x3FAE] =	sst s3  }
0xc: {  	[smem:$0x3FAF] =	sst s4  }
0xd: {  	[smem:$0x3FB0] =	sst s5  }
0xe: {  	[smem:$0x3FB1] =	sst s6  }
0xf: {  	[smem:$0x3FB2] =	sst s7  }
0x10: {  	[smem:$0x3FB3] =	sst s8  }
0x11: {  	[smem:$0x3FB4] =	sst s9;
	s0 =	simm.s32 @!p0 $0x0  }
0x12: {  	s1 =	sld [smem:$0x3F9A];
	s0 =	simm.s32 @p0 $0x1  }
0x13: {  	[smem:$0x3FB5] =	sst s0;
	s0 =	simm.s32 @!p1 $0x0  }
0x14: {  	s2 =	sld [smem:$0x3F99];
	s0 =	simm.s32 @p1 $0x1  }
0x15: {  	[smem:$0x3FB6] =	sst s0;
	s0 =	simm.s32 @!p2 $0x0  }
0x16: {  	s3 =	sld [smem:$0x3FDB];
	s0 =	simm.s32 @p2 $0x1  }
0x17: {  	s4 =	simm.s32 $0x1BF5;
	[smem:$0x3FB8] =	sst s0  }
0x18: {  	s0 =	sld [smem:$0x3F9B];
	_ =	swait.ge [sflag:s4], $0x0  }
0x19: {  	s7 =	sld [smem:$0x3F9C]  }
0x1a: {  	s8 =	sadd.s32 $0xFFFFE003, lr  }
0x1b: {  	s9 =	sadd.s32 $0xFFFFFEF7, lr;
	s5 =	simm.s32 $0xFFFFFFFF;
	p2 =	slt.u32 s8, $0xFFFFF086  }
0x1c: {  	p1 =	slt.u32 s9, $0xF7A;
	s5 =	simm.s32 @!p2 $0x0  }
0x1d: {  	s5 =	simm.s32 @p1 $0x1;
	p0 =	seq.s32 s7, s2  }
0x1e: {  	s7 =	smul.u32 @!p0 $0xF7A, s2;
	p2 =	seq.s32 @!p0 s5, $0x0  }
0x1f: {  	s9 =	smul.u32 $0xF7A, s1;
	s8 =	simm.s32 @!p0 $0x1BF5;
	p2 =	por !p2, p0  }
0x20: {  	[sflag:s8] =	ssyncset.s32 @!p0 $0xFFFFF086;
	s6 =	sadd.s32 @!p0 s3, s7;
	s7 =	simm.s32 @!p0 $0x108  }
0x21: {  	s3 =	sadd.s32 s3, s9;
	s6 =	sadd.s32 @!p0 $0x88, s6;
	s7 =	simm.s32 @p2 $0x1082  }
0x22: {  	[simem:s7], [sflag:s8] =	dma.local @!p0 [hbm:s6], $0xF7A  }
0x23: {  	s9 =	sor.u32 $0xD0000000, s2;
	s6 =	simm.s32 $0x108;
	_ =	swait.ge @!p0 [sflag:s8], $0x0  }
0x24: {  	s3 =	sadd.s32 $0x88, s3;
	s6 =	simm.s32 @!p1 $0x1082;
	[sflag:s4] =	ssyncset.s32 $0xFFFFF086  }
0x25: {  	[simem:s6], [sflag:s4] =	dma.local [hbm:s3], $0xF7A  }
0x26: {  	[smem:$0x3F9C] =	sst s1;
	(tag) =	ssettag s2;
	_ =	strace s9  }
0x27: {  	s1 =	sld [smem:$0x3FAC]  }
0x28: {  	s2 =	sld [smem:$0x3FAD]  }
0x29: {  	s4 =	sld [smem:$0x3FAF]  }
0x2a: {  	p0 =	seq.s32 s5, $0x0;
	s5 =	sld [smem:$0x3FB0]  }
0x2b: {  	s6 =	sld [smem:$0x3FB1]  }
0x2c: {  	s7 =	sld [smem:$0x3FB2]  }
0x2d: {  	s3 =	simm.s32 $0x108;
	s8 =	sld [smem:$0x3FB3]  }
0x2e: {  	s3 =	simm.s32 @!p0 $0x1082;
	s9 =	sld [smem:$0x3FB4]  }
0x2f: {  	lr =	sadd.s32 s0, s3;
	s0 =	sld [smem:$0x3FAB]  }
0x30: {  	s3 =	sld [smem:$0x3FAE]  }
0x31: {  	[smem:$0x3FB7] =	sst s10  }
0x32: {  	s10 =	sld [smem:$0x3FB5];
	_ =	sdelay $0x3  }
0x33: {  	p0 =	seq.s32 s10, $0x1;
	s10 =	sld [smem:$0x3FB7];
	_ =	sdelay $0x3  }
0x34: {  	[smem:$0x3FB7] =	sst s10  }
0x35: {  	s10 =	sld [smem:$0x3FB6];
	_ =	sdelay $0x3  }
0x36: {  	p1 =	seq.s32 s10, $0x1;
	s10 =	sld [smem:$0x3FB7];
	_ =	sdelay $0x3  }
0x37: {  	[smem:$0x3FB7] =	sst s10  }
0x38: {  	s10 =	sld [smem:$0x3FB8]  }
0x39: {  	_ = 	snop;
	(pc) =	sbr.ind lr, $3  }
0x3a: {  	_ = 	snop  }
0x3b: {  	_ = 	snop  }
0x3c: {  	p2 =	seq.s32 s10, $0x1;
	s10 =	sld [smem:$0x3FB7]  }
0x3d: {  	_ =	shalt  }
0x3e: {  	_ =	shalt  }
0x3f: {  	_ =	shalt  }
0x40: {  	_ =	shalt  }
0x41: {  	_ =	shalt  }
0x42: {  	_ =	shalt  }
0x43: {  	_ =	shalt  }
0x44: {  	_ =	shalt  }
0x45: {  	_ =	shalt  }
0x46: {  	_ =	shalt  }
0x47: {  	_ =	shalt  }
0x48: {  	_ =	shalt  }
0x49: {  	_ =	shalt  }
0x4a: {  	_ =	shalt  }
0x4b: {  	_ =	shalt  }
0x4c: {  	_ =	shalt  }
0x4d: {  	_ =	shalt  }
0x4e: {  	_ =	shalt  }
0x4f: {  	_ =	shalt  }
0x50: {  	_ =	shalt  }
0x51: {  	_ =	shalt  }
0x52: {  	_ =	shalt  }
0x53: {  	_ =	shalt  }
0x54: {  	_ =	shalt  }
0x55: {  	_ =	shalt  }
0x56: {  	_ =	shalt  }
0x57: {  	_ =	shalt  }
0x58: {  	_ =	shalt  }
0x59: {  	_ =	shalt  }
0x5a: {  	_ =	shalt  }
0x5b: {  	_ =	shalt  }
0x5c: {  	_ =	shalt  }
0x5d: {  	_ =	shalt  }
0x5e: {  	_ =	shalt  }
0x5f: {  	_ =	shalt  }
0x60: {  	_ =	shalt  }
0x61: {  	_ =	shalt  }
0x62: {  	_ =	shalt  }
0x63: {  	_ =	shalt  }
0x64: {  	_ =	shalt  }
0x65: {  	_ =	shalt  }
0x66: {  	_ =	shalt  }
0x67: {  	_ =	shalt  }
0x68: {  	_ =	shalt  }
0x69: {  	_ =	shalt  }
0x6a: {  	_ =	shalt  }
0x6b: {  	_ =	shalt  }
0x6c: {  	_ =	shalt  }
0x6d: {  	_ =	shalt  }
0x6e: {  	_ =	shalt  }
0x6f: {  	_ =	shalt  }
0x70: {  	_ =	shalt  }
0x71: {  	_ =	shalt  }
0x72: {  	_ =	shalt  }
0x73: {  	_ =	shalt  }
0x74: {  	_ =	shalt  }
0x75: {  	_ =	shalt  }
0x76: {  	_ =	shalt  }
0x77: {  	_ =	shalt  }
0x78: {  	_ =	shalt  }
0x79: {  	_ =	shalt  }
0x7a: {  	_ =	shalt  }
0x7b: {  	_ =	shalt  }
0x7c: {  	_ =	shalt  }
0x7d: {  	_ =	shalt  }
0x7e: {  	_ =	shalt  }
0x7f: {  	_ =	shalt  }
0x80: {  	_ =	shalt  }
0x81: {  	_ =	shalt  }
0x82: {  	_ =	shalt  }
0x83: {  	_ =	shalt  }
0x84: {  	_ =	shalt  }
0x85: {  	_ =	shalt  }
0x86: {  	_ =	shalt  }
0x87: {  	_ =	shalt  }
.Lfunc_end0:
.L_simem_size_0:
called_computation.3_lowered:
.L_overlay_start_0:
0x88: {  	s2 =	sld [smem:$0x3FD9]  }
0x89: {  	s3 =	sld [smem:$0x3FFE];
	_ =	sdelay $0x1  }
0x8a: {  	s1 =	srdreg.scid  }
0x8b: {  	s0 =	sand.u32 $0x1, s1  }
0x8c: {  	s17 =	sshll.u32 s0, $0xA;
	s2 =	sadd.s32 s3, s2  }
0x8d: {  	s2 =	sadd.s32 s2, s17  }
0x8e: {  	[smem:$0x3FC3] =	sst s2  }
0x8f: {  	_ = 	snop  }
0x90: {  	s18 =	sld [smem:$0x3FC8]  }
0x91: {  	s4 =	sld [smem:$0x3FC5];
	(tm) =	ssettm $0x1  }
0x92: {  	s19 =	sld [smem:$0x3FFB];
	_ =	sdelay $0x3  }
0x93: {  	_ =	strace s19  }
0x94: {  	s2 =	sld [smem:$0x3FFC];
	_ =	sdelay $0x3  }
0x95: {  	_ =	strace s2  }
0x96: {  	s2 =	sld [smem:$0x3FFD];
	_ =	sdelay $0x3  }
0x97: {  	_ =	strace s2  }
0x98: {  	_ =	strace $0x8FFFFFFF  }
0x99: {  	s20 =	sld [smem:$0x3FDB];
	_ =	sdelay $0x1  }
0x9a: {  	s5 =	simm.s32 $_scs_section_size  }
0x9b: {  	s6 =	simm.s32 $_size__tile_overlayer_lowered;
	s7 =	simm.s32 $_tile_overlayer_lowered  }
0x9c: {  	s8 =	simm.s32 $0x1BFF;
	s21 =	sshll.u32 s7, $0x1;
	s5 =	sadd.s32 s5, s20  }
0x9d: {  	s22 =	simm.s32 $0x0;
	s6 =	sshll.u32 s6, $0x1;
	s7 =	sadd.s32 s21, s5  }
0x9e: {  	[timem:s22], [sflag:s8] =	dma.local [hbm:s7], s6  }
0x9f: {  	_ =	swait.ge [sflag:s8], s6  }
0xa0: {  	s6 =	ssub.s32 $0x0, s6;
	[sflag:s8] =	ssyncset.done $0x0  }
0xa1: {  	[sflag:s8] =	ssyncadd.s32 s6;
	_ =	sdelay $0x1  }
0xa2: {  	s23 =	simm.s32 $0x1B8B  }
0xa3: {  	_ =	swait.ge [sflag:s23], $0x1  }
0xa4: {  	[sflag:s23] =	ssyncset.done $0x0  }
0xa5: {  	[sflag:s23] =	ssyncadd.s32 $0xFFFFFFFF  }
0xa6: {  	s6 =	sld [smem:$0x0]  }
0xa7: {  	s7 =	sand.u32 $0xFFFFFFFE, s1  }
0xa8: {  	p0 =	sne.s32 s1, s7  }
0xa9: {  	s7 =	sshll.u32 @p0 s7, $0xE  }
0xaa: {  	s7 =	sadd.s32 @p0 $0x11B8D, s7;
	s8 =	sshll.u32 @p0 s6, $0x11  }
0xab: {  	s7 =	sor.u32 @p0 s8, s7  }
0xac: {  	[sflag:s7] =	ssyncadd.remote.s32 @p0 $0x1;
	_ =	sdelay $0x1  }
0xad: {  	s7 =	simm.s32 @p0 $0x1B8D  }
0xae: {  	_ =	swait.eq @p0 [sflag:s7], $0x1  }
0xaf: {  	[sflag:s7] =	ssyncadd.s32 @p0 $0xFFFFFFFF  }
0xb0: {  	s8 =	sshll.u32 @!p0 s1, $0xE  }
0xb1: {  	s8 =	sor.u32 @!p0 $0x4000, s8;
	s7 =	simm.s32 @!p0 $0x1B8D  }
0xb2: {  	s6 =	sshll.u32 @!p0 s6, $0x11;
	s8 =	sadd.s32 @!p0 $0x11B8D, s8;
	_ =	swait.eq @!p0 [sflag:s7], $0x1  }
0xb3: {  	s6 =	sor.u32 @!p0 s6, s8;
	[sflag:s7] =	ssyncadd.s32 @!p0 $0xFFFFFFFF  }
0xb4: {  	s25 =	simm.s32 $0x1B8E;
	s24 =	sld [smem:$0x3FFE];
	[sflag:s6] =	ssyncadd.remote.s32 @!p0 $0x1  }
0xb5: {  	s26 =	simm.s32 $execute0_lowered;
	[smem:$0x3FD2] =	sst s25  }
0xb6: {  	s7 =	sshll.u32 s26, $0x1;
	_ =	strace $0x8000004F;
	[dreg:$0x1] =	wrdreg $0xFFFFFFFF  }
0xb7: {  	s28 =	simm.s32 $_size_execute0_lowered;
	s5 =	sadd.s32 s5, s7;
	[dreg:$0x0] =	wrdreg $0x0  }
0xb8: {  	s7 =	sshll.u32 s28, $0x1;
	[dreg:$0x2] =	wrdreg s5  }
0xb9: {  	[dreg:$0x3] =	wrdreg s7  }
0xba: {  	[dreg:$0x4] =	wrdreg $0xC0  }
0xbb: {  	_ =	task [dreg:s22], $0x5FFFF  }
0xbc: {  	[dreg:$0x1] =	wrdreg $0xFFFFFFFF  }
0xbd: {  	[dreg:$0x0] =	wrdreg $0x60  }
0xbe: {  	[dreg:$0x2] =	wrdreg s18  }
0xbf: {  	[dreg:$0x3] =	wrdreg s4  }
0xc0: {  	[dreg:$0x4] =	wrdreg s24  }
0xc1: {  	[dreg:$0x5] =	wrdreg $0xA0000  }
0xc2: {  	[dreg:$0x6] =	wrdreg $0xC  }
0xc3: {  	_ =	task.clear_ibuf [dreg:s22], $0x7FFFF;
	_ =	strace $0x9000004F  }
0xc4: {  	s29 =	simm.s32 $0xC;
	_ =	strace $0x80000051  }
0xc5: {  	_ =	swait.ge [sflag:s29], $0x1  }
0xc6: {  	[sflag:s29] =	ssyncadd.s32 $0xFFFFFFFF  }
0xc7: {  	_ =	strace $0x90000051  }
0xc8: {  	_ =	sfence  }
0xc9: {  	s30 =	sld [smem:$0x0];
	_ =	sdelay $0x2  }
0xca: {  	s31 =	sshll.u32 s1, $0xD;
	s1 =	sshrl.u32 s1, $0x2  }
0xcb: {  	s4 =	sand.u32 $0x4000, s31;
	s1 =	sadd.s32 s1, s30  }
0xcc: {  	s0 =	sor.u32 s4, s0;
	s1 =	sshll.u32 s1, $0x11  }
0xcd: {  	s0 =	sor.u32 s1, s0  }
0xce: {  	s0 =	sadd.s32 $0x8F2B, s0  }
0xcf: {  	[sflag:s0] =	ssyncadd.remote.s32 $0x1  }
0xd0: {  	_ =	sfence.sel $0xFFFF  }
0xd1: {  	[dreg:$0x0] =	wrdreg $0xFFFFFFFF;
	(pc) =	sbr.abs _section_cstart, $3  }
0xd2: {  	[dreg:$0x1] =	wrdreg $0xFFFFFFFF  }
0xd3: {  	_ =	task.clear_ibuf [dreg:s22], $0x2FFFF;
	_ =	strace $0x9FFFFFFF  }
0xd4: {  	(tm) =	ssettm $0x7FFFFFFF  }
0xd5: {  	_ =	shalt  }
tec
execute0_lowered:
.L_overlay_start_1:
0x0: {  	(tag) =	ssettag $0x1  }
0x1: {  	s4 =	rddreg [dreg:$0x0]  }
0x2: {  	s0 =	srdreg.scid;
	s6 =	stileid.u32  }
0x3: {  	s3 =	rddreg [dreg:$0x1];
	s7 =	sand.u32 $0x1, s0;
	s31 =	sshll.u32 s6, $0x1  }
0x4: {  	s5 =	rddreg [dreg:$0x2];
	s8 =	sor.u32 s7, s31;
	s7 =	ssub.s32 $0x2, s7  }
0x5: {  	s2 =	rddreg [dreg:$0x3];
	s1 =	simm.s32 $0x0;
	s9 =	sshrl.u32 s7, $0x1  }
0x6: {  	s15 =	simm.s32 $0x1;
	s12 =	simm.s32 $0x5000;
	s7 =	ssub.s32 s7, s9  }
0x7: {  	s13 =	simm.s32 $0x2;
	s0 =	rddreg [dreg:$0x4];
	s9 =	smax.u32 s7, $0x1  }
0x8: {  	p1 =	por $0x0, $0x0;
	[smem:$0x7FF] =	sst s1;
	s19 =	sadd.s32 $0xFFFFFFFF, s9  }
0x9: {  	p0 =	sne.s32 s6, $0x0;
	s8 =	smul.u32 $0x5000, s8;
	p2 =	sne.s32 s19, $0x0  }
.Ltmp0:
0xa: {  	s6 =	simm.s32 $0x5;
	_ =	strace $0x80000050;
	(pc) =	sbr.rel @!p2 .LBB2_3-.Ltmp0, $4  }
0xb: {  	s16 =	sshrl.u32 @!p0 s2, $0x3;
	s8 =	sshrl.u32 s8, $0x3;
	s7 =	simm.s32 $0x2800  }
0xc: {  	s10 =	sadd.s32 s8, s5;
	s4 =	sadd.s32 s4, s8;
	s8 =	simm.s32 $0x3  }
0xd: {  	s9 =	simm.s32 $0x4;
	s14 =	sadd.s32 $0x3C000, s4;
	s11 =	sadd.s32 $0x3C500, s4  }
0xe: {  	s5 =	sadd.s32 $0x2A000, s10;
	s4 =	sadd.s32 $0x2A500, s10;
	s10 =	simm.s32 $0x7800  }
0xf: {  	s17 =	simm.s32 @!p0 $0x1C06;
	s18 =	simm.s32 @!p0 $0x6  }
0x10: {  	[spmem:s16], [sflag:s17] =	dma.local @!p0 [hbm:s3], $0x1E850  }
0x11: {  	_ =	swait.ge @!p0 [sflag:s18], $0x1E850  }
0x12: {  	[sflag:s18] =	ssyncset.done @!p0 $0x0  }
0x13: {  	[sflag:s18] =	ssyncadd.s32 @!p0 $0xFFFE17B0  }
0x14: {  	[tilespmem:s1], [sflag:$0x1] =	stream.linear.gather [hbm4b:s14+s1], $0x2800, $0x38;
	[tilespmem:$0x19428] =	vst v63  }
0x15: {  	[bflag:$0x0] =	sbarrier.arrive $0xFFFF  }
0x16: {  	[tilespmem:s7], [sflag:$0x2] =	stream.linear.gather [hbm4b:s11+s1], $0x2800, $0x38;
	[tilespmem:$0x19428] =	vst v63  }
0x17: {  	_ =	swait.ge [sflag:s15], $0x2800  }
0x18: {  	[sflag:s15] =	ssyncset.done $0x0  }
0x19: {  	[sflag:s15] =	ssyncadd.s32 $0xFFFFD800  }
0x1a: {  	[tilespmem:s12], [sflag:$0x3] =	stream.indirect.gather [spmem:s2], $0x1, s1, s7, $0xb8;
	[tilespmem:$0x19428] =	vst v63  }
0x1b: {  	_ =	swait.ge [sflag:s8], $0x2800  }
0x1c: {  	[sflag:s8] =	ssyncset.done $0x0  }
0x1d: {  	[sflag:s8] =	ssyncadd.s32 $0xFFFFD800  }
0x1e: {  	[hbm4b:s5+s1] =	stream.linear.scatter [tilespmem:s12], [sflag:$0x4], $0x2800, $0x38;
	[tilespmem:$0x19428] =	vst v63  }
0x1f: {  	_ =	swait.ge [sflag:s13], $0x2800  }
0x20: {  	[sflag:s13] =	ssyncset.done $0x0  }
0x21: {  	[sflag:s13] =	ssyncadd.s32 $0xFFFFD800  }
0x22: {  	[tilespmem:s10], [sflag:$0x3] =	stream.indirect.gather [spmem:s2], $0x1, s7, s7, $0xb8;
	[tilespmem:$0x19428] =	vst v63  }
0x23: {  	_ =	swait.ge [sflag:s8], $0x2800  }
0x24: {  	s19 =	sadd.s32 $0xFFFFFFFF, s19;
	[sflag:s8] =	ssyncset.done $0x0  }
0x25: {  	p2 =	sne.s32 s19, $0x0;
	[sflag:s8] =	ssyncadd.s32 $0xFFFFD800  }
0x26: {  	[hbm4b:s4+s1] =	stream.linear.scatter [tilespmem:s10], [sflag:$0x5], $0x2800, $0x38;
	[tilespmem:$0x19428] =	vst v63  }
.Ltmp1:
0x27: {  	_ =	swait.ge [sflag:s9], $0x2800;
	(pc) =	sbr.rel @!p2 .LBB2_3-.Ltmp1, $4  }
0x28: {  	[sflag:s9] =	ssyncset.done $0x0  }
0x29: {  	[sflag:s9] =	ssyncadd.s32 $0xFFFFD800  }
0x2a: {  	_ =	swait.ge [sflag:s6], $0x2800  }
0x2b: {  	p1 =	por $0x1, $0x1;
	[sflag:s6] =	ssyncset.done $0x0  }
.LBB2_2:
0x2c: {  	[sflag:s6] =	ssyncadd.s32 $0xFFFFD800  }
0x2d: {  	[spmem:s16], [sflag:s17] =	dma.local @!p0 [hbm:s3], $0x1E850  }
0x2e: {  	s19 =	sadd.s32 $0xFFFFFFFF, s19;
	_ =	swait.ge @!p0 [sflag:s18], $0x1E850  }
0x2f: {  	p2 =	sne.s32 s19, $0x0;
	[sflag:s18] =	ssyncset.done @!p0 $0x0  }
0x30: {  	[sflag:s18] =	ssyncadd.s32 @!p0 $0xFFFE17B0  }
0x31: {  	[tilespmem:s1], [sflag:$0x1] =	stream.linear.gather [hbm4b:s14+s1], $0x2800, $0x38;
	[tilespmem:$0x19428] =	vst v63  }
0x32: {  	[bflag:$0x0] =	sbarrier.arrive $0xFFFF  }
0x33: {  	[tilespmem:s7], [sflag:$0x2] =	stream.linear.gather [hbm4b:s11+s1], $0x2800, $0x38;
	[tilespmem:$0x19428] =	vst v63  }
0x34: {  	_ =	swait.ge [sflag:s15], $0x2800  }
0x35: {  	[sflag:s15] =	ssyncset.done $0x0  }
0x36: {  	[sflag:s15] =	ssyncadd.s32 $0xFFFFD800  }
0x37: {  	[tilespmem:s12], [sflag:$0x3] =	stream.indirect.gather [spmem:s2], $0x1, s1, s7, $0xb8;
	[tilespmem:$0x19428] =	vst v63  }
0x38: {  	_ =	swait.ge [sflag:s8], $0x2800  }
0x39: {  	[sflag:s8] =	ssyncset.done $0x0  }
0x3a: {  	[sflag:s8] =	ssyncadd.s32 $0xFFFFD800  }
0x3b: {  	[hbm4b:s5+s1] =	stream.linear.scatter [tilespmem:s12], [sflag:$0x4], $0x2800, $0x38;
	[tilespmem:$0x19428] =	vst v63  }
0x3c: {  	_ =	swait.ge [sflag:s13], $0x2800  }
0x3d: {  	[sflag:s13] =	ssyncset.done $0x0  }
0x3e: {  	[sflag:s13] =	ssyncadd.s32 $0xFFFFD800  }
0x3f: {  	[tilespmem:s10], [sflag:$0x3] =	stream.indirect.gather [spmem:s2], $0x1, s7, s7, $0xb8;
	[tilespmem:$0x19428] =	vst v63  }
0x40: {  	_ =	swait.ge [sflag:s8], $0x2800  }
0x41: {  	[sflag:s8] =	ssyncset.done $0x0  }
0x42: {  	[sflag:s8] =	ssyncadd.s32 $0xFFFFD800  }
0x43: {  	[hbm4b:s4+s1] =	stream.linear.scatter [tilespmem:s10], [sflag:$0x5], $0x2800, $0x38;
	[tilespmem:$0x19428] =	vst v63  }
.Ltmp2:
0x44: {  	_ =	swait.ge [sflag:s9], $0x2800;
	(pc) =	sbr.rel @p2 .LBB2_2-.Ltmp2, $4  }
0x45: {  	[sflag:s9] =	ssyncset.done $0x0  }
0x46: {  	[sflag:s9] =	ssyncadd.s32 $0xFFFFD800  }
0x47: {  	_ =	swait.ge [sflag:s6], $0x2800  }
0x48: {  	[sflag:s6] =	ssyncset.done $0x0  }
.LBB2_3:
0x49: {  	s17 =	simm.s32 @!p0 $0x1C06;
	s18 =	simm.s32 @!p0 $0x6;
	[sflag:s6] =	ssyncadd.s32 @p1 $0xFFFFD800  }
0x4a: {  	[spmem:s16], [sflag:s17] =	dma.local @!p0 [hbm:s3], $0x1E850  }
0x4b: {  	_ =	swait.ge @!p0 [sflag:s18], $0x1E850  }
0x4c: {  	[sflag:s18] =	ssyncset.done @!p0 $0x0  }
0x4d: {  	[sflag:s18] =	ssyncadd.s32 @!p0 $0xFFFE17B0  }
0x4e: {  	[tilespmem:s1], [sflag:$0x1] =	stream.linear.gather [hbm4b:s14+s1], $0x2800, $0x38;
	[tilespmem:$0x19428] =	vst v63  }
0x4f: {  	[bflag:$0x0] =	sbarrier.arrive $0xFFFF  }
0x50: {  	[tilespmem:s7], [sflag:$0x2] =	stream.linear.gather [hbm4b:s11+s1], $0x2800, $0x38;
	[tilespmem:$0x19428] =	vst v63  }
0x51: {  	_ =	swait.ge [sflag:s15], $0x2800  }
0x52: {  	[sflag:s15] =	ssyncset.done $0x0  }
0x53: {  	[sflag:s15] =	ssyncadd.s32 $0xFFFFD800  }
0x54: {  	[tilespmem:s12], [sflag:$0x3] =	stream.indirect.gather [spmem:s2], $0x1, s1, s7, $0xb8;
	[tilespmem:$0x19428] =	vst v63  }
0x55: {  	_ =	swait.ge [sflag:s8], $0x2800  }
0x56: {  	[sflag:s8] =	ssyncset.done $0x0  }
0x57: {  	[sflag:s8] =	ssyncadd.s32 $0xFFFFD800  }
0x58: {  	[hbm4b:s5+s1] =	stream.linear.scatter [tilespmem:s12], [sflag:$0x4], $0x2800, $0x38;
	[tilespmem:$0x19428] =	vst v63  }
0x59: {  	_ =	swait.ge [sflag:s13], $0x2800  }
0x5a: {  	[sflag:s13] =	ssyncset.done $0x0  }
0x5b: {  	[sflag:s13] =	ssyncadd.s32 $0xFFFFD800  }
0x5c: {  	[tilespmem:s10], [sflag:$0x3] =	stream.indirect.gather [spmem:s2], $0x1, s7, s7, $0xb8;
	[tilespmem:$0x19428] =	vst v63  }
0x5d: {  	_ =	swait.ge [sflag:s8], $0x2800  }
0x5e: {  	[sflag:s8] =	ssyncset.done $0x0  }
0x5f: {  	[sflag:s8] =	ssyncadd.s32 $0xFFFFD800  }
0x60: {  	[hbm4b:s4+s1] =	stream.linear.scatter [tilespmem:s10], [sflag:$0x5], $0x2800, $0x38;
	[tilespmem:$0x19428] =	vst v63  }
0x61: {  	_ =	swait.ge [sflag:s9], $0x2800  }
0x62: {  	[sflag:s9] =	ssyncset.done $0x0  }
0x63: {  	[sflag:s9] =	ssyncadd.s32 $0xFFFFD800  }
0x64: {  	_ =	swait.ge [sflag:s6], $0x2800  }
0x65: {  	[sflag:s6] =	ssyncset.done $0x0  }
0x66: {  	[sflag:s6] =	ssyncadd.s32 $0xFFFFD800  }
0x67: {  	_ =	sfence.sel $0x180000  }
0x68: {  	[bflag:$0x0] =	sbarrier.arrive $0xFFFF  }
0x69: {  	_ =	strace $0x90000050  }
0x6a: {  	s0 =	sadd.s32 @!p0 $0x100000, s0;
	[bflag:$0x2] =	sbarrier.arrive $0xFFFF  }
0x6b: {  	[sflag:s0] =	ssyncadd.tile.s32 @!p0 $0x1;
	_ =	shalt  }
.Lfunc_end2:
_tile_overlayer_lowered:
.L_overlay_start_2:
0x6c: {  	(tag) =	ssettag $0x2  }
0x6d: {  	s0 =	rddreg [dreg:$0x0];
	s2 =	stileid.u32  }
0x6e: {  	s1 =	rddreg [dreg:$0x1];
	p0 =	sne.s32 s2, $0x0  }
0x6f: {  	s3 =	rddreg [dreg:$0x2];
	[bflag:$0x3] =	sbarrier.arrive $0xFFFF;
	s2 =	simm.s32 @!p0 $0x1C06  }
0x70: {  	[timem:s3], [sflag:s2] =	dma.local @!p0 [hbm:s0], s1  }
0x71: {  	s0 =	simm.s32 @!p0 $0x6  }
0x72: {  	_ =	swait.ge @!p0 [sflag:s0], s1  }
0x73: {  	s1 =	ssub.s32 @!p0 $0x0, s1;
	[sflag:s0] =	ssyncset.done @!p0 $0x0  }
0x74: {  	[sflag:s0] =	ssyncadd.s32 @!p0 s1  }
0x75: {  	[bflag:$0x3] =	sbarrier.arrive $0xFFFF  }
0x76: {  	_ =	shalt  }

// kernel: kernel.24.cloned.1.call-start
scs
__scs_entry_jumppad:
0x0: {  	(pc) =	sbr.rel $0x88, $3  }
0x1: {  	(tag) =	ssettag $0x0;
	lr =	simm.s32 $0x1  }
0x2: {  	[smem:$0x3F9C] =	sst lr;
	_ =	strace $0xD0000000  }
0x3: {  	_ = 	snop  }
0x4: {  	_ = 	snop  }
0x5: {  	_ = 	snop  }
0x6: {  	_ = 	snop  }
0x7: {  	_ = 	snop  }
__scs_overlays_trampoline_lowered:
0x8: {  	[smem:$0x3FAB] =	sst s0  }
0x9: {  	[smem:$0x3FAC] =	sst s1  }
0xa: {  	[smem:$0x3FAD] =	sst s2  }
0xb: {  	[smem:$0x3FAE] =	sst s3  }
0xc: {  	[smem:$0x3FAF] =	sst s4  }
0xd: {  	[smem:$0x3FB0] =	sst s5  }
0xe: {  	[smem:$0x3FB1] =	sst s6  }
0xf: {  	[smem:$0x3FB2] =	sst s7  }
0x10: {  	[smem:$0x3FB3] =	sst s8  }
0x11: {  	[smem:$0x3FB4] =	sst s9;
	s0 =	simm.s32 @!p0 $0x0  }
0x12: {  	s1 =	sld [smem:$0x3F9A];
	s0 =	simm.s32 @p0 $0x1  }
0x13: {  	[smem:$0x3FB5] =	sst s0;
	s0 =	simm.s32 @!p1 $0x0  }
0x14: {  	s2 =	sld [smem:$0x3F99];
	s0 =	simm.s32 @p1 $0x1  }
0x15: {  	[smem:$0x3FB6] =	sst s0;
	s0 =	simm.s32 @!p2 $0x0  }
0x16: {  	s3 =	sld [smem:$0x3FDB];
	s0 =	simm.s32 @p2 $0x1  }
0x17: {  	s4 =	simm.s32 $0x1BF5;
	[smem:$0x3FB8] =	sst s0  }
0x18: {  	s0 =	sld [smem:$0x3F9B];
	_ =	swait.ge [sflag:s4], $0x0  }
0x19: {  	s7 =	sld [smem:$0x3F9C]  }
0x1a: {  	s8 =	sadd.s32 $0xFFFFE003, lr  }
0x1b: {  	s9 =	sadd.s32 $0xFFFFFEF7, lr;
	s5 =	simm.s32 $0xFFFFFFFF;
	p2 =	slt.u32 s8, $0xFFFFF086  }
0x1c: {  	p1 =	slt.u32 s9, $0xF7A;
	s5 =	simm.s32 @!p2 $0x0  }
0x1d: {  	s5 =	simm.s32 @p1 $0x1;
	p0 =	seq.s32 s7, s2  }
0x1e: {  	s7 =	smul.u32 @!p0 $0xF7A, s2;
	p2 =	seq.s32 @!p0 s5, $0x0  }
0x1f: {  	s9 =	smul.u32 $0xF7A, s1;
	s8 =	simm.s32 @!p0 $0x1BF5;
	p2 =	por !p2, p0  }
0x20: {  	[sflag:s8] =	ssyncset.s32 @!p0 $0xFFFFF086;
	s6 =	sadd.s32 @!p0 s3, s7;
	s7 =	simm.s32 @!p0 $0x108  }
0x21: {  	s3 =	sadd.s32 s3, s9;
	s6 =	sadd.s32 @!p0 $0x88, s6;
	s7 =	simm.s32 @p2 $0x1082  }
0x22: {  	[simem:s7], [sflag:s8] =	dma.local @!p0 [hbm:s6], $0xF7A  }
0x23: {  	s9 =	sor.u32 $0xD0000000, s2;
	s6 =	simm.s32 $0x108;
	_ =	swait.ge @!p0 [sflag:s8], $0x0  }
0x24: {  	s3 =	sadd.s32 $0x88, s3;
	s6 =	simm.s32 @!p1 $0x1082;
	[sflag:s4] =	ssyncset.s32 $0xFFFFF086  }
0x25: {  	[simem:s6], [sflag:s4] =	dma.local [hbm:s3], $0xF7A  }
0x26: {  	[smem:$0x3F9C] =	sst s1;
	(tag) =	ssettag s2;
	_ =	strace s9  }
0x27: {  	s1 =	sld [smem:$0x3FAC]  }
0x28: {  	s2 =	sld [smem:$0x3FAD]  }
0x29: {  	s4 =	sld [smem:$0x3FAF]  }
0x2a: {  	p0 =	seq.s32 s5, $0x0;
	s5 =	sld [smem:$0x3FB0]  }
0x2b: {  	s6 =	sld [smem:$0x3FB1]  }
0x2c: {  	s7 =	sld [smem:$0x3FB2]  }
0x2d: {  	s3 =	simm.s32 $0x108;
	s8 =	sld [smem:$0x3FB3]  }
0x2e: {  	s3 =	simm.s32 @!p0 $0x1082;
	s9 =	sld [smem:$0x3FB4]  }
0x2f: {  	lr =	sadd.s32 s0, s3;
	s0 =	sld [smem:$0x3FAB]  }
0x30: {  	s3 =	sld [smem:$0x3FAE]  }
0x31: {  	[smem:$0x3FB7] =	sst s10  }
0x32: {  	s10 =	sld [smem:$0x3FB5];
	_ =	sdelay $0x3  }
0x33: {  	p0 =	seq.s32 s10, $0x1;
	s10 =	sld [smem:$0x3FB7];
	_ =	sdelay $0x3  }
0x34: {  	[smem:$0x3FB7] =	sst s10  }
0x35: {  	s10 =	sld [smem:$0x3FB6];
	_ =	sdelay $0x3  }
0x36: {  	p1 =	seq.s32 s10, $0x1;
	s10 =	sld [smem:$0x3FB7];
	_ =	sdelay $0x3  }
0x37: {  	[smem:$0x3FB7] =	sst s10  }
0x38: {  	s10 =	sld [smem:$0x3FB8]  }
0x39: {  	_ = 	snop;
	(pc) =	sbr.ind lr, $3  }
0x3a: {  	_ = 	snop  }
0x3b: {  	_ = 	snop  }
0x3c: {  	p2 =	seq.s32 s10, $0x1;
	s10 =	sld [smem:$0x3FB7]  }
0x3d: {  	_ =	shalt  }
0x3e: {  	_ =	shalt  }
0x3f: {  	_ =	shalt  }
0x40: {  	_ =	shalt  }
0x41: {  	_ =	shalt  }
0x42: {  	_ =	shalt  }
0x43: {  	_ =	shalt  }
0x44: {  	_ =	shalt  }
0x45: {  	_ =	shalt  }
0x46: {  	_ =	shalt  }
0x47: {  	_ =	shalt  }
0x48: {  	_ =	shalt  }
0x49: {  	_ =	shalt  }
0x4a: {  	_ =	shalt  }
0x4b: {  	_ =	shalt  }
0x4c: {  	_ =	shalt  }
0x4d: {  	_ =	shalt  }
0x4e: {  	_ =	shalt  }
0x4f: {  	_ =	shalt  }
0x50: {  	_ =	shalt  }
0x51: {  	_ =	shalt  }
0x52: {  	_ =	shalt  }
0x53: {  	_ =	shalt  }
0x54: {  	_ =	shalt  }
0x55: {  	_ =	shalt  }
0x56: {  	_ =	shalt  }
0x57: {  	_ =	shalt  }
0x58: {  	_ =	shalt  }
0x59: {  	_ =	shalt  }
0x5a: {  	_ =	shalt  }
0x5b: {  	_ =	shalt  }
0x5c: {  	_ =	shalt  }
0x5d: {  	_ =	shalt  }
0x5e: {  	_ =	shalt  }
0x5f: {  	_ =	shalt  }
0x60: {  	_ =	shalt  }
0x61: {  	_ =	shalt  }
0x62: {  	_ =	shalt  }
0x63: {  	_ =	shalt  }
0x64: {  	_ =	shalt  }
0x65: {  	_ =	shalt  }
0x66: {  	_ =	shalt  }
0x67: {  	_ =	shalt  }
0x68: {  	_ =	shalt  }
0x69: {  	_ =	shalt  }
0x6a: {  	_ =	shalt  }
0x6b: {  	_ =	shalt  }
0x6c: {  	_ =	shalt  }
0x6d: {  	_ =	shalt  }
0x6e: {  	_ =	shalt  }
0x6f: {  	_ =	shalt  }
0x70: {  	_ =	shalt  }
0x71: {  	_ =	shalt  }
0x72: {  	_ =	shalt  }
0x73: {  	_ =	shalt  }
0x74: {  	_ =	shalt  }
0x75: {  	_ =	shalt  }
0x76: {  	_ =	shalt  }
0x77: {  	_ =	shalt  }
0x78: {  	_ =	shalt  }
0x79: {  	_ =	shalt  }
0x7a: {  	_ =	shalt  }
0x7b: {  	_ =	shalt  }
0x7c: {  	_ =	shalt  }
0x7d: {  	_ =	shalt  }
0x7e: {  	_ =	shalt  }
0x7f: {  	_ =	shalt  }
0x80: {  	_ =	shalt  }
0x81: {  	_ =	shalt  }
0x82: {  	_ =	shalt  }
0x83: {  	_ =	shalt  }
0x84: {  	_ =	shalt  }
0x85: {  	_ =	shalt  }
0x86: {  	_ =	shalt  }
0x87: {  	_ =	shalt  }
.Lfunc_end0:
.L_simem_size_0:
called_computation.4_lowered:
.L_overlay_start_0:
0x88: {  	s2 =	sld [smem:$0x3FD9]  }
0x89: {  	s3 =	sld [smem:$0x3FFE];
	_ =	sdelay $0x1  }
0x8a: {  	s1 =	srdreg.scid  }
0x8b: {  	s0 =	sand.u32 $0x1, s1  }
0x8c: {  	s17 =	sshll.u32 s0, $0xA;
	s2 =	sadd.s32 s3, s2  }
0x8d: {  	s2 =	sadd.s32 s2, s17  }
0x8e: {  	[smem:$0x3FC3] =	sst s2  }
0x8f: {  	_ = 	snop  }
0x90: {  	s18 =	sld [smem:$0x3FC8]  }
0x91: {  	s4 =	sld [smem:$0x3FC5];
	(tm) =	ssettm $0x1  }
0x92: {  	s19 =	sld [smem:$0x3FFB];
	_ =	sdelay $0x3  }
0x93: {  	_ =	strace s19  }
0x94: {  	s2 =	sld [smem:$0x3FFC];
	_ =	sdelay $0x3  }
0x95: {  	_ =	strace s2  }
0x96: {  	s2 =	sld [smem:$0x3FFD];
	_ =	sdelay $0x3  }
0x97: {  	_ =	strace s2  }
0x98: {  	_ =	strace $0x8FFFFFFF  }
0x99: {  	s20 =	sld [smem:$0x3FDB];
	_ =	sdelay $0x1  }
0x9a: {  	s5 =	simm.s32 $_scs_section_size  }
0x9b: {  	s6 =	simm.s32 $_size__tile_overlayer_lowered;
	s7 =	simm.s32 $_tile_overlayer_lowered  }
0x9c: {  	s8 =	simm.s32 $0x1BFF;
	s21 =	sshll.u32 s7, $0x1;
	s5 =	sadd.s32 s5, s20  }
0x9d: {  	s22 =	simm.s32 $0x0;
	s6 =	sshll.u32 s6, $0x1;
	s7 =	sadd.s32 s21, s5  }
0x9e: {  	[timem:s22], [sflag:s8] =	dma.local [hbm:s7], s6  }
0x9f: {  	_ =	swait.ge [sflag:s8], s6  }
0xa0: {  	s6 =	ssub.s32 $0x0, s6;
	[sflag:s8] =	ssyncset.done $0x0  }
0xa1: {  	[sflag:s8] =	ssyncadd.s32 s6;
	_ =	sdelay $0x1  }
0xa2: {  	s23 =	simm.s32 $0x1B8B  }
0xa3: {  	_ =	swait.ge [sflag:s23], $0x1  }
0xa4: {  	[sflag:s23] =	ssyncset.done $0x0  }
0xa5: {  	[sflag:s23] =	ssyncadd.s32 $0xFFFFFFFF  }
0xa6: {  	s6 =	sld [smem:$0x0]  }
0xa7: {  	s7 =	sand.u32 $0xFFFFFFFE, s1  }
0xa8: {  	p0 =	sne.s32 s1, s7  }
0xa9: {  	s7 =	sshll.u32 @p0 s7, $0xE  }
0xaa: {  	s7 =	sadd.s32 @p0 $0x11B8D, s7;
	s8 =	sshll.u32 @p0 s6, $0x11  }
0xab: {  	s7 =	sor.u32 @p0 s8, s7  }
0xac: {  	[sflag:s7] =	ssyncadd.remote.s32 @p0 $0x1;
	_ =	sdelay $0x1  }
0xad: {  	s7 =	simm.s32 @p0 $0x1B8D  }
0xae: {  	_ =	swait.eq @p0 [sflag:s7], $0x1  }
0xaf: {  	[sflag:s7] =	ssyncadd.s32 @p0 $0xFFFFFFFF  }
0xb0: {  	s8 =	sshll.u32 @!p0 s1, $0xE  }
0xb1: {  	s8 =	sor.u32 @!p0 $0x4000, s8;
	s7 =	simm.s32 @!p0 $0x1B8D  }
0xb2: {  	s6 =	sshll.u32 @!p0 s6, $0x11;
	s8 =	sadd.s32 @!p0 $0x11B8D, s8;
	_ =	swait.eq @!p0 [sflag:s7], $0x1  }
0xb3: {  	s6 =	sor.u32 @!p0 s6, s8;
	[sflag:s7] =	ssyncadd.s32 @!p0 $0xFFFFFFFF  }
0xb4: {  	s25 =	simm.s32 $0x1B8E;
	s24 =	sld [smem:$0x3FFE];
	[sflag:s6] =	ssyncadd.remote.s32 @!p0 $0x1  }
0xb5: {  	s26 =	simm.s32 $execute0_lowered;
	[smem:$0x3FD2] =	sst s25  }
0xb6: {  	s7 =	sshll.u32 s26, $0x1;
	_ =	strace $0x80000052;
	[dreg:$0x1] =	wrdreg $0xFFFFFFFF  }
0xb7: {  	s28 =	simm.s32 $_size_execute0_lowered;
	s5 =	sadd.s32 s5, s7;
	[dreg:$0x0] =	wrdreg $0x0  }
0xb8: {  	s7 =	sshll.u32 s28, $0x1;
	[dreg:$0x2] =	wrdreg s5  }
0xb9: {  	[dreg:$0x3] =	wrdreg s7  }
0xba: {  	[dreg:$0x4] =	wrdreg $0xC0  }
0xbb: {  	_ =	task [dreg:s22], $0x5FFFF  }
0xbc: {  	[dreg:$0x1] =	wrdreg $0xFFFFFFFF  }
0xbd: {  	[dreg:$0x0] =	wrdreg $0x60  }
0xbe: {  	[dreg:$0x2] =	wrdreg s18  }
0xbf: {  	[dreg:$0x3] =	wrdreg s4  }
0xc0: {  	[dreg:$0x4] =	wrdreg s24  }
0xc1: {  	[dreg:$0x5] =	wrdreg $0xA0000  }
0xc2: {  	[dreg:$0x6] =	wrdreg $0xD  }
0xc3: {  	_ =	task.clear_ibuf [dreg:s22], $0x7FFFF;
	_ =	strace $0x90000052  }
0xc4: {  	s29 =	simm.s32 $0xD;
	_ =	strace $0x80000054  }
0xc5: {  	_ =	swait.ge [sflag:s29], $0x1  }
0xc6: {  	[sflag:s29] =	ssyncadd.s32 $0xFFFFFFFF  }
0xc7: {  	_ =	strace $0x90000054  }
0xc8: {  	_ =	sfence  }
0xc9: {  	s30 =	sld [smem:$0x0];
	_ =	sdelay $0x2  }
0xca: {  	s31 =	sshll.u32 s1, $0xD;
	s1 =	sshrl.u32 s1, $0x2  }
0xcb: {  	s4 =	sand.u32 $0x4000, s31;
	s1 =	sadd.s32 s1, s30  }
0xcc: {  	s0 =	sor.u32 s4, s0;
	s1 =	sshll.u32 s1, $0x11  }
0xcd: {  	s0 =	sor.u32 s1, s0  }
0xce: {  	s0 =	sadd.s32 $0x8F2B, s0  }
0xcf: {  	[sflag:s0] =	ssyncadd.remote.s32 $0x1  }
0xd0: {  	_ =	sfence.sel $0xFFFF  }
0xd1: {  	[dreg:$0x0] =	wrdreg $0xFFFFFFFF;
	(pc) =	sbr.abs _section_cstart, $3  }
0xd2: {  	[dreg:$0x1] =	wrdreg $0xFFFFFFFF  }
0xd3: {  	_ =	task.clear_ibuf [dreg:s22], $0x2FFFF;
	_ =	strace $0x9FFFFFFF  }
0xd4: {  	(tm) =	ssettm $0x7FFFFFFF  }
0xd5: {  	_ =	shalt  }
tec
execute0_lowered:
.L_overlay_start_1:
0x0: {  	(tag) =	ssettag $0x1  }
0x1: {  	s4 =	rddreg [dreg:$0x0]  }
0x2: {  	s0 =	srdreg.scid;
	s6 =	stileid.u32  }
0x3: {  	s3 =	rddreg [dreg:$0x1];
	s7 =	sand.u32 $0x1, s0;
	s31 =	sshll.u32 s6, $0x1  }
0x4: {  	s5 =	rddreg [dreg:$0x2];
	s8 =	sor.u32 s7, s31;
	s7 =	ssub.s32 $0x2, s7  }
0x5: {  	s2 =	rddreg [dreg:$0x3];
	s1 =	simm.s32 $0x0;
	s9 =	sshrl.u32 s7, $0x1  }
0x6: {  	s15 =	simm.s32 $0x1;
	s12 =	simm.s32 $0x5000;
	s7 =	ssub.s32 s7, s9  }
0x7: {  	s13 =	simm.s32 $0x2;
	s0 =	rddreg [dreg:$0x4];
	s9 =	smax.u32 s7, $0x1  }
0x8: {  	p1 =	por $0x0, $0x0;
	[smem:$0x7FF] =	sst s1;
	s19 =	sadd.s32 $0xFFFFFFFF, s9  }
0x9: {  	p0 =	sne.s32 s6, $0x0;
	s8 =	smul.u32 $0x5000, s8;
	p2 =	sne.s32 s19, $0x0  }
.Ltmp0:
0xa: {  	s6 =	simm.s32 $0x5;
	_ =	strace $0x80000053;
	(pc) =	sbr.rel @!p2 .LBB2_3-.Ltmp0, $4  }
0xb: {  	s16 =	sshrl.u32 @!p0 s2, $0x3;
	s8 =	sshrl.u32 s8, $0x3;
	s7 =	simm.s32 $0x2800  }
0xc: {  	s10 =	sadd.s32 s8, s5;
	s4 =	sadd.s32 s4, s8;
	s8 =	simm.s32 $0x3  }
0xd: {  	s9 =	simm.s32 $0x4;
	s14 =	sadd.s32 $0x50000, s4;
	s11 =	sadd.s32 $0x50500, s4  }
0xe: {  	s5 =	sadd.s32 $0x3E000, s10;
	s4 =	sadd.s32 $0x3E500, s10;
	s10 =	simm.s32 $0x7800  }
0xf: {  	s17 =	simm.s32 @!p0 $0x1C06;
	s18 =	simm.s32 @!p0 $0x6  }
0x10: {  	[spmem:s16], [sflag:s17] =	dma.local @!p0 [hbm:s3], $0x1E850  }
0x11: {  	_ =	swait.ge @!p0 [sflag:s18], $0x1E850  }
0x12: {  	[sflag:s18] =	ssyncset.done @!p0 $0x0  }
0x13: {  	[sflag:s18] =	ssyncadd.s32 @!p0 $0xFFFE17B0  }
0x14: {  	[tilespmem:s1], [sflag:$0x1] =	stream.linear.gather [hbm4b:s14+s1], $0x2800, $0x38;
	[tilespmem:$0x19428] =	vst v63  }
0x15: {  	[bflag:$0x0] =	sbarrier.arrive $0xFFFF  }
0x16: {  	[tilespmem:s7], [sflag:$0x2] =	stream.linear.gather [hbm4b:s11+s1], $0x2800, $0x38;
	[tilespmem:$0x19428] =	vst v63  }
0x17: {  	_ =	swait.ge [sflag:s15], $0x2800  }
0x18: {  	[sflag:s15] =	ssyncset.done $0x0  }
0x19: {  	[sflag:s15] =	ssyncadd.s32 $0xFFFFD800  }
0x1a: {  	[tilespmem:s12], [sflag:$0x3] =	stream.indirect.gather [spmem:s2], $0x1, s1, s7, $0xb8;
	[tilespmem:$0x19428] =	vst v63  }
0x1b: {  	_ =	swait.ge [sflag:s8], $0x2800  }
0x1c: {  	[sflag:s8] =	ssyncset.done $0x0  }
0x1d: {  	[sflag:s8] =	ssyncadd.s32 $0xFFFFD800  }
0x1e: {  	[hbm4b:s5+s1] =	stream.linear.scatter [tilespmem:s12], [sflag:$0x4], $0x2800, $0x38;
	[tilespmem:$0x19428] =	vst v63  }
0x1f: {  	_ =	swait.ge [sflag:s13], $0x2800  }
0x20: {  	[sflag:s13] =	ssyncset.done $0x0  }
0x21: {  	[sflag:s13] =	ssyncadd.s32 $0xFFFFD800  }
0x22: {  	[tilespmem:s10], [sflag:$0x3] =	stream.indirect.gather [spmem:s2], $0x1, s7, s7, $0xb8;
	[tilespmem:$0x19428] =	vst v63  }
0x23: {  	_ =	swait.ge [sflag:s8], $0x2800  }
0x24: {  	s19 =	sadd.s32 $0xFFFFFFFF, s19;
	[sflag:s8] =	ssyncset.done $0x0  }
0x25: {  	p2 =	sne.s32 s19, $0x0;
	[sflag:s8] =	ssyncadd.s32 $0xFFFFD800  }
0x26: {  	[hbm4b:s4+s1] =	stream.linear.scatter [tilespmem:s10], [sflag:$0x5], $0x2800, $0x38;
	[tilespmem:$0x19428] =	vst v63  }
.Ltmp1:
0x27: {  	_ =	swait.ge [sflag:s9], $0x2800;
	(pc) =	sbr.rel @!p2 .LBB2_3-.Ltmp1, $4  }
0x28: {  	[sflag:s9] =	ssyncset.done $0x0  }
0x29: {  	[sflag:s9] =	ssyncadd.s32 $0xFFFFD800  }
0x2a: {  	_ =	swait.ge [sflag:s6], $0x2800  }
0x2b: {  	p1 =	por $0x1, $0x1;
	[sflag:s6] =	ssyncset.done $0x0  }
.LBB2_2:
0x2c: {  	[sflag:s6] =	ssyncadd.s32 $0xFFFFD800  }
0x2d: {  	[spmem:s16], [sflag:s17] =	dma.local @!p0 [hbm:s3], $0x1E850  }
0x2e: {  	s19 =	sadd.s32 $0xFFFFFFFF, s19;
	_ =	swait.ge @!p0 [sflag:s18], $0x1E850  }
0x2f: {  	p2 =	sne.s32 s19, $0x0;
	[sflag:s18] =	ssyncset.done @!p0 $0x0  }
0x30: {  	[sflag:s18] =	ssyncadd.s32 @!p0 $0xFFFE17B0  }
0x31: {  	[tilespmem:s1], [sflag:$0x1] =	stream.linear.gather [hbm4b:s14+s1], $0x2800, $0x38;
	[tilespmem:$0x19428] =	vst v63  }
0x32: {  	[bflag:$0x0] =	sbarrier.arrive $0xFFFF  }
0x33: {  	[tilespmem:s7], [sflag:$0x2] =	stream.linear.gather [hbm4b:s11+s1], $0x2800, $0x38;
	[tilespmem:$0x19428] =	vst v63  }
0x34: {  	_ =	swait.ge [sflag:s15], $0x2800  }
0x35: {  	[sflag:s15] =	ssyncset.done $0x0  }
0x36: {  	[sflag:s15] =	ssyncadd.s32 $0xFFFFD800  }
0x37: {  	[tilespmem:s12], [sflag:$0x3] =	stream.indirect.gather [spmem:s2], $0x1, s1, s7, $0xb8;
	[tilespmem:$0x19428] =	vst v63  }
0x38: {  	_ =	swait.ge [sflag:s8], $0x2800  }
0x39: {  	[sflag:s8] =	ssyncset.done $0x0  }
0x3a: {  	[sflag:s8] =	ssyncadd.s32 $0xFFFFD800  }
0x3b: {  	[hbm4b:s5+s1] =	stream.linear.scatter [tilespmem:s12], [sflag:$0x4], $0x2800, $0x38;
	[tilespmem:$0x19428] =	vst v63  }
0x3c: {  	_ =	swait.ge [sflag:s13], $0x2800  }
0x3d: {  	[sflag:s13] =	ssyncset.done $0x0  }
0x3e: {  	[sflag:s13] =	ssyncadd.s32 $0xFFFFD800  }
0x3f: {  	[tilespmem:s10], [sflag:$0x3] =	stream.indirect.gather [spmem:s2], $0x1, s7, s7, $0xb8;
	[tilespmem:$0x19428] =	vst v63  }
0x40: {  	_ =	swait.ge [sflag:s8], $0x2800  }
0x41: {  	[sflag:s8] =	ssyncset.done $0x0  }
0x42: {  	[sflag:s8] =	ssyncadd.s32 $0xFFFFD800  }
0x43: {  	[hbm4b:s4+s1] =	stream.linear.scatter [tilespmem:s10], [sflag:$0x5], $0x2800, $0x38;
	[tilespmem:$0x19428] =	vst v63  }
.Ltmp2:
0x44: {  	_ =	swait.ge [sflag:s9], $0x2800;
	(pc) =	sbr.rel @p2 .LBB2_2-.Ltmp2, $4  }
0x45: {  	[sflag:s9] =	ssyncset.done $0x0  }
0x46: {  	[sflag:s9] =	ssyncadd.s32 $0xFFFFD800  }
0x47: {  	_ =	swait.ge [sflag:s6], $0x2800  }
0x48: {  	[sflag:s6] =	ssyncset.done $0x0  }
.LBB2_3:
0x49: {  	s17 =	simm.s32 @!p0 $0x1C06;
	s18 =	simm.s32 @!p0 $0x6;
	[sflag:s6] =	ssyncadd.s32 @p1 $0xFFFFD800  }
0x4a: {  	[spmem:s16], [sflag:s17] =	dma.local @!p0 [hbm:s3], $0x1E850  }
0x4b: {  	_ =	swait.ge @!p0 [sflag:s18], $0x1E850  }
0x4c: {  	[sflag:s18] =	ssyncset.done @!p0 $0x0  }
0x4d: {  	[sflag:s18] =	ssyncadd.s32 @!p0 $0xFFFE17B0  }
0x4e: {  	[tilespmem:s1], [sflag:$0x1] =	stream.linear.gather [hbm4b:s14+s1], $0x2800, $0x38;
	[tilespmem:$0x19428] =	vst v63  }
0x4f: {  	[bflag:$0x0] =	sbarrier.arrive $0xFFFF  }
0x50: {  	[tilespmem:s7], [sflag:$0x2] =	stream.linear.gather [hbm4b:s11+s1], $0x2800, $0x38;
	[tilespmem:$0x19428] =	vst v63  }
0x51: {  	_ =	swait.ge [sflag:s15], $0x2800  }
0x52: {  	[sflag:s15] =	ssyncset.done $0x0  }
0x53: {  	[sflag:s15] =	ssyncadd.s32 $0xFFFFD800  }
0x54: {  	[tilespmem:s12], [sflag:$0x3] =	stream.indirect.gather [spmem:s2], $0x1, s1, s7, $0xb8;
	[tilespmem:$0x19428] =	vst v63  }
0x55: {  	_ =	swait.ge [sflag:s8], $0x2800  }
0x56: {  	[sflag:s8] =	ssyncset.done $0x0  }
0x57: {  	[sflag:s8] =	ssyncadd.s32 $0xFFFFD800  }
0x58: {  	[hbm4b:s5+s1] =	stream.linear.scatter [tilespmem:s12], [sflag:$0x4], $0x2800, $0x38;
	[tilespmem:$0x19428] =	vst v63  }
0x59: {  	_ =	swait.ge [sflag:s13], $0x2800  }
0x5a: {  	[sflag:s13] =	ssyncset.done $0x0  }
0x5b: {  	[sflag:s13] =	ssyncadd.s32 $0xFFFFD800  }
0x5c: {  	[tilespmem:s10], [sflag:$0x3] =	stream.indirect.gather [spmem:s2], $0x1, s7, s7, $0xb8;
	[tilespmem:$0x19428] =	vst v63  }
0x5d: {  	_ =	swait.ge [sflag:s8], $0x2800  }
0x5e: {  	[sflag:s8] =	ssyncset.done $0x0  }
0x5f: {  	[sflag:s8] =	ssyncadd.s32 $0xFFFFD800  }
0x60: {  	[hbm4b:s4+s1] =	stream.linear.scatter [tilespmem:s10], [sflag:$0x5], $0x2800, $0x38;
	[tilespmem:$0x19428] =	vst v63  }
0x61: {  	_ =	swait.ge [sflag:s9], $0x2800  }
0x62: {  	[sflag:s9] =	ssyncset.done $0x0  }
0x63: {  	[sflag:s9] =	ssyncadd.s32 $0xFFFFD800  }
0x64: {  	_ =	swait.ge [sflag:s6], $0x2800  }
0x65: {  	[sflag:s6] =	ssyncset.done $0x0  }
0x66: {  	[sflag:s6] =	ssyncadd.s32 $0xFFFFD800  }
0x67: {  	_ =	sfence.sel $0x180000  }
0x68: {  	[bflag:$0x0] =	sbarrier.arrive $0xFFFF  }
0x69: {  	_ =	strace $0x90000053  }
0x6a: {  	s0 =	sadd.s32 @!p0 $0x100000, s0;
	[bflag:$0x2] =	sbarrier.arrive $0xFFFF  }
0x6b: {  	[sflag:s0] =	ssyncadd.tile.s32 @!p0 $0x1;
	_ =	shalt  }
.Lfunc_end2:
_tile_overlayer_lowered:
.L_overlay_start_2:
0x6c: {  	(tag) =	ssettag $0x2  }
0x6d: {  	s0 =	rddreg [dreg:$0x0];
	s2 =	stileid.u32  }
0x6e: {  	s1 =	rddreg [dreg:$0x1];
	p0 =	sne.s32 s2, $0x0  }
0x6f: {  	s3 =	rddreg [dreg:$0x2];
	[bflag:$0x3] =	sbarrier.arrive $0xFFFF;
	s2 =	simm.s32 @!p0 $0x1C06  }
0x70: {  	[timem:s3], [sflag:s2] =	dma.local @!p0 [hbm:s0], s1  }
0x71: {  	s0 =	simm.s32 @!p0 $0x6  }
0x72: {  	_ =	swait.ge @!p0 [sflag:s0], s1  }
0x73: {  	s1 =	ssub.s32 @!p0 $0x0, s1;
	[sflag:s0] =	ssyncset.done @!p0 $0x0  }
0x74: {  	[sflag:s0] =	ssyncadd.s32 @!p0 s1  }
0x75: {  	[bflag:$0x3] =	sbarrier.arrive $0xFFFF  }
0x76: {  	_ =	shalt  }

</sc_bundles>
